<compile_context>
chip_gen: v7x
topology: tpu7x:2x2x1
jax: 0.10.2.dev20260603
libtpu: 0.0.44.dev20260713+nightly
codegen_flags: <defaults>
</compile_context>

<pallas_src>
import functools

import jax
import jax.numpy as jnp
import numpy as np
from jax import lax
from jax.experimental import pallas as pl
from jax.experimental.pallas import tpu as pltpu
from jax.experimental.pallas import tpu_sc as plsc

N = 10000
E = 320000
D_IN = 128
D_HID = 128
D_OUT = 64
N_CLASSES = 5
VCDN_HID = 128

NC = 2
NS = 16
NW = NC * NS
CH = 128
E_PT = 10240
NCH = E_PT // CH
E_PAD = E_PT * NW
N_ACC = 10112
R_S = N_ACC // NS

BLK = 400
NBLK = N // BLK

DEG_K = 8
MSG_K = 4

_mesh = plsc.VectorSubcoreMesh(core_axis_name="c", subcore_axis_name="s")
_sc_params = pltpu.CompilerParams(use_tc_tiling_on_sc=False)
_sc_params_nl = pltpu.CompilerParams(use_tc_tiling_on_sc=False,
                                     needs_layout_passes=False)



@functools.partial(
    pl.kernel,
    out_type=jax.ShapeDtypeStruct((NC, 3, N_ACC, 16), jnp.float32),
    mesh=_mesh,
    compiler_params=_sc_params,
    scratch_types=[
        pltpu.VMEM_SHARED((3, N_ACC, 16), jnp.float32),
        pltpu.VMEM((3, NCH, CH), jnp.int32),
        pltpu.VMEM((CH, 16), jnp.float32),
        pltpu.VMEM((R_S, 16), jnp.float32),
        pltpu.SemaphoreType.DMA,
    ],
)
def _deg_kernel(dst_hbm, zeros_hbm, ones_hbm, out_hbm,
                acc, ida, ones_v, wb, sem):
    c = lax.axis_index("c")
    s = lax.axis_index("s")
    w = s * NC + c
    r0 = s * R_S
    pltpu.sync_copy(ones_hbm, ones_v)

    def stage(o, carry):
        pltpu.sync_copy(dst_hbm.at[o, w], ida.at[o])
        pltpu.sync_copy(zeros_hbm.at[pl.ds(r0, R_S)], acc.at[o, pl.ds(r0, R_S)])
        return carry
    lax.fori_loop(0, 3, stage, None)
    plsc.subcore_barrier()

    def omic(o, carry):
        def group(g, cy):
            def fire(t, cz):
                pltpu.async_copy(ones_v, acc.at[o].at[ida.at[o, g * DEG_K + t]],
                                 sem, add=True)
                return cz
            lax.fori_loop(0, DEG_K, fire, None)

            def drain(t, cz):
                pltpu.make_async_copy(
                    ones_v, acc.at[o].at[ida.at[o, 0]], sem).wait()
                return cz
            lax.fori_loop(0, DEG_K, drain, None)
            return cy
        lax.fori_loop(0, NCH // DEG_K, group, None)
        return carry
    lax.fori_loop(0, 3, omic, None)
    plsc.subcore_barrier()

    def wback(o, carry):
        pltpu.sync_copy(acc.at[o, pl.ds(r0, R_S)], wb)
        pltpu.sync_copy(wb, out_hbm.at[c, o, pl.ds(r0, R_S)])
        return carry
    lax.fori_loop(0, 3, wback, None)


def _run_msg_pass(tbl, acc, isa, ida, rows, gsem, ssem, ch, nch, k, cstart):
    setw = k * ch

    def pro(b, carry):
        pltpu.async_copy(tbl.at[isa.at[cstart + b]],
                         rows.at[pl.ds(b * ch, ch)], gsem)
        return carry
    lax.fori_loop(0, k, pro, None)

    def rnd(r, carry):
        start = r * k
        off = (r % 2) * setw
        ooff = ((r + 1) % 2) * setw

        def gwait(b, cy):
            pltpu.make_async_copy(tbl.at[isa.at[cstart + start + b]],
                                  rows.at[pl.ds(off + b * ch, ch)],
                                  gsem).wait()
            return cy
        lax.fori_loop(0, k, gwait, None)

        def sfire(b, cy):
            pltpu.async_copy(rows.at[pl.ds(off + b * ch, ch)],
                             acc.at[ida.at[cstart + start + b]], ssem,
                             add=True)
            return cy
        lax.fori_loop(0, k, sfire, None)

        @pl.when(r > 0)
        def _drain_prev():
            def sdrain(b, cy):
                pltpu.make_async_copy(rows.at[pl.ds(ooff + b * ch, ch)],
                                      acc.at[ida.at[cstart]], ssem).wait()
                return cy
            lax.fori_loop(0, k, sdrain, None)

        def refill(b, cy):
            nxt = start + k + b

            @pl.when(nxt < nch)
            def _go():
                pltpu.async_copy(tbl.at[isa.at[cstart + nxt]],
                                 rows.at[pl.ds(ooff + b * ch, ch)], gsem)
            return cy
        lax.fori_loop(0, k, refill, None)
        return carry
    lax.fori_loop(0, nch // k, rnd, None)

    last_off = ((nch // k - 1) % 2) * setw

    def fdrain(b, carry):
        pltpu.make_async_copy(rows.at[pl.ds(last_off + b * ch, ch)],
                              acc.at[ida.at[cstart]], ssem).wait()
        return carry
    lax.fori_loop(0, k, fdrain, None)


def _make_multi_msg(n_pass, d, ch, k, n_sub):
    nch = E_PT // ch
    nch_sub = nch // n_sub

    @functools.partial(
        pl.kernel,
        out_type=jax.ShapeDtypeStruct((NC, n_pass, N_ACC, d), jnp.float32),
        mesh=_mesh,
        compiler_params=_sc_params,
        scratch_types=[
            pltpu.VMEM_SHARED((N_ACC, d), jnp.float32),
            pltpu.VMEM((nch_sub, ch), jnp.int32),
            pltpu.VMEM((nch_sub, ch), jnp.int32),
            pltpu.VMEM((2 * k * ch, d), jnp.float32),
            pltpu.SemaphoreType.DMA,
            pltpu.SemaphoreType.DMA,
        ],
    )
    def _multi(tables_hbm, src_hbm, dst_hbm, zeros_hbm, out_hbm,
               acc, isa, ida, rows, gsem, ssem):
        c = lax.axis_index("c")
        s = lax.axis_index("s")
        w = s * NC + c
        r0 = s * R_S

        def pass_body(p, carry):
            tbl = tables_hbm.at[p]
            pltpu.sync_copy(zeros_hbm.at[pl.ds(r0, R_S)],
                            acc.at[pl.ds(r0, R_S)])
            plsc.subcore_barrier()

            def sub_body(h, cy):
                pltpu.sync_copy(
                    src_hbm.at[p % 3, w, pl.ds(h * nch_sub, nch_sub)], isa)
                pltpu.sync_copy(
                    dst_hbm.at[p % 3, w, pl.ds(h * nch_sub, nch_sub)], ida)
                _run_msg_pass(tbl, acc, isa, ida, rows, gsem, ssem,
                              ch, nch_sub, k, 0)
                return cy
            lax.fori_loop(0, n_sub, sub_body, None)
            plsc.subcore_barrier()
            pltpu.sync_copy(acc.at[pl.ds(r0, R_S)],
                            out_hbm.at[c, p, pl.ds(r0, R_S)])
            return carry
        lax.fori_loop(0, n_pass, pass_body, None)
    return _multi


_msg_l2 = _make_multi_msg(3, D_OUT, CH, MSG_K, 1)

NCH64 = E_PT // 64
_MASK_HI = -65536


@functools.partial(
    pl.kernel,
    out_type=jax.ShapeDtypeStruct((NC, 3, N_ACC, D_HID), jnp.float32),
    mesh=_mesh,
    compiler_params=_sc_params_nl,
    scratch_types=[
        pltpu.VMEM_SHARED((N_ACC, D_HID), jnp.float32),
        pltpu.VMEM((NCH64, 64), jnp.int32),
        pltpu.VMEM((NCH64, 64), jnp.int32),
        pltpu.VMEM((128, D_HID), jnp.bfloat16),
        pltpu.VMEM((128, D_HID), jnp.float32),
        pltpu.SemaphoreType.DMA,
        pltpu.SemaphoreType.DMA,
    ],
)
def _msg_l1(tables_hbm, src_hbm, dst_hbm, zeros_hbm, out_hbm,
            acc, isa, ida, rows16, rowsf, gsem, ssem):
    c = lax.axis_index("c")
    s = lax.axis_index("s")
    w = s * NC + c
    r0 = s * R_S

    def pass_body(p, carry):
        tbl = tables_hbm.at[p]
        pltpu.sync_copy(src_hbm.at[p, w], isa)
        pltpu.sync_copy(dst_hbm.at[p, w], ida)
        pltpu.sync_copy(zeros_hbm.at[pl.ds(r0, R_S)], acc.at[pl.ds(r0, R_S)])
        plsc.subcore_barrier()

        pltpu.async_copy(tbl.at[isa.at[0]], rows16.at[pl.ds(0, 64)], gsem)

        def rnd(r, cy):
            off = (r % 2) * 64
            ooff = ((r + 1) % 2) * 64
            pltpu.make_async_copy(tbl.at[isa.at[r]],
                                  rows16.at[pl.ds(off, 64)], gsem).wait()

            @pl.when(r + 1 < NCH64)
            def _next_gather():
                pltpu.async_copy(tbl.at[isa.at[r + 1]],
                                 rows16.at[pl.ds(ooff, 64)], gsem)

            @pl.when(r > 1)
            def _drain_old():
                pltpu.make_async_copy(rowsf.at[pl.ds(off, 64)],
                                      acc.at[ida.at[0]], ssem).wait()

            def cvt(q, cz):
                for g in range(4):
                    x = plsc.bitcast(rows16[off + q, pl.ds(g * 32, 32)],
                                     jnp.int32)
                    rowsf[off + q, pl.ds(g * 32, 16)] = plsc.bitcast(
                        x << 16, jnp.float32)
                    rowsf[off + q, pl.ds(g * 32 + 16, 16)] = plsc.bitcast(
                        x & _MASK_HI, jnp.float32)
                return cz
            lax.fori_loop(0, 64, cvt, None)
            pltpu.async_copy(rowsf.at[pl.ds(off, 64)], acc.at[ida.at[r]],
                             ssem, add=True)
            return cy
        lax.fori_loop(0, NCH64, rnd, None)
        pltpu.make_async_copy(rowsf.at[pl.ds(0, 64)],
                              acc.at[ida.at[0]], ssem).wait()
        pltpu.make_async_copy(rowsf.at[pl.ds(64, 64)],
                              acc.at[ida.at[0]], ssem).wait()
        plsc.subcore_barrier()
        pltpu.sync_copy(acc.at[pl.ds(r0, R_S)],
                        out_hbm.at[c, p, pl.ds(r0, R_S)])
        return carry
    lax.fori_loop(0, 3, pass_body, None)



def _mm(a, b):
    return jnp.dot(a, b, preferred_element_type=jnp.float32)


def _tc_stage1(x_ref, w1_ref, w1p_ref, dinv_ref, of_ref, ob_ref):
    xb = x_ref[0]
    d = dinv_ref[0]
    of_ref[0] = _mm(xb, w1p_ref[0]) * d
    ob_ref[0] = (_mm(xb, w1_ref[0]) * d).astype(jnp.bfloat16)


def _stage1(x_all, W1_all, W1p_all, dinv3):
    return pl.pallas_call(
        _tc_stage1,
        grid=(3, NBLK),
        in_specs=[
            pl.BlockSpec((1, BLK, D_IN), lambda o, i: (o, i, 0)),
            pl.BlockSpec((1, D_IN, D_HID), lambda o, i: (o, 0, 0)),
            pl.BlockSpec((1, D_IN, D_HID), lambda o, i: (o, 0, 0)),
            pl.BlockSpec((1, BLK, 1), lambda o, i: (o, i, 0)),
        ],
        out_specs=[
            pl.BlockSpec((1, BLK, D_HID), lambda o, i: (o, i, 0)),
            pl.BlockSpec((1, BLK, D_HID), lambda o, i: (o, i, 0)),
        ],
        out_shape=[
            jax.ShapeDtypeStruct((3, N, D_HID), jnp.float32),
            jax.ShapeDtypeStruct((3, N, D_HID), jnp.bfloat16),
        ],
    )(x_all, W1_all, W1p_all, dinv3)


def _tc_stage2(m0_ref, m1_ref, h_ref, dinv_ref, b1_ref, w2_ref, o_ref):
    dinv = dinv_ref[0]
    t = dinv * (m0_ref[0, 0] + m1_ref[0, 0] + h_ref[0]) + b1_ref[0]
    t = jnp.maximum(t, 0.0)
    o_ref[0] = _mm(t, w2_ref[0]) * dinv


def _stage2(m_l1, hs1, dinv3, b1_all, W2_all):
    mview = lambda cc: pl.BlockSpec(
        (1, 1, BLK, D_HID), lambda o, i, cc=cc: (cc, o, i, 0))
    return pl.pallas_call(
        _tc_stage2,
        grid=(3, NBLK),
        in_specs=[
            mview(0), mview(1),
            pl.BlockSpec((1, BLK, D_HID), lambda o, i: (o, i, 0)),
            pl.BlockSpec((1, BLK, 1), lambda o, i: (o, i, 0)),
            pl.BlockSpec((1, 1, D_HID), lambda o, i: (o, 0, 0)),
            pl.BlockSpec((1, D_HID, D_OUT), lambda o, i: (o, 0, 0)),
        ],
        out_specs=pl.BlockSpec((1, BLK, D_OUT), lambda o, i: (o, i, 0)),
        out_shape=jax.ShapeDtypeStruct((3, N, D_OUT), jnp.float32),
    )(m_l1, m_l1, hs1, dinv3, b1_all, W2_all)


def _tc_final(m0a_ref, m0b_ref, h0_ref, d0_ref, b0_ref,
              m1a_ref, m1b_ref, h1_ref, d1_ref, b1_ref,
              m2a_ref, m2b_ref, h2_ref, d2_ref, b2_ref,
              wi1_ref, bi1_ref, wi2_ref, bi2_ref, o_ref):
    outs = []
    for ma, mb, h, d, b in ((m0a_ref, m0b_ref, h0_ref, d0_ref, b0_ref),
                            (m1a_ref, m1b_ref, h1_ref, d1_ref, b1_ref),
                            (m2a_ref, m2b_ref, h2_ref, d2_ref, b2_ref)):
        outs.append(d[0] * (ma[0, 0] + mb[0, 0] + h[0]) + b[0])
    flat = jnp.concatenate(outs, axis=1)
    t = jnp.maximum(_mm(flat, wi1_ref[...]) + bi1_ref[...], 0.0)
    o_ref[...] = _mm(t, wi2_ref[...]) + bi2_ref[...]


def _final(m_l2, hs2, dinv3, b2_all, Wi1, bi1, Wi2, bi2):
    in_specs = []
    args = []
    for o in range(3):
        in_specs += [
            pl.BlockSpec((1, 1, BLK, D_OUT), lambda i, o=o: (0, o, i, 0)),
            pl.BlockSpec((1, 1, BLK, D_OUT), lambda i, o=o: (1, o, i, 0)),
            pl.BlockSpec((1, BLK, D_OUT), lambda i, o=o: (o, i, 0)),
            pl.BlockSpec((1, BLK, 1), lambda i, o=o: (o, i, 0)),
            pl.BlockSpec((1, 1, D_OUT), lambda i, o=o: (o, 0, 0)),
        ]
        args += [m_l2, m_l2, hs2, dinv3, b2_all]
    in_specs += [
        pl.BlockSpec((3 * D_OUT, VCDN_HID), lambda i: (0, 0)),
        pl.BlockSpec((1, VCDN_HID), lambda i: (0, 0)),
        pl.BlockSpec((VCDN_HID, N_CLASSES), lambda i: (0, 0)),
        pl.BlockSpec((1, N_CLASSES), lambda i: (0, 0)),
    ]
    args += [Wi1, bi1, Wi2, bi2]
    return pl.pallas_call(
        _tc_final,
        grid=(NBLK,),
        in_specs=in_specs,
        out_specs=pl.BlockSpec((BLK, N_CLASSES), lambda i: (i, 0)),
        out_shape=jax.ShapeDtypeStruct((N, N_CLASSES), jnp.float32),
    )(*args)



def kernel(x_mrna, edge_index_mrna, W1_mrna, b1_mrna, W2_mrna, b2_mrna,
           x_meth, edge_index_meth, W1_meth, b1_meth, W2_meth, b2_meth,
           x_mirna, edge_index_mirna, W1_mirna, b1_mirna, W2_mirna, b2_mirna,
           Wi1, bi1, Wi2, bi2):
    pad = E_PAD - E
    srcs, dsts = [], []
    for ei in (edge_index_mrna, edge_index_meth, edge_index_mirna):
        srcs.append(jnp.concatenate(
            [ei[0], jnp.zeros((pad,), jnp.int32)]).reshape(NW, E_PT))
        dsts.append(jnp.concatenate(
            [ei[1], jnp.full((pad,), N, jnp.int32)]).reshape(NW, E_PT))
    src_flat = jnp.stack(srcs)
    dst_flat = jnp.stack(dsts)
    src128 = src_flat.reshape(3, NW, NCH, CH)
    dst128 = dst_flat.reshape(3, NW, NCH, CH)
    src64 = src_flat.reshape(3, NW, 2 * NCH, CH // 2)
    dst64 = dst_flat.reshape(3, NW, 2 * NCH, CH // 2)

    zeros16 = jnp.zeros((N_ACC, 16), jnp.float32)
    ones16 = jnp.ones((CH, 16), jnp.float32)
    zeros64 = jnp.zeros((N_ACC, D_OUT), jnp.float32)
    zeros128 = jnp.zeros((N_ACC, D_HID), jnp.float32)

    cnt = _deg_kernel(dst128, zeros16, ones16)
    deg = cnt[0, :, :N, 0] + cnt[1, :, :N, 0] + 1.0
    dinv3 = lax.rsqrt(deg).reshape(3, N, 1)

    x_all = jnp.stack([x_mrna, x_meth, x_mirna])
    W1_all = jnp.stack([W1_mrna, W1_meth, W1_mirna])
    W2_all = jnp.stack([W2_mrna, W2_meth, W2_mirna])
    b1_all = jnp.stack([b1_mrna, b1_meth, b1_mirna]).reshape(3, 1, D_HID)
    b2_all = jnp.stack([b2_mrna, b2_meth, b2_mirna]).reshape(3, 1, D_OUT)

    perm = np.concatenate(
        [32 * g + np.concatenate([np.arange(0, 32, 2), np.arange(1, 32, 2)])
         for g in range(D_HID // 32)])
    W1p_all = W1_all[:, :, perm]
    W2p_all = W2_all[:, perm, :]
    b1p_all = b1_all[:, :, perm]

    hs1p, hs1b = _stage1(x_all, W1_all, W1p_all, dinv3)

    m_l1 = _msg_l1(hs1b, src64, dst64, zeros128)
    hs2 = _stage2(m_l1, hs1p, dinv3, b1p_all, W2p_all)
    m_l2 = _msg_l2(hs2, src128, dst128, zeros64)

    return _final(m_l2, hs2, dinv3, b2_all, Wi1, bi1.reshape(1, VCDN_HID),
                  Wi2, bi2.reshape(1, N_CLASSES))

# --- scband reference (transcript-rebuilt; emitter-appended) ---
"""Pipeline reference for scband-mogonet-27066883899411 (READ-ONLY COPY).

The authoritative reference and input builder live on the scoring server;
editing this copy changes nothing except your own understanding.
"""

import jax, jax.numpy as jnp
import numpy as np

N = 10000
E = 320000
D_IN = 128
D_HID = 128
D_OUT = 64
N_CLASSES = 5
VCDN_HID = 128
OMICS = ["mrna", "meth", "mirna"]


def setup_inputs(seed: int = 0):
    key = jax.random.key(seed)
    inp = {}
    k = key
    for om in OMICS:
        k, k1, k2, k3, k4, k5, k6 = jax.random.split(k, 7)
        inp[f"x_{om}"] = jax.random.normal(k1, (N, D_IN), dtype=jnp.float32)
        inp[f"edge_index_{om}"] = jax.random.randint(k2, (2, E), 0, N, dtype=jnp.int32)
        inp[f"W1_{om}"] = jax.random.normal(k3, (D_IN, D_HID), dtype=jnp.float32) / np.sqrt(D_IN)
        inp[f"b1_{om}"] = jnp.zeros((D_HID,), dtype=jnp.float32)
        inp[f"W2_{om}"] = jax.random.normal(k4, (D_HID, D_OUT), dtype=jnp.float32) / np.sqrt(D_HID)
        inp[f"b2_{om}"] = jnp.zeros((D_OUT,), dtype=jnp.float32)
    k, ki1, ki2 = jax.random.split(k, 3)
    inp["Wi1"] = jax.random.normal(ki1, (len(OMICS) * D_OUT, VCDN_HID), dtype=jnp.float32) / np.sqrt(len(OMICS) * D_OUT)
    inp["bi1"] = jnp.zeros((VCDN_HID,), dtype=jnp.float32)
    inp["Wi2"] = jax.random.normal(ki2, (VCDN_HID, N_CLASSES), dtype=jnp.float32) / np.sqrt(VCDN_HID)
    inp["bi2"] = jnp.zeros((N_CLASSES,), dtype=jnp.float32)
    return inp


def gcn_conv(x, src, dst, W, b):
    h = x @ W
    deg = jnp.zeros((N,), dtype=x.dtype).at[dst].add(1.0)
    deg = jnp.maximum(deg, 1.0)
    dinv = deg ** -0.5
    norm = dinv[src] * dinv[dst]
    msg = h[src] * norm[:, None]
    out = jnp.zeros((N, h.shape[1]), dtype=x.dtype).at[dst].add(msg)
    return out + b


def encode(x, ei, W1, b1, W2, b2):
    loops = jnp.arange(N, dtype=ei.dtype)
    src = jnp.concatenate([ei[0], loops])
    dst = jnp.concatenate([ei[1], loops])
    h = jax.nn.relu(gcn_conv(x, src, dst, W1, b1))
    return gcn_conv(h, src, dst, W2, b2)


def reference(x_mrna, edge_index_mrna, W1_mrna, b1_mrna, W2_mrna, b2_mrna,
              x_meth, edge_index_meth, W1_meth, b1_meth, W2_meth, b2_meth,
              x_mirna, edge_index_mirna, W1_mirna, b1_mirna, W2_mirna, b2_mirna,
              Wi1, bi1, Wi2, bi2):
    inp = dict(locals())
    outs = []
    for om in OMICS:
        outs.append(encode(inp[f"x_{om}"], inp[f"edge_index_{om}"], inp[f"W1_{om}"], inp[f"b1_{om}"], inp[f"W2_{om}"], inp[f"b2_{om}"]))
    x = jnp.stack(outs, axis=1)
    flat = x.reshape(N, len(OMICS) * D_OUT)
    h = jax.nn.relu(flat @ inp["Wi1"] + inp["bi1"])
    logits = h @ inp["Wi2"] + inp["bi2"]
    return logits

if __name__ == "__main__":
    import jax
    _d = setup_inputs()
    print(jax.jit(kernel)(*tuple(_d.values())))

</pallas_src>

<mosaic_0001>
#map = affine_map<(d0, d1) -> (0, 0, 0, 0)>
#map1 = affine_map<(d0, d1) -> (0, 0)>
module attributes {stable_mosaic.version = 14 : i64} {
  func.func @_deg_kernel(%arg0: i32, %arg1: i32, %arg2: memref<3x32x80x128xi32, #tpu.memory_space<hbm>>, %arg3: memref<10112x16xf32, #tpu.memory_space<hbm>>, %arg4: memref<128x16xf32, #tpu.memory_space<hbm>>, %arg5: memref<2x3x10112x16xf32, #tpu.memory_space<hbm>>, %arg6: memref<3x10112x16xf32, #tpu.memory_space<vmem_shared>>, %arg7: memref<3x80x128xi32, #tpu.memory_space<vmem>>, %arg8: memref<128x16xf32, #tpu.memory_space<vmem>>, %arg9: memref<632x16xf32, #tpu.memory_space<vmem>>, %arg10: memref<!tpu.dma_semaphore, #tpu.memory_space<semaphore_mem>>) attributes {dimension_semantics = [#tpu.dimension_semantics<core_parallel>, #tpu.dimension_semantics<subcore_parallel>], iteration_bounds = array<i64: 2, 16>, scalar_prefetch = 0 : i64, scratch_operands = 5 : i64, tpu.core_type = #tpu.core_type<sc_vector_subcore>, window_params = [{transform_indices = #map}, {transform_indices = #map1}, {transform_indices = #map1}, {transform_indices = #map}]} {
    %mul3A = arith.constant 2 : i32
    %mul3A_0 = arith.muli %arg1, %mul3A : i32
    %add3A = arith.addi %mul3A_0, %arg0 : i32
    %mul3A_1 = arith.constant 632 : i32
    %mul3A_2 = arith.muli %arg1, %mul3A_1 : i32
    "tpu.region"() ({
      %run_scoped3A = tpu.sem_alloc : memref<!tpu.dma_semaphore, #tpu.memory_space<semaphore_mem>>
      tpu.enqueue_dma source(%arg4 : memref<128x16xf32, #tpu.memory_space<hbm>>) target(%arg8 : memref<128x16xf32, #tpu.memory_space<vmem>>) target_semaphore(%run_scoped3A : memref<!tpu.dma_semaphore, #tpu.memory_space<semaphore_mem>>)
      tpu.wait_dma2 semaphore(%run_scoped3A : memref<!tpu.dma_semaphore, #tpu.memory_space<semaphore_mem>>) src(%arg4 : memref<128x16xf32, #tpu.memory_space<hbm>>) dst(%arg8 : memref<128x16xf32, #tpu.memory_space<vmem>>)
      tpu.yield
    }) : () -> ()
    %scan3A = arith.constant 0 : i32
    %scan3A_3 = arith.constant 3 : i32
    %scan3A_4 = arith.addi %scan3A, %scan3A_3 : i32
    %scan3A_5 = arith.constant 1 : i32
    scf.for %scan3A_18 = %scan3A to %scan3A_4 step %scan3A_5  : i32 {
      "tpu.region"() ({
        %run_scoped3A = tpu.sem_alloc : memref<!tpu.dma_semaphore, #tpu.memory_space<semaphore_mem>>
        %dma_start3A = arith.constant 0 : i32
        %dma_start3A_19 = arith.constant 0 : i32
        %dma_start3A_20 = tpu.memref_slice %arg7[%scan3A_18, %dma_start3A, %dma_start3A_19] : memref<3x80x128xi32, #tpu.memory_space<vmem>> -> memref<1x80x128xi32, #tpu.memory_space<vmem>>
        %dma_start3A_21 = tpu.memref_squeeze %dma_start3A_20 : memref<1x80x128xi32, #tpu.memory_space<vmem>> -> memref<80x128xi32, #tpu.memory_space<vmem>>
        %dma_start3A_22 = arith.constant 0 : i32
        %dma_start3A_23 = arith.constant 0 : i32
        %dma_start3A_24 = tpu.memref_slice %arg2[%scan3A_18, %add3A, %dma_start3A_22, %dma_start3A_23] : memref<3x32x80x128xi32, #tpu.memory_space<hbm>> -> memref<1x1x80x128xi32, #tpu.memory_space<hbm>>
        %dma_start3A_25 = tpu.memref_squeeze %dma_start3A_24 : memref<1x1x80x128xi32, #tpu.memory_space<hbm>> -> memref<80x128xi32, #tpu.memory_space<hbm>>
        %dma_start3A_26 = arith.constant 0 : i32
        %dma_start3A_27 = arith.constant 0 : i32
        %dma_start3A_28 = tpu.memref_slice %arg7[%scan3A_18, %dma_start3A_26, %dma_start3A_27] : memref<3x80x128xi32, #tpu.memory_space<vmem>> -> memref<1x80x128xi32, #tpu.memory_space<vmem>>
        %dma_start3A_29 = tpu.memref_squeeze %dma_start3A_28 : memref<1x80x128xi32, #tpu.memory_space<vmem>> -> memref<80x128xi32, #tpu.memory_space<vmem>>
        %dma_start3A_30 = arith.constant 0 : i32
        %dma_start3A_31 = arith.constant 0 : i32
        %dma_start3A_32 = tpu.memref_slice %arg2[%scan3A_18, %add3A, %dma_start3A_30, %dma_start3A_31] : memref<3x32x80x128xi32, #tpu.memory_space<hbm>> -> memref<1x1x80x128xi32, #tpu.memory_space<hbm>>
        %dma_start3A_33 = tpu.memref_squeeze %dma_start3A_32 : memref<1x1x80x128xi32, #tpu.memory_space<hbm>> -> memref<80x128xi32, #tpu.memory_space<hbm>>
        tpu.enqueue_dma source(%dma_start3A_33 : memref<80x128xi32, #tpu.memory_space<hbm>>) target(%dma_start3A_29 : memref<80x128xi32, #tpu.memory_space<vmem>>) target_semaphore(%run_scoped3A : memref<!tpu.dma_semaphore, #tpu.memory_space<semaphore_mem>>)
        %dma_wait3A = arith.constant 0 : i32
        %dma_wait3A_34 = arith.constant 0 : i32
        %dma_wait3A_35 = tpu.memref_slice %arg7[%scan3A_18, %dma_wait3A, %dma_wait3A_34] : memref<3x80x128xi32, #tpu.memory_space<vmem>> -> memref<1x80x128xi32, #tpu.memory_space<vmem>>
        %dma_wait3A_36 = tpu.memref_squeeze %dma_wait3A_35 : memref<1x80x128xi32, #tpu.memory_space<vmem>> -> memref<80x128xi32, #tpu.memory_space<vmem>>
        %dma_wait3A_37 = arith.constant 0 : i32
        %dma_wait3A_38 = arith.constant 0 : i32
        %dma_wait3A_39 = tpu.memref_slice %arg2[%scan3A_18, %add3A, %dma_wait3A_37, %dma_wait3A_38] : memref<3x32x80x128xi32, #tpu.memory_space<hbm>> -> memref<1x1x80x128xi32, #tpu.memory_space<hbm>>
        %dma_wait3A_40 = tpu.memref_squeeze %dma_wait3A_39 : memref<1x1x80x128xi32, #tpu.memory_space<hbm>> -> memref<80x128xi32, #tpu.memory_space<hbm>>
        %dma_wait3A_41 = arith.constant 0 : i32
        %dma_wait3A_42 = arith.constant 0 : i32
        %dma_wait3A_43 = tpu.memref_slice %arg7[%scan3A_18, %dma_wait3A_41, %dma_wait3A_42] : memref<3x80x128xi32, #tpu.memory_space<vmem>> -> memref<1x80x128xi32, #tpu.memory_space<vmem>>
        %dma_wait3A_44 = tpu.memref_squeeze %dma_wait3A_43 : memref<1x80x128xi32, #tpu.memory_space<vmem>> -> memref<80x128xi32, #tpu.memory_space<vmem>>
        %dma_wait3A_45 = arith.constant 0 : i32
        %dma_wait3A_46 = arith.constant 0 : i32
        %dma_wait3A_47 = tpu.memref_slice %arg2[%scan3A_18, %add3A, %dma_wait3A_45, %dma_wait3A_46] : memref<3x32x80x128xi32, #tpu.memory_space<hbm>> -> memref<1x1x80x128xi32, #tpu.memory_space<hbm>>
        %dma_wait3A_48 = tpu.memref_squeeze %dma_wait3A_47 : memref<1x1x80x128xi32, #tpu.memory_space<hbm>> -> memref<80x128xi32, #tpu.memory_space<hbm>>
        tpu.wait_dma2 semaphore(%run_scoped3A : memref<!tpu.dma_semaphore, #tpu.memory_space<semaphore_mem>>) src(%dma_wait3A_48 : memref<80x128xi32, #tpu.memory_space<hbm>>) dst(%dma_wait3A_44 : memref<80x128xi32, #tpu.memory_space<vmem>>)
        tpu.yield
      }) : () -> ()
      "tpu.region"() ({
        %run_scoped3A = tpu.sem_alloc : memref<!tpu.dma_semaphore, #tpu.memory_space<semaphore_mem>>
        %dma_start3A = arith.constant 0 : i32
        %dma_start3A_19 = tpu.memref_slice %arg6[%scan3A_18, %mul3A_2, %dma_start3A] : memref<3x10112x16xf32, #tpu.memory_space<vmem_shared>> -> memref<1x632x16xf32, #tpu.memory_space<vmem_shared>>
        %dma_start3A_20 = tpu.memref_squeeze %dma_start3A_19 : memref<1x632x16xf32, #tpu.memory_space<vmem_shared>> -> memref<632x16xf32, #tpu.memory_space<vmem_shared>>
        %dma_start3A_21 = arith.constant 0 : i32
        %dma_start3A_22 = tpu.memref_slice %arg3[%mul3A_2, %dma_start3A_21] : memref<10112x16xf32, #tpu.memory_space<hbm>> -> memref<632x16xf32, #tpu.memory_space<hbm>>
        tpu.enqueue_dma source(%dma_start3A_22 : memref<632x16xf32, #tpu.memory_space<hbm>>) target(%dma_start3A_20 : memref<632x16xf32, #tpu.memory_space<vmem_shared>>) target_semaphore(%run_scoped3A : memref<!tpu.dma_semaphore, #tpu.memory_space<semaphore_mem>>)
        %dma_wait3A = arith.constant 0 : i32
        %dma_wait3A_23 = tpu.memref_slice %arg6[%scan3A_18, %mul3A_2, %dma_wait3A] : memref<3x10112x16xf32, #tpu.memory_space<vmem_shared>> -> memref<1x632x16xf32, #tpu.memory_space<vmem_shared>>
        %dma_wait3A_24 = tpu.memref_squeeze %dma_wait3A_23 : memref<1x632x16xf32, #tpu.memory_space<vmem_shared>> -> memref<632x16xf32, #tpu.memory_space<vmem_shared>>
        %dma_wait3A_25 = arith.constant 0 : i32
        %dma_wait3A_26 = tpu.memref_slice %arg3[%mul3A_2, %dma_wait3A_25] : memref<10112x16xf32, #tpu.memory_space<hbm>> -> memref<632x16xf32, #tpu.memory_space<hbm>>
        tpu.wait_dma2 semaphore(%run_scoped3A : memref<!tpu.dma_semaphore, #tpu.memory_space<semaphore_mem>>) src(%dma_wait3A_26 : memref<632x16xf32, #tpu.memory_space<hbm>>) dst(%dma_wait3A_24 : memref<632x16xf32, #tpu.memory_space<vmem_shared>>)
        tpu.yield
      }) : () -> ()
    }
    %scan3A_6 = arith.constant 3 : i32
    %barrier3A = arith.constant 0 : index
    tpu.barrier barrier_id(%barrier3A)
    %scan3A_7 = arith.constant 0 : i32
    %scan3A_8 = arith.constant 3 : i32
    %scan3A_9 = arith.addi %scan3A_7, %scan3A_8 : i32
    %scan3A_10 = arith.constant 1 : i32
    scf.for %scan3A_18 = %scan3A_7 to %scan3A_9 step %scan3A_10  : i32 {
      %scan3A_19 = arith.constant 0 : i32
      %scan3A_20 = arith.constant 10 : i32
      %scan3A_21 = arith.addi %scan3A_19, %scan3A_20 : i32
      %scan3A_22 = arith.constant 1 : i32
      scf.for %scan3A_24 = %scan3A_19 to %scan3A_21 step %scan3A_22  : i32 {
        %scan3A_25 = arith.constant 0 : i32
        %scan3A_26 = arith.constant 8 : i32
        %scan3A_27 = arith.addi %scan3A_25, %scan3A_26 : i32
        %scan3A_28 = arith.constant 1 : i32
        scf.for %scan3A_35 = %scan3A_25 to %scan3A_27 step %scan3A_28  : i32 {
          %mul3A_36 = arith.constant 8 : i32
          %mul3A_37 = arith.muli %scan3A_24, %mul3A_36 : i32
          %add3A_38 = arith.addi %mul3A_37, %scan3A_35 : i32
          %dma_start3A = arith.constant 0 : i32
          %dma_start3A_39 = tpu.memref_slice %arg7[%scan3A_18, %add3A_38, %dma_start3A] : memref<3x80x128xi32, #tpu.memory_space<vmem>> -> memref<1x1x128xi32, #tpu.memory_space<vmem>>
          %dma_start3A_40 = tpu.memref_squeeze %dma_start3A_39 : memref<1x1x128xi32, #tpu.memory_space<vmem>> -> memref<128xi32, #tpu.memory_space<vmem>>
          %dma_start3A_41 = arith.constant 0 : i32
          %dma_start3A_42 = arith.constant 0 : i32
          %dma_start3A_43 = tpu.memref_slice %arg6[%scan3A_18, %dma_start3A_41, %dma_start3A_42] : memref<3x10112x16xf32, #tpu.memory_space<vmem_shared>> -> memref<1x10112x16xf32, #tpu.memory_space<vmem_shared>>
          %dma_start3A_44 = tpu.memref_squeeze %dma_start3A_43 : memref<1x10112x16xf32, #tpu.memory_space<vmem_shared>> -> memref<10112x16xf32, #tpu.memory_space<vmem_shared>>
          %dma_start3A_45 = arith.constant 0 : i32
          %dma_start3A_46 = arith.constant 0 : i32
          %dma_start3A_47 = tpu.memref_slice %dma_start3A_44[%dma_start3A_45, %dma_start3A_46] : memref<10112x16xf32, #tpu.memory_space<vmem_shared>> -> memref<10112x16xf32, #tpu.memory_space<vmem_shared>>
          tpu.enqueue_indirect_dma source(%arg8 : memref<128x16xf32, #tpu.memory_space<vmem>>) target(%dma_start3A_47 : memref<10112x16xf32, #tpu.memory_space<vmem_shared>>) offsets(%dma_start3A_40 : memref<128xi32, #tpu.memory_space<vmem>>) semaphore(%arg10 : memref<!tpu.dma_semaphore, #tpu.memory_space<semaphore_mem>>) {add = true}
        }
        %scan3A_29 = arith.constant 8 : i32
        %scan3A_30 = arith.constant 0 : i32
        %scan3A_31 = arith.constant 8 : i32
        %scan3A_32 = arith.addi %scan3A_30, %scan3A_31 : i32
        %scan3A_33 = arith.constant 1 : i32
        scf.for %scan3A_35 = %scan3A_30 to %scan3A_32 step %scan3A_33  : i32 {
          %dma_wait3A = arith.constant 0 : i32
          %dma_wait3A_36 = arith.constant 0 : i32
          %dma_wait3A_37 = tpu.memref_slice %arg7[%scan3A_18, %dma_wait3A, %dma_wait3A_36] : memref<3x80x128xi32, #tpu.memory_space<vmem>> -> memref<1x1x128xi32, #tpu.memory_space<vmem>>
          %dma_wait3A_38 = tpu.memref_squeeze %dma_wait3A_37 : memref<1x1x128xi32, #tpu.memory_space<vmem>> -> memref<128xi32, #tpu.memory_space<vmem>>
          %dma_wait3A_39 = arith.constant 0 : i32
          %dma_wait3A_40 = arith.constant 0 : i32
          %dma_wait3A_41 = tpu.memref_slice %arg6[%scan3A_18, %dma_wait3A_39, %dma_wait3A_40] : memref<3x10112x16xf32, #tpu.memory_space<vmem_shared>> -> memref<1x10112x16xf32, #tpu.memory_space<vmem_shared>>
          %dma_wait3A_42 = tpu.memref_squeeze %dma_wait3A_41 : memref<1x10112x16xf32, #tpu.memory_space<vmem_shared>> -> memref<10112x16xf32, #tpu.memory_space<vmem_shared>>
          %dma_wait3A_43 = arith.constant 0 : i32
          %dma_wait3A_44 = arith.constant 0 : i32
          %dma_wait3A_45 = tpu.memref_slice %dma_wait3A_42[%dma_wait3A_43, %dma_wait3A_44] : memref<10112x16xf32, #tpu.memory_space<vmem_shared>> -> memref<10112x16xf32, #tpu.memory_space<vmem_shared>>
          tpu.wait_indirect_dma semaphore(%arg10 : memref<!tpu.dma_semaphore, #tpu.memory_space<semaphore_mem>>) src(%arg8 : memref<128x16xf32, #tpu.memory_space<vmem>>) dst(%dma_wait3A_45 : memref<10112x16xf32, #tpu.memory_space<vmem_shared>>)
        }
        %scan3A_34 = arith.constant 8 : i32
      }
      %scan3A_23 = arith.constant 10 : i32
    }
    %scan3A_11 = arith.constant 3 : i32
    %barrier3A_12 = arith.constant 0 : index
    tpu.barrier barrier_id(%barrier3A_12)
    %scan3A_13 = arith.constant 0 : i32
    %scan3A_14 = arith.constant 3 : i32
    %scan3A_15 = arith.addi %scan3A_13, %scan3A_14 : i32
    %scan3A_16 = arith.constant 1 : i32
    scf.for %scan3A_18 = %scan3A_13 to %scan3A_15 step %scan3A_16  : i32 {
      "tpu.region"() ({
        %run_scoped3A = tpu.sem_alloc : memref<!tpu.dma_semaphore, #tpu.memory_space<semaphore_mem>>
        %dma_start3A = arith.constant 0 : i32
        %dma_start3A_19 = tpu.memref_slice %arg6[%scan3A_18, %mul3A_2, %dma_start3A] : memref<3x10112x16xf32, #tpu.memory_space<vmem_shared>> -> memref<1x632x16xf32, #tpu.memory_space<vmem_shared>>
        %dma_start3A_20 = tpu.memref_squeeze %dma_start3A_19 : memref<1x632x16xf32, #tpu.memory_space<vmem_shared>> -> memref<632x16xf32, #tpu.memory_space<vmem_shared>>
        %dma_start3A_21 = arith.constant 0 : i32
        %dma_start3A_22 = tpu.memref_slice %arg6[%scan3A_18, %mul3A_2, %dma_start3A_21] : memref<3x10112x16xf32, #tpu.memory_space<vmem_shared>> -> memref<1x632x16xf32, #tpu.memory_space<vmem_shared>>
        %dma_start3A_23 = tpu.memref_squeeze %dma_start3A_22 : memref<1x632x16xf32, #tpu.memory_space<vmem_shared>> -> memref<632x16xf32, #tpu.memory_space<vmem_shared>>
        tpu.enqueue_dma source(%dma_start3A_23 : memref<632x16xf32, #tpu.memory_space<vmem_shared>>) target(%arg9 : memref<632x16xf32, #tpu.memory_space<vmem>>) target_semaphore(%run_scoped3A : memref<!tpu.dma_semaphore, #tpu.memory_space<semaphore_mem>>)
        %dma_wait3A = arith.constant 0 : i32
        %dma_wait3A_24 = tpu.memref_slice %arg6[%scan3A_18, %mul3A_2, %dma_wait3A] : memref<3x10112x16xf32, #tpu.memory_space<vmem_shared>> -> memref<1x632x16xf32, #tpu.memory_space<vmem_shared>>
        %dma_wait3A_25 = tpu.memref_squeeze %dma_wait3A_24 : memref<1x632x16xf32, #tpu.memory_space<vmem_shared>> -> memref<632x16xf32, #tpu.memory_space<vmem_shared>>
        %dma_wait3A_26 = arith.constant 0 : i32
        %dma_wait3A_27 = tpu.memref_slice %arg6[%scan3A_18, %mul3A_2, %dma_wait3A_26] : memref<3x10112x16xf32, #tpu.memory_space<vmem_shared>> -> memref<1x632x16xf32, #tpu.memory_space<vmem_shared>>
        %dma_wait3A_28 = tpu.memref_squeeze %dma_wait3A_27 : memref<1x632x16xf32, #tpu.memory_space<vmem_shared>> -> memref<632x16xf32, #tpu.memory_space<vmem_shared>>
        tpu.wait_dma2 semaphore(%run_scoped3A : memref<!tpu.dma_semaphore, #tpu.memory_space<semaphore_mem>>) src(%dma_wait3A_28 : memref<632x16xf32, #tpu.memory_space<vmem_shared>>) dst(%arg9 : memref<632x16xf32, #tpu.memory_space<vmem>>)
        tpu.yield
      }) : () -> ()
      "tpu.region"() ({
        %run_scoped3A = tpu.sem_alloc : memref<!tpu.dma_semaphore, #tpu.memory_space<semaphore_mem>>
        %dma_start3A = arith.constant 0 : i32
        %dma_start3A_19 = tpu.memref_slice %arg5[%arg0, %scan3A_18, %mul3A_2, %dma_start3A] : memref<2x3x10112x16xf32, #tpu.memory_space<hbm>> -> memref<1x1x632x16xf32, #tpu.memory_space<hbm>>
        %dma_start3A_20 = tpu.memref_squeeze %dma_start3A_19 : memref<1x1x632x16xf32, #tpu.memory_space<hbm>> -> memref<632x16xf32, #tpu.memory_space<hbm>>
        %dma_start3A_21 = arith.constant 0 : i32
        %dma_start3A_22 = tpu.memref_slice %arg5[%arg0, %scan3A_18, %mul3A_2, %dma_start3A_21] : memref<2x3x10112x16xf32, #tpu.memory_space<hbm>> -> memref<1x1x632x16xf32, #tpu.memory_space<hbm>>
        %dma_start3A_23 = tpu.memref_squeeze %dma_start3A_22 : memref<1x1x632x16xf32, #tpu.memory_space<hbm>> -> memref<632x16xf32, #tpu.memory_space<hbm>>
        tpu.enqueue_dma source(%arg9 : memref<632x16xf32, #tpu.memory_space<vmem>>) target(%dma_start3A_23 : memref<632x16xf32, #tpu.memory_space<hbm>>) target_semaphore(%run_scoped3A : memref<!tpu.dma_semaphore, #tpu.memory_space<semaphore_mem>>)
        %dma_wait3A = arith.constant 0 : i32
        %dma_wait3A_24 = tpu.memref_slice %arg5[%arg0, %scan3A_18, %mul3A_2, %dma_wait3A] : memref<2x3x10112x16xf32, #tpu.memory_space<hbm>> -> memref<1x1x632x16xf32, #tpu.memory_space<hbm>>
        %dma_wait3A_25 = tpu.memref_squeeze %dma_wait3A_24 : memref<1x1x632x16xf32, #tpu.memory_space<hbm>> -> memref<632x16xf32, #tpu.memory_space<hbm>>
        %dma_wait3A_26 = arith.constant 0 : i32
        %dma_wait3A_27 = tpu.memref_slice %arg5[%arg0, %scan3A_18, %mul3A_2, %dma_wait3A_26] : memref<2x3x10112x16xf32, #tpu.memory_space<hbm>> -> memref<1x1x632x16xf32, #tpu.memory_space<hbm>>
        %dma_wait3A_28 = tpu.memref_squeeze %dma_wait3A_27 : memref<1x1x632x16xf32, #tpu.memory_space<hbm>> -> memref<632x16xf32, #tpu.memory_space<hbm>>
        tpu.wait_dma2 semaphore(%run_scoped3A : memref<!tpu.dma_semaphore, #tpu.memory_space<semaphore_mem>>) src(%arg9 : memref<632x16xf32, #tpu.memory_space<vmem>>) dst(%dma_wait3A_28 : memref<632x16xf32, #tpu.memory_space<hbm>>)
        tpu.yield
      }) : () -> ()
    }
    %scan3A_17 = arith.constant 3 : i32
    return
  }
}

#map = affine_map<(d0, d1) -> (0, 0, 0)>
#map1 = affine_map<(d0, d1) -> (0, 0, 0, 0)>
#map2 = affine_map<(d0, d1) -> (0, 0)>
module attributes {stable_mosaic.version = 14 : i64} {
  func.func @_msg_l1(%arg0: i32, %arg1: i32, %arg2: memref<3x10000x128xbf16, #tpu.memory_space<hbm>>, %arg3: memref<3x32x160x64xi32, #tpu.memory_space<hbm>>, %arg4: memref<3x32x160x64xi32, #tpu.memory_space<hbm>>, %arg5: memref<10112x128xf32, #tpu.memory_space<hbm>>, %arg6: memref<2x3x10112x128xf32, #tpu.memory_space<hbm>>, %arg7: memref<10112x128xf32, #tpu.memory_space<vmem_shared>>, %arg8: memref<160x64xi32, #tpu.memory_space<vmem>>, %arg9: memref<160x64xi32, #tpu.memory_space<vmem>>, %arg10: memref<128x128xbf16, #tpu.memory_space<vmem>>, %arg11: memref<128x128xf32, #tpu.memory_space<vmem>>, %arg12: memref<!tpu.dma_semaphore, #tpu.memory_space<semaphore_mem>>, %arg13: memref<!tpu.dma_semaphore, #tpu.memory_space<semaphore_mem>>) attributes {dimension_semantics = [#tpu.dimension_semantics<core_parallel>, #tpu.dimension_semantics<subcore_parallel>], iteration_bounds = array<i64: 2, 16>, scalar_prefetch = 0 : i64, scratch_operands = 7 : i64, tpu.core_type = #tpu.core_type<sc_vector_subcore>, window_params = [{transform_indices = #map}, {transform_indices = #map1}, {transform_indices = #map1}, {transform_indices = #map2}, {transform_indices = #map1}]} {
    %mul3A = arith.constant 2 : i32
    %mul3A_0 = arith.muli %arg1, %mul3A : i32
    %add3A = arith.addi %mul3A_0, %arg0 : i32
    %mul3A_1 = arith.constant 632 : i32
    %mul3A_2 = arith.muli %arg1, %mul3A_1 : i32
    %scan3A = arith.constant 0 : i32
    %scan3A_3 = arith.constant 3 : i32
    %scan3A_4 = arith.addi %scan3A, %scan3A_3 : i32
    %scan3A_5 = arith.constant 1 : i32
    scf.for %scan3A_7 = %scan3A to %scan3A_4 step %scan3A_5  : i32 {
      "tpu.region"() ({
        %run_scoped3A = tpu.sem_alloc : memref<!tpu.dma_semaphore, #tpu.memory_space<semaphore_mem>>
        %dma_start3A_46 = arith.constant 0 : i32
        %dma_start3A_47 = arith.constant 0 : i32
        %dma_start3A_48 = tpu.memref_slice %arg3[%scan3A_7, %add3A, %dma_start3A_46, %dma_start3A_47] : memref<3x32x160x64xi32, #tpu.memory_space<hbm>> -> memref<1x1x160x64xi32, #tpu.memory_space<hbm>>
        %dma_start3A_49 = tpu.memref_squeeze %dma_start3A_48 : memref<1x1x160x64xi32, #tpu.memory_space<hbm>> -> memref<160x64xi32, #tpu.memory_space<hbm>>
        %dma_start3A_50 = arith.constant 0 : i32
        %dma_start3A_51 = arith.constant 0 : i32
        %dma_start3A_52 = tpu.memref_slice %arg3[%scan3A_7, %add3A, %dma_start3A_50, %dma_start3A_51] : memref<3x32x160x64xi32, #tpu.memory_space<hbm>> -> memref<1x1x160x64xi32, #tpu.memory_space<hbm>>
        %dma_start3A_53 = tpu.memref_squeeze %dma_start3A_52 : memref<1x1x160x64xi32, #tpu.memory_space<hbm>> -> memref<160x64xi32, #tpu.memory_space<hbm>>
        tpu.enqueue_dma source(%dma_start3A_53 : memref<160x64xi32, #tpu.memory_space<hbm>>) target(%arg8 : memref<160x64xi32, #tpu.memory_space<vmem>>) target_semaphore(%run_scoped3A : memref<!tpu.dma_semaphore, #tpu.memory_space<semaphore_mem>>)
        %dma_wait3A_54 = arith.constant 0 : i32
        %dma_wait3A_55 = arith.constant 0 : i32
        %dma_wait3A_56 = tpu.memref_slice %arg3[%scan3A_7, %add3A, %dma_wait3A_54, %dma_wait3A_55] : memref<3x32x160x64xi32, #tpu.memory_space<hbm>> -> memref<1x1x160x64xi32, #tpu.memory_space<hbm>>
        %dma_wait3A_57 = tpu.memref_squeeze %dma_wait3A_56 : memref<1x1x160x64xi32, #tpu.memory_space<hbm>> -> memref<160x64xi32, #tpu.memory_space<hbm>>
        %dma_wait3A_58 = arith.constant 0 : i32
        %dma_wait3A_59 = arith.constant 0 : i32
        %dma_wait3A_60 = tpu.memref_slice %arg3[%scan3A_7, %add3A, %dma_wait3A_58, %dma_wait3A_59] : memref<3x32x160x64xi32, #tpu.memory_space<hbm>> -> memref<1x1x160x64xi32, #tpu.memory_space<hbm>>
        %dma_wait3A_61 = tpu.memref_squeeze %dma_wait3A_60 : memref<1x1x160x64xi32, #tpu.memory_space<hbm>> -> memref<160x64xi32, #tpu.memory_space<hbm>>
        tpu.wait_dma2 semaphore(%run_scoped3A : memref<!tpu.dma_semaphore, #tpu.memory_space<semaphore_mem>>) src(%dma_wait3A_61 : memref<160x64xi32, #tpu.memory_space<hbm>>) dst(%arg8 : memref<160x64xi32, #tpu.memory_space<vmem>>)
        tpu.yield
      }) : () -> ()
      "tpu.region"() ({
        %run_scoped3A = tpu.sem_alloc : memref<!tpu.dma_semaphore, #tpu.memory_space<semaphore_mem>>
        %dma_start3A_46 = arith.constant 0 : i32
        %dma_start3A_47 = arith.constant 0 : i32
        %dma_start3A_48 = tpu.memref_slice %arg4[%scan3A_7, %add3A, %dma_start3A_46, %dma_start3A_47] : memref<3x32x160x64xi32, #tpu.memory_space<hbm>> -> memref<1x1x160x64xi32, #tpu.memory_space<hbm>>
        %dma_start3A_49 = tpu.memref_squeeze %dma_start3A_48 : memref<1x1x160x64xi32, #tpu.memory_space<hbm>> -> memref<160x64xi32, #tpu.memory_space<hbm>>
        %dma_start3A_50 = arith.constant 0 : i32
        %dma_start3A_51 = arith.constant 0 : i32
        %dma_start3A_52 = tpu.memref_slice %arg4[%scan3A_7, %add3A, %dma_start3A_50, %dma_start3A_51] : memref<3x32x160x64xi32, #tpu.memory_space<hbm>> -> memref<1x1x160x64xi32, #tpu.memory_space<hbm>>
        %dma_start3A_53 = tpu.memref_squeeze %dma_start3A_52 : memref<1x1x160x64xi32, #tpu.memory_space<hbm>> -> memref<160x64xi32, #tpu.memory_space<hbm>>
        tpu.enqueue_dma source(%dma_start3A_53 : memref<160x64xi32, #tpu.memory_space<hbm>>) target(%arg9 : memref<160x64xi32, #tpu.memory_space<vmem>>) target_semaphore(%run_scoped3A : memref<!tpu.dma_semaphore, #tpu.memory_space<semaphore_mem>>)
        %dma_wait3A_54 = arith.constant 0 : i32
        %dma_wait3A_55 = arith.constant 0 : i32
        %dma_wait3A_56 = tpu.memref_slice %arg4[%scan3A_7, %add3A, %dma_wait3A_54, %dma_wait3A_55] : memref<3x32x160x64xi32, #tpu.memory_space<hbm>> -> memref<1x1x160x64xi32, #tpu.memory_space<hbm>>
        %dma_wait3A_57 = tpu.memref_squeeze %dma_wait3A_56 : memref<1x1x160x64xi32, #tpu.memory_space<hbm>> -> memref<160x64xi32, #tpu.memory_space<hbm>>
        %dma_wait3A_58 = arith.constant 0 : i32
        %dma_wait3A_59 = arith.constant 0 : i32
        %dma_wait3A_60 = tpu.memref_slice %arg4[%scan3A_7, %add3A, %dma_wait3A_58, %dma_wait3A_59] : memref<3x32x160x64xi32, #tpu.memory_space<hbm>> -> memref<1x1x160x64xi32, #tpu.memory_space<hbm>>
        %dma_wait3A_61 = tpu.memref_squeeze %dma_wait3A_60 : memref<1x1x160x64xi32, #tpu.memory_space<hbm>> -> memref<160x64xi32, #tpu.memory_space<hbm>>
        tpu.wait_dma2 semaphore(%run_scoped3A : memref<!tpu.dma_semaphore, #tpu.memory_space<semaphore_mem>>) src(%dma_wait3A_61 : memref<160x64xi32, #tpu.memory_space<hbm>>) dst(%arg9 : memref<160x64xi32, #tpu.memory_space<vmem>>)
        tpu.yield
      }) : () -> ()
      "tpu.region"() ({
        %run_scoped3A = tpu.sem_alloc : memref<!tpu.dma_semaphore, #tpu.memory_space<semaphore_mem>>
        %dma_start3A_46 = arith.constant 0 : i32
        %dma_start3A_47 = tpu.memref_slice %arg7[%mul3A_2, %dma_start3A_46] : memref<10112x128xf32, #tpu.memory_space<vmem_shared>> -> memref<632x128xf32, #tpu.memory_space<vmem_shared>>
        %dma_start3A_48 = arith.constant 0 : i32
        %dma_start3A_49 = tpu.memref_slice %arg5[%mul3A_2, %dma_start3A_48] : memref<10112x128xf32, #tpu.memory_space<hbm>> -> memref<632x128xf32, #tpu.memory_space<hbm>>
        tpu.enqueue_dma source(%dma_start3A_49 : memref<632x128xf32, #tpu.memory_space<hbm>>) target(%dma_start3A_47 : memref<632x128xf32, #tpu.memory_space<vmem_shared>>) target_semaphore(%run_scoped3A : memref<!tpu.dma_semaphore, #tpu.memory_space<semaphore_mem>>)
        %dma_wait3A_50 = arith.constant 0 : i32
        %dma_wait3A_51 = tpu.memref_slice %arg7[%mul3A_2, %dma_wait3A_50] : memref<10112x128xf32, #tpu.memory_space<vmem_shared>> -> memref<632x128xf32, #tpu.memory_space<vmem_shared>>
        %dma_wait3A_52 = arith.constant 0 : i32
        %dma_wait3A_53 = tpu.memref_slice %arg5[%mul3A_2, %dma_wait3A_52] : memref<10112x128xf32, #tpu.memory_space<hbm>> -> memref<632x128xf32, #tpu.memory_space<hbm>>
        tpu.wait_dma2 semaphore(%run_scoped3A : memref<!tpu.dma_semaphore, #tpu.memory_space<semaphore_mem>>) src(%dma_wait3A_53 : memref<632x128xf32, #tpu.memory_space<hbm>>) dst(%dma_wait3A_51 : memref<632x128xf32, #tpu.memory_space<vmem_shared>>)
        tpu.yield
      }) : () -> ()
      %barrier3A = arith.constant 0 : index
      tpu.barrier barrier_id(%barrier3A)
      %dma_start3A = arith.constant 0 : i32
      %dma_start3A_8 = arith.constant 0 : i32
      %dma_start3A_9 = arith.constant 0 : i32
      %dma_start3A_10 = tpu.memref_slice %arg10[%dma_start3A_8, %dma_start3A_9] : memref<128x128xbf16, #tpu.memory_space<vmem>> -> memref<64x128xbf16, #tpu.memory_space<vmem>>
      %dma_start3A_11 = arith.constant 0 : i32
      %dma_start3A_12 = tpu.memref_slice %arg8[%dma_start3A, %dma_start3A_11] : memref<160x64xi32, #tpu.memory_space<vmem>> -> memref<1x64xi32, #tpu.memory_space<vmem>>
      %dma_start3A_13 = tpu.memref_squeeze %dma_start3A_12 : memref<1x64xi32, #tpu.memory_space<vmem>> -> memref<64xi32, #tpu.memory_space<vmem>>
      %dma_start3A_14 = arith.constant 0 : i32
      %dma_start3A_15 = arith.constant 0 : i32
      %dma_start3A_16 = tpu.memref_slice %arg2[%scan3A_7, %dma_start3A_14, %dma_start3A_15] : memref<3x10000x128xbf16, #tpu.memory_space<hbm>> -> memref<1x10000x128xbf16, #tpu.memory_space<hbm>>
      %dma_start3A_17 = tpu.memref_squeeze %dma_start3A_16 : memref<1x10000x128xbf16, #tpu.memory_space<hbm>> -> memref<10000x128xbf16, #tpu.memory_space<hbm>>
      %dma_start3A_18 = arith.constant 0 : i32
      %dma_start3A_19 = arith.constant 0 : i32
      %dma_start3A_20 = tpu.memref_slice %dma_start3A_17[%dma_start3A_18, %dma_start3A_19] : memref<10000x128xbf16, #tpu.memory_space<hbm>> -> memref<10000x128xbf16, #tpu.memory_space<hbm>>
      tpu.enqueue_indirect_dma source(%dma_start3A_20 : memref<10000x128xbf16, #tpu.memory_space<hbm>>) target(%dma_start3A_10 : memref<64x128xbf16, #tpu.memory_space<vmem>>) offsets(%dma_start3A_13 : memref<64xi32, #tpu.memory_space<vmem>>) semaphore(%arg12 : memref<!tpu.dma_semaphore, #tpu.memory_space<semaphore_mem>>)
      %scan3A_21 = arith.constant 0 : i32
      %scan3A_22 = arith.constant 160 : i32
      %scan3A_23 = arith.addi %scan3A_21, %scan3A_22 : i32
      %scan3A_24 = arith.constant 1 : i32
      scf.for %scan3A_46 = %scan3A_21 to %scan3A_23 step %scan3A_24  : i32 {
        %jit3A = arith.constant 2 : i32
        %eq3A = arith.constant 0 : i32
        %eq3A_47 = arith.cmpi eq, %jit3A, %eq3A : i32
        %jit3A_48 = arith.constant 1 : i32
        %select_n3A = arith.select %eq3A_47, %jit3A_48, %jit3A : i32
        %rem3A = arith.remsi %scan3A_46, %select_n3A : i32
        %ne3A = arith.constant 0 : i32
        %ne3A_49 = arith.cmpi ne, %rem3A, %ne3A : i32
        %lt3A = arith.constant 0 : i32
        %lt3A_50 = arith.cmpi slt, %rem3A, %lt3A : i32
        %lt3A_51 = arith.constant 0 : i32
        %lt3A_52 = arith.cmpi slt, %select_n3A, %lt3A_51 : i32
        %ne3A_53 = arith.xori %lt3A_50, %lt3A_52 : i1
        %and3A = arith.andi %ne3A_53, %ne3A_49 : i1
        %add3A_54 = arith.addi %rem3A, %select_n3A : i32
        %select_n3A_55 = arith.select %and3A, %add3A_54, %rem3A : i32
        %mul3A_56 = arith.constant 64 : i32
        %mul3A_57 = arith.muli %select_n3A_55, %mul3A_56 : i32
        %add3A_58 = arith.constant 1 : i32
        %add3A_59 = arith.addi %scan3A_46, %add3A_58 : i32
        %jit3A_60 = arith.constant 2 : i32
        %eq3A_61 = arith.constant 0 : i32
        %eq3A_62 = arith.cmpi eq, %jit3A_60, %eq3A_61 : i32
        %jit3A_63 = arith.constant 1 : i32
        %select_n3A_64 = arith.select %eq3A_62, %jit3A_63, %jit3A_60 : i32
        %rem3A_65 = arith.remsi %add3A_59, %select_n3A_64 : i32
        %ne3A_66 = arith.constant 0 : i32
        %ne3A_67 = arith.cmpi ne, %rem3A_65, %ne3A_66 : i32
        %lt3A_68 = arith.constant 0 : i32
        %lt3A_69 = arith.cmpi slt, %rem3A_65, %lt3A_68 : i32
        %lt3A_70 = arith.constant 0 : i32
        %lt3A_71 = arith.cmpi slt, %select_n3A_64, %lt3A_70 : i32
        %ne3A_72 = arith.xori %lt3A_69, %lt3A_71 : i1
        %and3A_73 = arith.andi %ne3A_72, %ne3A_67 : i1
        %add3A_74 = arith.addi %rem3A_65, %select_n3A_64 : i32
        %select_n3A_75 = arith.select %and3A_73, %add3A_74, %rem3A_65 : i32
        %mul3A_76 = arith.constant 64 : i32
        %mul3A_77 = arith.muli %select_n3A_75, %mul3A_76 : i32
        %dma_wait3A_78 = arith.constant 0 : i32
        %dma_wait3A_79 = tpu.memref_slice %arg10[%mul3A_57, %dma_wait3A_78] : memref<128x128xbf16, #tpu.memory_space<vmem>> -> memref<64x128xbf16, #tpu.memory_space<vmem>>
        %dma_wait3A_80 = arith.constant 0 : i32
        %dma_wait3A_81 = tpu.memref_slice %arg8[%scan3A_46, %dma_wait3A_80] : memref<160x64xi32, #tpu.memory_space<vmem>> -> memref<1x64xi32, #tpu.memory_space<vmem>>
        %dma_wait3A_82 = tpu.memref_squeeze %dma_wait3A_81 : memref<1x64xi32, #tpu.memory_space<vmem>> -> memref<64xi32, #tpu.memory_space<vmem>>
        %dma_wait3A_83 = arith.constant 0 : i32
        %dma_wait3A_84 = arith.constant 0 : i32
        %dma_wait3A_85 = tpu.memref_slice %arg2[%scan3A_7, %dma_wait3A_83, %dma_wait3A_84] : memref<3x10000x128xbf16, #tpu.memory_space<hbm>> -> memref<1x10000x128xbf16, #tpu.memory_space<hbm>>
        %dma_wait3A_86 = tpu.memref_squeeze %dma_wait3A_85 : memref<1x10000x128xbf16, #tpu.memory_space<hbm>> -> memref<10000x128xbf16, #tpu.memory_space<hbm>>
        %dma_wait3A_87 = arith.constant 0 : i32
        %dma_wait3A_88 = arith.constant 0 : i32
        %dma_wait3A_89 = tpu.memref_slice %dma_wait3A_86[%dma_wait3A_87, %dma_wait3A_88] : memref<10000x128xbf16, #tpu.memory_space<hbm>> -> memref<10000x128xbf16, #tpu.memory_space<hbm>>
        tpu.wait_indirect_dma semaphore(%arg12 : memref<!tpu.dma_semaphore, #tpu.memory_space<semaphore_mem>>) src(%dma_wait3A_89 : memref<10000x128xbf16, #tpu.memory_space<hbm>>) dst(%dma_wait3A_79 : memref<64x128xbf16, #tpu.memory_space<vmem>>)
        %add3A_90 = arith.constant 1 : i32
        %add3A_91 = arith.addi %scan3A_46, %add3A_90 : i32
        %lt3A_92 = arith.constant 160 : i32
        %lt3A_93 = arith.cmpi slt, %add3A_91, %lt3A_92 : i32
        %convert_element_type3A = arith.extui %lt3A_93 : i1 to i32
        %cond3A = arith.constant 0 : i32
        %cond3A_94 = arith.cmpi ne, %convert_element_type3A, %cond3A : i32
        scf.if %cond3A_94 {
          %add3A_112 = arith.constant 1 : i32
          %add3A_113 = arith.addi %scan3A_46, %add3A_112 : i32
          %dma_start3A_114 = arith.constant 0 : i32
          %dma_start3A_115 = tpu.memref_slice %arg10[%mul3A_77, %dma_start3A_114] : memref<128x128xbf16, #tpu.memory_space<vmem>> -> memref<64x128xbf16, #tpu.memory_space<vmem>>
          %dma_start3A_116 = arith.constant 0 : i32
          %dma_start3A_117 = tpu.memref_slice %arg8[%add3A_113, %dma_start3A_116] : memref<160x64xi32, #tpu.memory_space<vmem>> -> memref<1x64xi32, #tpu.memory_space<vmem>>
          %dma_start3A_118 = tpu.memref_squeeze %dma_start3A_117 : memref<1x64xi32, #tpu.memory_space<vmem>> -> memref<64xi32, #tpu.memory_space<vmem>>
          %dma_start3A_119 = arith.constant 0 : i32
          %dma_start3A_120 = arith.constant 0 : i32
          %dma_start3A_121 = tpu.memref_slice %arg2[%scan3A_7, %dma_start3A_119, %dma_start3A_120] : memref<3x10000x128xbf16, #tpu.memory_space<hbm>> -> memref<1x10000x128xbf16, #tpu.memory_space<hbm>>
          %dma_start3A_122 = tpu.memref_squeeze %dma_start3A_121 : memref<1x10000x128xbf16, #tpu.memory_space<hbm>> -> memref<10000x128xbf16, #tpu.memory_space<hbm>>
          %dma_start3A_123 = arith.constant 0 : i32
          %dma_start3A_124 = arith.constant 0 : i32
          %dma_start3A_125 = tpu.memref_slice %dma_start3A_122[%dma_start3A_123, %dma_start3A_124] : memref<10000x128xbf16, #tpu.memory_space<hbm>> -> memref<10000x128xbf16, #tpu.memory_space<hbm>>
          tpu.enqueue_indirect_dma source(%dma_start3A_125 : memref<10000x128xbf16, #tpu.memory_space<hbm>>) target(%dma_start3A_115 : memref<64x128xbf16, #tpu.memory_space<vmem>>) offsets(%dma_start3A_118 : memref<64xi32, #tpu.memory_space<vmem>>) semaphore(%arg12 : memref<!tpu.dma_semaphore, #tpu.memory_space<semaphore_mem>>)
        } else {
        }
        %gt3A = arith.constant 1 : i32
        %gt3A_95 = arith.cmpi sgt, %scan3A_46, %gt3A : i32
        %convert_element_type3A_96 = arith.extui %gt3A_95 : i1 to i32
        %cond3A_97 = arith.constant 0 : i32
        %cond3A_98 = arith.cmpi ne, %convert_element_type3A_96, %cond3A_97 : i32
        scf.if %cond3A_98 {
          %dma_wait3A_112 = arith.constant 0 : i32
          %dma_wait3A_113 = arith.constant 0 : i32
          %dma_wait3A_114 = tpu.memref_slice %arg11[%mul3A_57, %dma_wait3A_113] : memref<128x128xf32, #tpu.memory_space<vmem>> -> memref<64x128xf32, #tpu.memory_space<vmem>>
          %dma_wait3A_115 = arith.constant 0 : i32
          %dma_wait3A_116 = tpu.memref_slice %arg9[%dma_wait3A_112, %dma_wait3A_115] : memref<160x64xi32, #tpu.memory_space<vmem>> -> memref<1x64xi32, #tpu.memory_space<vmem>>
          %dma_wait3A_117 = tpu.memref_squeeze %dma_wait3A_116 : memref<1x64xi32, #tpu.memory_space<vmem>> -> memref<64xi32, #tpu.memory_space<vmem>>
          %dma_wait3A_118 = arith.constant 0 : i32
          %dma_wait3A_119 = arith.constant 0 : i32
          %dma_wait3A_120 = tpu.memref_slice %arg7[%dma_wait3A_118, %dma_wait3A_119] : memref<10112x128xf32, #tpu.memory_space<vmem_shared>> -> memref<10112x128xf32, #tpu.memory_space<vmem_shared>>
          tpu.wait_indirect_dma semaphore(%arg13 : memref<!tpu.dma_semaphore, #tpu.memory_space<semaphore_mem>>) src(%dma_wait3A_114 : memref<64x128xf32, #tpu.memory_space<vmem>>) dst(%dma_wait3A_120 : memref<10112x128xf32, #tpu.memory_space<vmem_shared>>)
        } else {
        }
        %scan3A_99 = arith.constant 0 : i32
        %scan3A_100 = arith.constant 64 : i32
        %scan3A_101 = arith.addi %scan3A_99, %scan3A_100 : i32
        %scan3A_102 = arith.constant 1 : i32
        scf.for %scan3A_112 = %scan3A_99 to %scan3A_101 step %scan3A_102  : i32 {
          %add3A_113 = arith.addi %mul3A_57, %scan3A_112 : i32
          %get3A = arith.index_cast %add3A_113 : i32 to index
          %get3A_114 = arith.constant 0 : index
          %get3A_115 = tpu.vector_load %arg10[%get3A, %get3A_114] {strides = array<i32>} : memref<128x128xbf16, #tpu.memory_space<vmem>>, vector<32xbf16>,
          %bitcast3A = vector.bitcast %get3A_115 : vector<32xbf16> to vector<16xi32>
          %shift_left3A = arith.constant 16 : i32
          %shift_left3A_116 = vector.broadcast %shift_left3A : i32 to vector<16xi32>
          %shift_left3A_117 = arith.shli %bitcast3A, %shift_left3A_116 : vector<16xi32>
          %bitcast3A_118 = vector.bitcast %shift_left3A_117 : vector<16xi32> to vector<16xf32>
          %add3A_119 = arith.addi %mul3A_57, %scan3A_112 : i32
          %swap3A = arith.index_cast %add3A_119 : i32 to index
          %swap3A_120 = arith.constant 0 : index
          %swap3A_121 = tpu.vector_load %arg11[%swap3A, %swap3A_120] {strides = array<i32>} : memref<128x128xf32, #tpu.memory_space<vmem>>, vector<16xf32>,
          tpu.vector_store %arg11[%swap3A, %swap3A_120], %bitcast3A_118 {strides = array<i32>} : memref<128x128xf32, #tpu.memory_space<vmem>>, vector<16xf32>,
          %and3A_122 = arith.constant -65536 : i32
          %and3A_123 = vector.broadcast %and3A_122 : i32 to vector<16xi32>
          %and3A_124 = arith.andi %bitcast3A, %and3A_123 : vector<16xi32>
          %bitcast3A_125 = vector.bitcast %and3A_124 : vector<16xi32> to vector<16xf32>
          %add3A_126 = arith.addi %mul3A_57, %scan3A_112 : i32
          %swap3A_127 = arith.index_cast %add3A_126 : i32 to index
          %swap3A_128 = arith.constant 16 : index
          %swap3A_129 = tpu.vector_load %arg11[%swap3A_127, %swap3A_128] {strides = array<i32>} : memref<128x128xf32, #tpu.memory_space<vmem>>, vector<16xf32>,
          tpu.vector_store %arg11[%swap3A_127, %swap3A_128], %bitcast3A_125 {strides = array<i32>} : memref<128x128xf32, #tpu.memory_space<vmem>>, vector<16xf32>,
          %add3A_130 = arith.addi %mul3A_57, %scan3A_112 : i32
          %get3A_131 = arith.index_cast %add3A_130 : i32 to index
          %get3A_132 = arith.constant 32 : index
          %get3A_133 = tpu.vector_load %arg10[%get3A_131, %get3A_132] {strides = array<i32>} : memref<128x128xbf16, #tpu.memory_space<vmem>>, vector<32xbf16>,
          %bitcast3A_134 = vector.bitcast %get3A_133 : vector<32xbf16> to vector<16xi32>
          %shift_left3A_135 = arith.constant 16 : i32
          %shift_left3A_136 = vector.broadcast %shift_left3A_135 : i32 to vector<16xi32>
          %shift_left3A_137 = arith.shli %bitcast3A_134, %shift_left3A_136 : vector<16xi32>
          %bitcast3A_138 = vector.bitcast %shift_left3A_137 : vector<16xi32> to vector<16xf32>
          %add3A_139 = arith.addi %mul3A_57, %scan3A_112 : i32
          %swap3A_140 = arith.index_cast %add3A_139 : i32 to index
          %swap3A_141 = arith.constant 32 : index
          %swap3A_142 = tpu.vector_load %arg11[%swap3A_140, %swap3A_141] {strides = array<i32>} : memref<128x128xf32, #tpu.memory_space<vmem>>, vector<16xf32>,
          tpu.vector_store %arg11[%swap3A_140, %swap3A_141], %bitcast3A_138 {strides = array<i32>} : memref<128x128xf32, #tpu.memory_space<vmem>>, vector<16xf32>,
          %and3A_143 = arith.constant -65536 : i32
          %and3A_144 = vector.broadcast %and3A_143 : i32 to vector<16xi32>
          %and3A_145 = arith.andi %bitcast3A_134, %and3A_144 : vector<16xi32>
          %bitcast3A_146 = vector.bitcast %and3A_145 : vector<16xi32> to vector<16xf32>
          %add3A_147 = arith.addi %mul3A_57, %scan3A_112 : i32
          %swap3A_148 = arith.index_cast %add3A_147 : i32 to index
          %swap3A_149 = arith.constant 48 : index
          %swap3A_150 = tpu.vector_load %arg11[%swap3A_148, %swap3A_149] {strides = array<i32>} : memref<128x128xf32, #tpu.memory_space<vmem>>, vector<16xf32>,
          tpu.vector_store %arg11[%swap3A_148, %swap3A_149], %bitcast3A_146 {strides = array<i32>} : memref<128x128xf32, #tpu.memory_space<vmem>>, vector<16xf32>,
          %add3A_151 = arith.addi %mul3A_57, %scan3A_112 : i32
          %get3A_152 = arith.index_cast %add3A_151 : i32 to index
          %get3A_153 = arith.constant 64 : index
          %get3A_154 = tpu.vector_load %arg10[%get3A_152, %get3A_153] {strides = array<i32>} : memref<128x128xbf16, #tpu.memory_space<vmem>>, vector<32xbf16>,
          %bitcast3A_155 = vector.bitcast %get3A_154 : vector<32xbf16> to vector<16xi32>
          %shift_left3A_156 = arith.constant 16 : i32
          %shift_left3A_157 = vector.broadcast %shift_left3A_156 : i32 to vector<16xi32>
          %shift_left3A_158 = arith.shli %bitcast3A_155, %shift_left3A_157 : vector<16xi32>
          %bitcast3A_159 = vector.bitcast %shift_left3A_158 : vector<16xi32> to vector<16xf32>
          %add3A_160 = arith.addi %mul3A_57, %scan3A_112 : i32
          %swap3A_161 = arith.index_cast %add3A_160 : i32 to index
          %swap3A_162 = arith.constant 64 : index
          %swap3A_163 = tpu.vector_load %arg11[%swap3A_161, %swap3A_162] {strides = array<i32>} : memref<128x128xf32, #tpu.memory_space<vmem>>, vector<16xf32>,
          tpu.vector_store %arg11[%swap3A_161, %swap3A_162], %bitcast3A_159 {strides = array<i32>} : memref<128x128xf32, #tpu.memory_space<vmem>>, vector<16xf32>,
          %and3A_164 = arith.constant -65536 : i32
          %and3A_165 = vector.broadcast %and3A_164 : i32 to vector<16xi32>
          %and3A_166 = arith.andi %bitcast3A_155, %and3A_165 : vector<16xi32>
          %bitcast3A_167 = vector.bitcast %and3A_166 : vector<16xi32> to vector<16xf32>
          %add3A_168 = arith.addi %mul3A_57, %scan3A_112 : i32
          %swap3A_169 = arith.index_cast %add3A_168 : i32 to index
          %swap3A_170 = arith.constant 80 : index
          %swap3A_171 = tpu.vector_load %arg11[%swap3A_169, %swap3A_170] {strides = array<i32>} : memref<128x128xf32, #tpu.memory_space<vmem>>, vector<16xf32>,
          tpu.vector_store %arg11[%swap3A_169, %swap3A_170], %bitcast3A_167 {strides = array<i32>} : memref<128x128xf32, #tpu.memory_space<vmem>>, vector<16xf32>,
          %add3A_172 = arith.addi %mul3A_57, %scan3A_112 : i32
          %get3A_173 = arith.index_cast %add3A_172 : i32 to index
          %get3A_174 = arith.constant 96 : index
          %get3A_175 = tpu.vector_load %arg10[%get3A_173, %get3A_174] {strides = array<i32>} : memref<128x128xbf16, #tpu.memory_space<vmem>>, vector<32xbf16>,
          %bitcast3A_176 = vector.bitcast %get3A_175 : vector<32xbf16> to vector<16xi32>
          %shift_left3A_177 = arith.constant 16 : i32
          %shift_left3A_178 = vector.broadcast %shift_left3A_177 : i32 to vector<16xi32>
          %shift_left3A_179 = arith.shli %bitcast3A_176, %shift_left3A_178 : vector<16xi32>
          %bitcast3A_180 = vector.bitcast %shift_left3A_179 : vector<16xi32> to vector<16xf32>
          %add3A_181 = arith.addi %mul3A_57, %scan3A_112 : i32
          %swap3A_182 = arith.index_cast %add3A_181 : i32 to index
          %swap3A_183 = arith.constant 96 : index
          %swap3A_184 = tpu.vector_load %arg11[%swap3A_182, %swap3A_183] {strides = array<i32>} : memref<128x128xf32, #tpu.memory_space<vmem>>, vector<16xf32>,
          tpu.vector_store %arg11[%swap3A_182, %swap3A_183], %bitcast3A_180 {strides = array<i32>} : memref<128x128xf32, #tpu.memory_space<vmem>>, vector<16xf32>,
          %and3A_185 = arith.constant -65536 : i32
          %and3A_186 = vector.broadcast %and3A_185 : i32 to vector<16xi32>
          %and3A_187 = arith.andi %bitcast3A_176, %and3A_186 : vector<16xi32>
          %bitcast3A_188 = vector.bitcast %and3A_187 : vector<16xi32> to vector<16xf32>
          %add3A_189 = arith.addi %mul3A_57, %scan3A_112 : i32
          %swap3A_190 = arith.index_cast %add3A_189 : i32 to index
          %swap3A_191 = arith.constant 112 : index
          %swap3A_192 = tpu.vector_load %arg11[%swap3A_190, %swap3A_191] {strides = array<i32>} : memref<128x128xf32, #tpu.memory_space<vmem>>, vector<16xf32>,
          tpu.vector_store %arg11[%swap3A_190, %swap3A_191], %bitcast3A_188 {strides = array<i32>} : memref<128x128xf32, #tpu.memory_space<vmem>>, vector<16xf32>,
        }
        %scan3A_103 = arith.constant 64 : i32
        %dma_start3A_104 = arith.constant 0 : i32
        %dma_start3A_105 = tpu.memref_slice %arg11[%mul3A_57, %dma_start3A_104] : memref<128x128xf32, #tpu.memory_space<vmem>> -> memref<64x128xf32, #tpu.memory_space<vmem>>
        %dma_start3A_106 = arith.constant 0 : i32
        %dma_start3A_107 = tpu.memref_slice %arg9[%scan3A_46, %dma_start3A_106] : memref<160x64xi32, #tpu.memory_space<vmem>> -> memref<1x64xi32, #tpu.memory_space<vmem>>
        %dma_start3A_108 = tpu.memref_squeeze %dma_start3A_107 : memref<1x64xi32, #tpu.memory_space<vmem>> -> memref<64xi32, #tpu.memory_space<vmem>>
        %dma_start3A_109 = arith.constant 0 : i32
        %dma_start3A_110 = arith.constant 0 : i32
        %dma_start3A_111 = tpu.memref_slice %arg7[%dma_start3A_109, %dma_start3A_110] : memref<10112x128xf32, #tpu.memory_space<vmem_shared>> -> memref<10112x128xf32, #tpu.memory_space<vmem_shared>>
        tpu.enqueue_indirect_dma source(%dma_start3A_105 : memref<64x128xf32, #tpu.memory_space<vmem>>) target(%dma_start3A_111 : memref<10112x128xf32, #tpu.memory_space<vmem_shared>>) offsets(%dma_start3A_108 : memref<64xi32, #tpu.memory_space<vmem>>) semaphore(%arg13 : memref<!tpu.dma_semaphore, #tpu.memory_space<semaphore_mem>>) {add = true}
      }
      %scan3A_25 = arith.constant 160 : i32
      %dma_wait3A = arith.constant 0 : i32
      %dma_wait3A_26 = arith.constant 0 : i32
      %dma_wait3A_27 = arith.constant 0 : i32
      %dma_wait3A_28 = tpu.memref_slice %arg11[%dma_wait3A_26, %dma_wait3A_27] : memref<128x128xf32, #tpu.memory_space<vmem>> -> memref<64x128xf32, #tpu.memory_space<vmem>>
      %dma_wait3A_29 = arith.constant 0 : i32
      %dma_wait3A_30 = tpu.memref_slice %arg9[%dma_wait3A, %dma_wait3A_29] : memref<160x64xi32, #tpu.memory_space<vmem>> -> memref<1x64xi32, #tpu.memory_space<vmem>>
      %dma_wait3A_31 = tpu.memref_squeeze %dma_wait3A_30 : memref<1x64xi32, #tpu.memory_space<vmem>> -> memref<64xi32, #tpu.memory_space<vmem>>
      %dma_wait3A_32 = arith.constant 0 : i32
      %dma_wait3A_33 = arith.constant 0 : i32
      %dma_wait3A_34 = tpu.memref_slice %arg7[%dma_wait3A_32, %dma_wait3A_33] : memref<10112x128xf32, #tpu.memory_space<vmem_shared>> -> memref<10112x128xf32, #tpu.memory_space<vmem_shared>>
      tpu.wait_indirect_dma semaphore(%arg13 : memref<!tpu.dma_semaphore, #tpu.memory_space<semaphore_mem>>) src(%dma_wait3A_28 : memref<64x128xf32, #tpu.memory_space<vmem>>) dst(%dma_wait3A_34 : memref<10112x128xf32, #tpu.memory_space<vmem_shared>>)
      %dma_wait3A_35 = arith.constant 0 : i32
      %dma_wait3A_36 = arith.constant 64 : i32
      %dma_wait3A_37 = arith.constant 0 : i32
      %dma_wait3A_38 = tpu.memref_slice %arg11[%dma_wait3A_36, %dma_wait3A_37] : memref<128x128xf32, #tpu.memory_space<vmem>> -> memref<64x128xf32, #tpu.memory_space<vmem>>
      %dma_wait3A_39 = arith.constant 0 : i32
      %dma_wait3A_40 = tpu.memref_slice %arg9[%dma_wait3A_35, %dma_wait3A_39] : memref<160x64xi32, #tpu.memory_space<vmem>> -> memref<1x64xi32, #tpu.memory_space<vmem>>
      %dma_wait3A_41 = tpu.memref_squeeze %dma_wait3A_40 : memref<1x64xi32, #tpu.memory_space<vmem>> -> memref<64xi32, #tpu.memory_space<vmem>>
      %dma_wait3A_42 = arith.constant 0 : i32
      %dma_wait3A_43 = arith.constant 0 : i32
      %dma_wait3A_44 = tpu.memref_slice %arg7[%dma_wait3A_42, %dma_wait3A_43] : memref<10112x128xf32, #tpu.memory_space<vmem_shared>> -> memref<10112x128xf32, #tpu.memory_space<vmem_shared>>
      tpu.wait_indirect_dma semaphore(%arg13 : memref<!tpu.dma_semaphore, #tpu.memory_space<semaphore_mem>>) src(%dma_wait3A_38 : memref<64x128xf32, #tpu.memory_space<vmem>>) dst(%dma_wait3A_44 : memref<10112x128xf32, #tpu.memory_space<vmem_shared>>)
      %barrier3A_45 = arith.constant 0 : index
      tpu.barrier barrier_id(%barrier3A_45)
      "tpu.region"() ({
        %run_scoped3A = tpu.sem_alloc : memref<!tpu.dma_semaphore, #tpu.memory_space<semaphore_mem>>
        %dma_start3A_46 = arith.constant 0 : i32
        %dma_start3A_47 = tpu.memref_slice %arg6[%arg0, %scan3A_7, %mul3A_2, %dma_start3A_46] : memref<2x3x10112x128xf32, #tpu.memory_space<hbm>> -> memref<1x1x632x128xf32, #tpu.memory_space<hbm>>
        %dma_start3A_48 = tpu.memref_squeeze %dma_start3A_47 : memref<1x1x632x128xf32, #tpu.memory_space<hbm>> -> memref<632x128xf32, #tpu.memory_space<hbm>>
        %dma_start3A_49 = arith.constant 0 : i32
        %dma_start3A_50 = tpu.memref_slice %arg7[%mul3A_2, %dma_start3A_49] : memref<10112x128xf32, #tpu.memory_space<vmem_shared>> -> memref<632x128xf32, #tpu.memory_space<vmem_shared>>
        tpu.enqueue_dma source(%dma_start3A_50 : memref<632x128xf32, #tpu.memory_space<vmem_shared>>) target(%dma_start3A_48 : memref<632x128xf32, #tpu.memory_space<hbm>>) target_semaphore(%run_scoped3A : memref<!tpu.dma_semaphore, #tpu.memory_space<semaphore_mem>>)
        %dma_wait3A_51 = arith.constant 0 : i32
        %dma_wait3A_52 = tpu.memref_slice %arg6[%arg0, %scan3A_7, %mul3A_2, %dma_wait3A_51] : memref<2x3x10112x128xf32, #tpu.memory_space<hbm>> -> memref<1x1x632x128xf32, #tpu.memory_space<hbm>>
        %dma_wait3A_53 = tpu.memref_squeeze %dma_wait3A_52 : memref<1x1x632x128xf32, #tpu.memory_space<hbm>> -> memref<632x128xf32, #tpu.memory_space<hbm>>
        %dma_wait3A_54 = arith.constant 0 : i32
        %dma_wait3A_55 = tpu.memref_slice %arg7[%mul3A_2, %dma_wait3A_54] : memref<10112x128xf32, #tpu.memory_space<vmem_shared>> -> memref<632x128xf32, #tpu.memory_space<vmem_shared>>
        tpu.wait_dma2 semaphore(%run_scoped3A : memref<!tpu.dma_semaphore, #tpu.memory_space<semaphore_mem>>) src(%dma_wait3A_55 : memref<632x128xf32, #tpu.memory_space<vmem_shared>>) dst(%dma_wait3A_53 : memref<632x128xf32, #tpu.memory_space<hbm>>)
        tpu.yield
      }) : () -> ()
    }
    %scan3A_6 = arith.constant 3 : i32
    return
  }
}

#map = affine_map<(d0, d1) -> (0, 0, 0)>
#map1 = affine_map<(d0, d1) -> (0, 0, 0, 0)>
#map2 = affine_map<(d0, d1) -> (0, 0)>
module attributes {stable_mosaic.version = 14 : i64} {
  func.func @_multi(%arg0: i32, %arg1: i32, %arg2: memref<3x10000x64xf32, #tpu.memory_space<hbm>>, %arg3: memref<3x32x80x128xi32, #tpu.memory_space<hbm>>, %arg4: memref<3x32x80x128xi32, #tpu.memory_space<hbm>>, %arg5: memref<10112x64xf32, #tpu.memory_space<hbm>>, %arg6: memref<2x3x10112x64xf32, #tpu.memory_space<hbm>>, %arg7: memref<10112x64xf32, #tpu.memory_space<vmem_shared>>, %arg8: memref<80x128xi32, #tpu.memory_space<vmem>>, %arg9: memref<80x128xi32, #tpu.memory_space<vmem>>, %arg10: memref<1024x64xf32, #tpu.memory_space<vmem>>, %arg11: memref<!tpu.dma_semaphore, #tpu.memory_space<semaphore_mem>>, %arg12: memref<!tpu.dma_semaphore, #tpu.memory_space<semaphore_mem>>) attributes {dimension_semantics = [#tpu.dimension_semantics<core_parallel>, #tpu.dimension_semantics<subcore_parallel>], iteration_bounds = array<i64: 2, 16>, scalar_prefetch = 0 : i64, scratch_operands = 6 : i64, tpu.core_type = #tpu.core_type<sc_vector_subcore>, window_params = [{transform_indices = #map}, {transform_indices = #map1}, {transform_indices = #map1}, {transform_indices = #map2}, {transform_indices = #map1}]} {
    %mul3A = arith.constant 2 : i32
    %mul3A_0 = arith.muli %arg1, %mul3A : i32
    %add3A = arith.addi %mul3A_0, %arg0 : i32
    %mul3A_1 = arith.constant 632 : i32
    %mul3A_2 = arith.muli %arg1, %mul3A_1 : i32
    %scan3A = arith.constant 0 : i32
    %scan3A_3 = arith.constant 3 : i32
    %scan3A_4 = arith.addi %scan3A, %scan3A_3 : i32
    %scan3A_5 = arith.constant 1 : i32
    scf.for %scan3A_7 = %scan3A to %scan3A_4 step %scan3A_5  : i32 {
      "tpu.region"() ({
        %run_scoped3A = tpu.sem_alloc : memref<!tpu.dma_semaphore, #tpu.memory_space<semaphore_mem>>
        %dma_start3A = arith.constant 0 : i32
        %dma_start3A_55 = tpu.memref_slice %arg7[%mul3A_2, %dma_start3A] : memref<10112x64xf32, #tpu.memory_space<vmem_shared>> -> memref<632x64xf32, #tpu.memory_space<vmem_shared>>
        %dma_start3A_56 = arith.constant 0 : i32
        %dma_start3A_57 = tpu.memref_slice %arg5[%mul3A_2, %dma_start3A_56] : memref<10112x64xf32, #tpu.memory_space<hbm>> -> memref<632x64xf32, #tpu.memory_space<hbm>>
        tpu.enqueue_dma source(%dma_start3A_57 : memref<632x64xf32, #tpu.memory_space<hbm>>) target(%dma_start3A_55 : memref<632x64xf32, #tpu.memory_space<vmem_shared>>) target_semaphore(%run_scoped3A : memref<!tpu.dma_semaphore, #tpu.memory_space<semaphore_mem>>)
        %dma_wait3A = arith.constant 0 : i32
        %dma_wait3A_58 = tpu.memref_slice %arg7[%mul3A_2, %dma_wait3A] : memref<10112x64xf32, #tpu.memory_space<vmem_shared>> -> memref<632x64xf32, #tpu.memory_space<vmem_shared>>
        %dma_wait3A_59 = arith.constant 0 : i32
        %dma_wait3A_60 = tpu.memref_slice %arg5[%mul3A_2, %dma_wait3A_59] : memref<10112x64xf32, #tpu.memory_space<hbm>> -> memref<632x64xf32, #tpu.memory_space<hbm>>
        tpu.wait_dma2 semaphore(%run_scoped3A : memref<!tpu.dma_semaphore, #tpu.memory_space<semaphore_mem>>) src(%dma_wait3A_60 : memref<632x64xf32, #tpu.memory_space<hbm>>) dst(%dma_wait3A_58 : memref<632x64xf32, #tpu.memory_space<vmem_shared>>)
        tpu.yield
      }) : () -> ()
      %barrier3A = arith.constant 0 : index
      tpu.barrier barrier_id(%barrier3A)
      %scan3A_8 = arith.constant 0 : i32
      %jit3A = arith.constant 3 : i32
      %eq3A = arith.constant 0 : i32
      %eq3A_9 = arith.cmpi eq, %jit3A, %eq3A : i32
      %jit3A_10 = arith.constant 1 : i32
      %select_n3A = arith.select %eq3A_9, %jit3A_10, %jit3A : i32
      %rem3A = arith.remsi %scan3A_7, %select_n3A : i32
      %ne3A = arith.constant 0 : i32
      %ne3A_11 = arith.cmpi ne, %rem3A, %ne3A : i32
      %lt3A = arith.constant 0 : i32
      %lt3A_12 = arith.cmpi slt, %rem3A, %lt3A : i32
      %lt3A_13 = arith.constant 0 : i32
      %lt3A_14 = arith.cmpi slt, %select_n3A, %lt3A_13 : i32
      %ne3A_15 = arith.xori %lt3A_12, %lt3A_14 : i1
      %and3A = arith.andi %ne3A_15, %ne3A_11 : i1
      %add3A_16 = arith.addi %rem3A, %select_n3A : i32
      %select_n3A_17 = arith.select %and3A, %add3A_16, %rem3A : i32
      %mul3A_18 = arith.constant 80 : i32
      %mul3A_19 = arith.muli %scan3A_8, %mul3A_18 : i32
      "tpu.region"() ({
        %run_scoped3A = tpu.sem_alloc : memref<!tpu.dma_semaphore, #tpu.memory_space<semaphore_mem>>
        %dma_start3A = arith.constant 0 : i32
        %dma_start3A_55 = tpu.memref_slice %arg3[%select_n3A_17, %add3A, %mul3A_19, %dma_start3A] : memref<3x32x80x128xi32, #tpu.memory_space<hbm>> -> memref<1x1x80x128xi32, #tpu.memory_space<hbm>>
        %dma_start3A_56 = tpu.memref_squeeze %dma_start3A_55 : memref<1x1x80x128xi32, #tpu.memory_space<hbm>> -> memref<80x128xi32, #tpu.memory_space<hbm>>
        %dma_start3A_57 = arith.constant 0 : i32
        %dma_start3A_58 = tpu.memref_slice %arg3[%select_n3A_17, %add3A, %mul3A_19, %dma_start3A_57] : memref<3x32x80x128xi32, #tpu.memory_space<hbm>> -> memref<1x1x80x128xi32, #tpu.memory_space<hbm>>
        %dma_start3A_59 = tpu.memref_squeeze %dma_start3A_58 : memref<1x1x80x128xi32, #tpu.memory_space<hbm>> -> memref<80x128xi32, #tpu.memory_space<hbm>>
        tpu.enqueue_dma source(%dma_start3A_59 : memref<80x128xi32, #tpu.memory_space<hbm>>) target(%arg8 : memref<80x128xi32, #tpu.memory_space<vmem>>) target_semaphore(%run_scoped3A : memref<!tpu.dma_semaphore, #tpu.memory_space<semaphore_mem>>)
        %dma_wait3A = arith.constant 0 : i32
        %dma_wait3A_60 = tpu.memref_slice %arg3[%select_n3A_17, %add3A, %mul3A_19, %dma_wait3A] : memref<3x32x80x128xi32, #tpu.memory_space<hbm>> -> memref<1x1x80x128xi32, #tpu.memory_space<hbm>>
        %dma_wait3A_61 = tpu.memref_squeeze %dma_wait3A_60 : memref<1x1x80x128xi32, #tpu.memory_space<hbm>> -> memref<80x128xi32, #tpu.memory_space<hbm>>
        %dma_wait3A_62 = arith.constant 0 : i32
        %dma_wait3A_63 = tpu.memref_slice %arg3[%select_n3A_17, %add3A, %mul3A_19, %dma_wait3A_62] : memref<3x32x80x128xi32, #tpu.memory_space<hbm>> -> memref<1x1x80x128xi32, #tpu.memory_space<hbm>>
        %dma_wait3A_64 = tpu.memref_squeeze %dma_wait3A_63 : memref<1x1x80x128xi32, #tpu.memory_space<hbm>> -> memref<80x128xi32, #tpu.memory_space<hbm>>
        tpu.wait_dma2 semaphore(%run_scoped3A : memref<!tpu.dma_semaphore, #tpu.memory_space<semaphore_mem>>) src(%dma_wait3A_64 : memref<80x128xi32, #tpu.memory_space<hbm>>) dst(%arg8 : memref<80x128xi32, #tpu.memory_space<vmem>>)
        tpu.yield
      }) : () -> ()
      %jit3A_20 = arith.constant 3 : i32
      %eq3A_21 = arith.constant 0 : i32
      %eq3A_22 = arith.cmpi eq, %jit3A_20, %eq3A_21 : i32
      %jit3A_23 = arith.constant 1 : i32
      %select_n3A_24 = arith.select %eq3A_22, %jit3A_23, %jit3A_20 : i32
      %rem3A_25 = arith.remsi %scan3A_7, %select_n3A_24 : i32
      %ne3A_26 = arith.constant 0 : i32
      %ne3A_27 = arith.cmpi ne, %rem3A_25, %ne3A_26 : i32
      %lt3A_28 = arith.constant 0 : i32
      %lt3A_29 = arith.cmpi slt, %rem3A_25, %lt3A_28 : i32
      %lt3A_30 = arith.constant 0 : i32
      %lt3A_31 = arith.cmpi slt, %select_n3A_24, %lt3A_30 : i32
      %ne3A_32 = arith.xori %lt3A_29, %lt3A_31 : i1
      %and3A_33 = arith.andi %ne3A_32, %ne3A_27 : i1
      %add3A_34 = arith.addi %rem3A_25, %select_n3A_24 : i32
      %select_n3A_35 = arith.select %and3A_33, %add3A_34, %rem3A_25 : i32
      %mul3A_36 = arith.constant 80 : i32
      %mul3A_37 = arith.muli %scan3A_8, %mul3A_36 : i32
      "tpu.region"() ({
        %run_scoped3A = tpu.sem_alloc : memref<!tpu.dma_semaphore, #tpu.memory_space<semaphore_mem>>
        %dma_start3A = arith.constant 0 : i32
        %dma_start3A_55 = tpu.memref_slice %arg4[%select_n3A_35, %add3A, %mul3A_37, %dma_start3A] : memref<3x32x80x128xi32, #tpu.memory_space<hbm>> -> memref<1x1x80x128xi32, #tpu.memory_space<hbm>>
        %dma_start3A_56 = tpu.memref_squeeze %dma_start3A_55 : memref<1x1x80x128xi32, #tpu.memory_space<hbm>> -> memref<80x128xi32, #tpu.memory_space<hbm>>
        %dma_start3A_57 = arith.constant 0 : i32
        %dma_start3A_58 = tpu.memref_slice %arg4[%select_n3A_35, %add3A, %mul3A_37, %dma_start3A_57] : memref<3x32x80x128xi32, #tpu.memory_space<hbm>> -> memref<1x1x80x128xi32, #tpu.memory_space<hbm>>
        %dma_start3A_59 = tpu.memref_squeeze %dma_start3A_58 : memref<1x1x80x128xi32, #tpu.memory_space<hbm>> -> memref<80x128xi32, #tpu.memory_space<hbm>>
        tpu.enqueue_dma source(%dma_start3A_59 : memref<80x128xi32, #tpu.memory_space<hbm>>) target(%arg9 : memref<80x128xi32, #tpu.memory_space<vmem>>) target_semaphore(%run_scoped3A : memref<!tpu.dma_semaphore, #tpu.memory_space<semaphore_mem>>)
        %dma_wait3A = arith.constant 0 : i32
        %dma_wait3A_60 = tpu.memref_slice %arg4[%select_n3A_35, %add3A, %mul3A_37, %dma_wait3A] : memref<3x32x80x128xi32, #tpu.memory_space<hbm>> -> memref<1x1x80x128xi32, #tpu.memory_space<hbm>>
        %dma_wait3A_61 = tpu.memref_squeeze %dma_wait3A_60 : memref<1x1x80x128xi32, #tpu.memory_space<hbm>> -> memref<80x128xi32, #tpu.memory_space<hbm>>
        %dma_wait3A_62 = arith.constant 0 : i32
        %dma_wait3A_63 = tpu.memref_slice %arg4[%select_n3A_35, %add3A, %mul3A_37, %dma_wait3A_62] : memref<3x32x80x128xi32, #tpu.memory_space<hbm>> -> memref<1x1x80x128xi32, #tpu.memory_space<hbm>>
        %dma_wait3A_64 = tpu.memref_squeeze %dma_wait3A_63 : memref<1x1x80x128xi32, #tpu.memory_space<hbm>> -> memref<80x128xi32, #tpu.memory_space<hbm>>
        tpu.wait_dma2 semaphore(%run_scoped3A : memref<!tpu.dma_semaphore, #tpu.memory_space<semaphore_mem>>) src(%dma_wait3A_64 : memref<80x128xi32, #tpu.memory_space<hbm>>) dst(%arg9 : memref<80x128xi32, #tpu.memory_space<vmem>>)
        tpu.yield
      }) : () -> ()
      %scan3A_38 = arith.constant 0 : i32
      %scan3A_39 = arith.constant 4 : i32
      %scan3A_40 = arith.addi %scan3A_38, %scan3A_39 : i32
      %scan3A_41 = arith.constant 1 : i32
      scf.for %scan3A_55 = %scan3A_38 to %scan3A_40 step %scan3A_41  : i32 {
        %add3A_56 = arith.constant 0 : i32
        %add3A_57 = arith.addi %add3A_56, %scan3A_55 : i32
        %mul3A_58 = arith.constant 128 : i32
        %mul3A_59 = arith.muli %scan3A_55, %mul3A_58 : i32
        %dma_start3A = arith.constant 0 : i32
        %dma_start3A_60 = tpu.memref_slice %arg10[%mul3A_59, %dma_start3A] : memref<1024x64xf32, #tpu.memory_space<vmem>> -> memref<128x64xf32, #tpu.memory_space<vmem>>
        %dma_start3A_61 = arith.constant 0 : i32
        %dma_start3A_62 = tpu.memref_slice %arg8[%add3A_57, %dma_start3A_61] : memref<80x128xi32, #tpu.memory_space<vmem>> -> memref<1x128xi32, #tpu.memory_space<vmem>>
        %dma_start3A_63 = tpu.memref_squeeze %dma_start3A_62 : memref<1x128xi32, #tpu.memory_space<vmem>> -> memref<128xi32, #tpu.memory_space<vmem>>
        %dma_start3A_64 = arith.constant 0 : i32
        %dma_start3A_65 = arith.constant 0 : i32
        %dma_start3A_66 = tpu.memref_slice %arg2[%scan3A_7, %dma_start3A_64, %dma_start3A_65] : memref<3x10000x64xf32, #tpu.memory_space<hbm>> -> memref<1x10000x64xf32, #tpu.memory_space<hbm>>
        %dma_start3A_67 = tpu.memref_squeeze %dma_start3A_66 : memref<1x10000x64xf32, #tpu.memory_space<hbm>> -> memref<10000x64xf32, #tpu.memory_space<hbm>>
        %dma_start3A_68 = arith.constant 0 : i32
        %dma_start3A_69 = arith.constant 0 : i32
        %dma_start3A_70 = tpu.memref_slice %dma_start3A_67[%dma_start3A_68, %dma_start3A_69] : memref<10000x64xf32, #tpu.memory_space<hbm>> -> memref<10000x64xf32, #tpu.memory_space<hbm>>
        tpu.enqueue_indirect_dma source(%dma_start3A_70 : memref<10000x64xf32, #tpu.memory_space<hbm>>) target(%dma_start3A_60 : memref<128x64xf32, #tpu.memory_space<vmem>>) offsets(%dma_start3A_63 : memref<128xi32, #tpu.memory_space<vmem>>) semaphore(%arg11 : memref<!tpu.dma_semaphore, #tpu.memory_space<semaphore_mem>>)
      }
      %scan3A_42 = arith.constant 4 : i32
      %scan3A_43 = arith.constant 0 : i32
      %scan3A_44 = arith.constant 20 : i32
      %scan3A_45 = arith.addi %scan3A_43, %scan3A_44 : i32
      %scan3A_46 = arith.constant 1 : i32
      scf.for %scan3A_55 = %scan3A_43 to %scan3A_45 step %scan3A_46  : i32 {
        %mul3A_56 = arith.constant 4 : i32
        %mul3A_57 = arith.muli %scan3A_55, %mul3A_56 : i32
        %jit3A_58 = arith.constant 2 : i32
        %eq3A_59 = arith.constant 0 : i32
        %eq3A_60 = arith.cmpi eq, %jit3A_58, %eq3A_59 : i32
        %jit3A_61 = arith.constant 1 : i32
        %select_n3A_62 = arith.select %eq3A_60, %jit3A_61, %jit3A_58 : i32
        %rem3A_63 = arith.remsi %scan3A_55, %select_n3A_62 : i32
        %ne3A_64 = arith.constant 0 : i32
        %ne3A_65 = arith.cmpi ne, %rem3A_63, %ne3A_64 : i32
        %lt3A_66 = arith.constant 0 : i32
        %lt3A_67 = arith.cmpi slt, %rem3A_63, %lt3A_66 : i32
        %lt3A_68 = arith.constant 0 : i32
        %lt3A_69 = arith.cmpi slt, %select_n3A_62, %lt3A_68 : i32
        %ne3A_70 = arith.xori %lt3A_67, %lt3A_69 : i1
        %and3A_71 = arith.andi %ne3A_70, %ne3A_65 : i1
        %add3A_72 = arith.addi %rem3A_63, %select_n3A_62 : i32
        %select_n3A_73 = arith.select %and3A_71, %add3A_72, %rem3A_63 : i32
        %mul3A_74 = arith.constant 512 : i32
        %mul3A_75 = arith.muli %select_n3A_73, %mul3A_74 : i32
        %add3A_76 = arith.constant 1 : i32
        %add3A_77 = arith.addi %scan3A_55, %add3A_76 : i32
        %jit3A_78 = arith.constant 2 : i32
        %eq3A_79 = arith.constant 0 : i32
        %eq3A_80 = arith.cmpi eq, %jit3A_78, %eq3A_79 : i32
        %jit3A_81 = arith.constant 1 : i32
        %select_n3A_82 = arith.select %eq3A_80, %jit3A_81, %jit3A_78 : i32
        %rem3A_83 = arith.remsi %add3A_77, %select_n3A_82 : i32
        %ne3A_84 = arith.constant 0 : i32
        %ne3A_85 = arith.cmpi ne, %rem3A_83, %ne3A_84 : i32
        %lt3A_86 = arith.constant 0 : i32
        %lt3A_87 = arith.cmpi slt, %rem3A_83, %lt3A_86 : i32
        %lt3A_88 = arith.constant 0 : i32
        %lt3A_89 = arith.cmpi slt, %select_n3A_82, %lt3A_88 : i32
        %ne3A_90 = arith.xori %lt3A_87, %lt3A_89 : i1
        %and3A_91 = arith.andi %ne3A_90, %ne3A_85 : i1
        %add3A_92 = arith.addi %rem3A_83, %select_n3A_82 : i32
        %select_n3A_93 = arith.select %and3A_91, %add3A_92, %rem3A_83 : i32
        %mul3A_94 = arith.constant 512 : i32
        %mul3A_95 = arith.muli %select_n3A_93, %mul3A_94 : i32
        %scan3A_96 = arith.constant 0 : i32
        %scan3A_97 = arith.constant 4 : i32
        %scan3A_98 = arith.addi %scan3A_96, %scan3A_97 : i32
        %scan3A_99 = arith.constant 1 : i32
        scf.for %scan3A_113 = %scan3A_96 to %scan3A_98 step %scan3A_99  : i32 {
          %add3A_114 = arith.constant 0 : i32
          %add3A_115 = arith.addi %add3A_114, %mul3A_57 : i32
          %add3A_116 = arith.addi %add3A_115, %scan3A_113 : i32
          %mul3A_117 = arith.constant 128 : i32
          %mul3A_118 = arith.muli %scan3A_113, %mul3A_117 : i32
          %add3A_119 = arith.addi %mul3A_75, %mul3A_118 : i32
          %dma_wait3A = arith.constant 0 : i32
          %dma_wait3A_120 = tpu.memref_slice %arg10[%add3A_119, %dma_wait3A] : memref<1024x64xf32, #tpu.memory_space<vmem>> -> memref<128x64xf32, #tpu.memory_space<vmem>>
          %dma_wait3A_121 = arith.constant 0 : i32
          %dma_wait3A_122 = tpu.memref_slice %arg8[%add3A_116, %dma_wait3A_121] : memref<80x128xi32, #tpu.memory_space<vmem>> -> memref<1x128xi32, #tpu.memory_space<vmem>>
          %dma_wait3A_123 = tpu.memref_squeeze %dma_wait3A_122 : memref<1x128xi32, #tpu.memory_space<vmem>> -> memref<128xi32, #tpu.memory_space<vmem>>
          %dma_wait3A_124 = arith.constant 0 : i32
          %dma_wait3A_125 = arith.constant 0 : i32
          %dma_wait3A_126 = tpu.memref_slice %arg2[%scan3A_7, %dma_wait3A_124, %dma_wait3A_125] : memref<3x10000x64xf32, #tpu.memory_space<hbm>> -> memref<1x10000x64xf32, #tpu.memory_space<hbm>>
          %dma_wait3A_127 = tpu.memref_squeeze %dma_wait3A_126 : memref<1x10000x64xf32, #tpu.memory_space<hbm>> -> memref<10000x64xf32, #tpu.memory_space<hbm>>
          %dma_wait3A_128 = arith.constant 0 : i32
          %dma_wait3A_129 = arith.constant 0 : i32
          %dma_wait3A_130 = tpu.memref_slice %dma_wait3A_127[%dma_wait3A_128, %dma_wait3A_129] : memref<10000x64xf32, #tpu.memory_space<hbm>> -> memref<10000x64xf32, #tpu.memory_space<hbm>>
          tpu.wait_indirect_dma semaphore(%arg11 : memref<!tpu.dma_semaphore, #tpu.memory_space<semaphore_mem>>) src(%dma_wait3A_130 : memref<10000x64xf32, #tpu.memory_space<hbm>>) dst(%dma_wait3A_120 : memref<128x64xf32, #tpu.memory_space<vmem>>)
        }
        %scan3A_100 = arith.constant 4 : i32
        %scan3A_101 = arith.constant 0 : i32
        %scan3A_102 = arith.constant 4 : i32
        %scan3A_103 = arith.addi %scan3A_101, %scan3A_102 : i32
        %scan3A_104 = arith.constant 1 : i32
        scf.for %scan3A_113 = %scan3A_101 to %scan3A_103 step %scan3A_104  : i32 {
          %mul3A_114 = arith.constant 128 : i32
          %mul3A_115 = arith.muli %scan3A_113, %mul3A_114 : i32
          %add3A_116 = arith.addi %mul3A_75, %mul3A_115 : i32
          %add3A_117 = arith.constant 0 : i32
          %add3A_118 = arith.addi %add3A_117, %mul3A_57 : i32
          %add3A_119 = arith.addi %add3A_118, %scan3A_113 : i32
          %dma_start3A = arith.constant 0 : i32
          %dma_start3A_120 = tpu.memref_slice %arg10[%add3A_116, %dma_start3A] : memref<1024x64xf32, #tpu.memory_space<vmem>> -> memref<128x64xf32, #tpu.memory_space<vmem>>
          %dma_start3A_121 = arith.constant 0 : i32
          %dma_start3A_122 = tpu.memref_slice %arg9[%add3A_119, %dma_start3A_121] : memref<80x128xi32, #tpu.memory_space<vmem>> -> memref<1x128xi32, #tpu.memory_space<vmem>>
          %dma_start3A_123 = tpu.memref_squeeze %dma_start3A_122 : memref<1x128xi32, #tpu.memory_space<vmem>> -> memref<128xi32, #tpu.memory_space<vmem>>
          %dma_start3A_124 = arith.constant 0 : i32
          %dma_start3A_125 = arith.constant 0 : i32
          %dma_start3A_126 = tpu.memref_slice %arg7[%dma_start3A_124, %dma_start3A_125] : memref<10112x64xf32, #tpu.memory_space<vmem_shared>> -> memref<10112x64xf32, #tpu.memory_space<vmem_shared>>
          tpu.enqueue_indirect_dma source(%dma_start3A_120 : memref<128x64xf32, #tpu.memory_space<vmem>>) target(%dma_start3A_126 : memref<10112x64xf32, #tpu.memory_space<vmem_shared>>) offsets(%dma_start3A_123 : memref<128xi32, #tpu.memory_space<vmem>>) semaphore(%arg12 : memref<!tpu.dma_semaphore, #tpu.memory_space<semaphore_mem>>) {add = true}
        }
        %scan3A_105 = arith.constant 4 : i32
        %gt3A = arith.constant 0 : i32
        %gt3A_106 = arith.cmpi sgt, %scan3A_55, %gt3A : i32
        %convert_element_type3A = arith.extui %gt3A_106 : i1 to i32
        %cond3A = arith.constant 0 : i32
        %cond3A_107 = arith.cmpi ne, %convert_element_type3A, %cond3A : i32
        scf.if %cond3A_107 {
          %scan3A_113 = arith.constant 0 : i32
          %scan3A_114 = arith.constant 4 : i32
          %scan3A_115 = arith.addi %scan3A_113, %scan3A_114 : i32
          %scan3A_116 = arith.constant 1 : i32
          scf.for %scan3A_118 = %scan3A_113 to %scan3A_115 step %scan3A_116  : i32 {
            %mul3A_119 = arith.constant 128 : i32
            %mul3A_120 = arith.muli %scan3A_118, %mul3A_119 : i32
            %add3A_121 = arith.addi %mul3A_95, %mul3A_120 : i32
            %dma_wait3A = arith.constant 0 : i32
            %dma_wait3A_122 = arith.constant 0 : i32
            %dma_wait3A_123 = tpu.memref_slice %arg10[%add3A_121, %dma_wait3A_122] : memref<1024x64xf32, #tpu.memory_space<vmem>> -> memref<128x64xf32, #tpu.memory_space<vmem>>
            %dma_wait3A_124 = arith.constant 0 : i32
            %dma_wait3A_125 = tpu.memref_slice %arg9[%dma_wait3A, %dma_wait3A_124] : memref<80x128xi32, #tpu.memory_space<vmem>> -> memref<1x128xi32, #tpu.memory_space<vmem>>
            %dma_wait3A_126 = tpu.memref_squeeze %dma_wait3A_125 : memref<1x128xi32, #tpu.memory_space<vmem>> -> memref<128xi32, #tpu.memory_space<vmem>>
            %dma_wait3A_127 = arith.constant 0 : i32
            %dma_wait3A_128 = arith.constant 0 : i32
            %dma_wait3A_129 = tpu.memref_slice %arg7[%dma_wait3A_127, %dma_wait3A_128] : memref<10112x64xf32, #tpu.memory_space<vmem_shared>> -> memref<10112x64xf32, #tpu.memory_space<vmem_shared>>
            tpu.wait_indirect_dma semaphore(%arg12 : memref<!tpu.dma_semaphore, #tpu.memory_space<semaphore_mem>>) src(%dma_wait3A_123 : memref<128x64xf32, #tpu.memory_space<vmem>>) dst(%dma_wait3A_129 : memref<10112x64xf32, #tpu.memory_space<vmem_shared>>)
          }
          %scan3A_117 = arith.constant 4 : i32
        } else {
        }
        %scan3A_108 = arith.constant 0 : i32
        %scan3A_109 = arith.constant 4 : i32
        %scan3A_110 = arith.addi %scan3A_108, %scan3A_109 : i32
        %scan3A_111 = arith.constant 1 : i32
        scf.for %scan3A_113 = %scan3A_108 to %scan3A_110 step %scan3A_111  : i32 {
          %add3A_114 = arith.constant 4 : i32
          %add3A_115 = arith.addi %mul3A_57, %add3A_114 : i32
          %add3A_116 = arith.addi %add3A_115, %scan3A_113 : i32
          %lt3A_117 = arith.constant 80 : i32
          %lt3A_118 = arith.cmpi slt, %add3A_116, %lt3A_117 : i32
          %convert_element_type3A_119 = arith.extui %lt3A_118 : i1 to i32
          %cond3A_120 = arith.constant 0 : i32
          %cond3A_121 = arith.cmpi ne, %convert_element_type3A_119, %cond3A_120 : i32
          scf.if %cond3A_121 {
            %add3A_122 = arith.constant 0 : i32
            %add3A_123 = arith.addi %add3A_122, %add3A_116 : i32
            %mul3A_124 = arith.constant 128 : i32
            %mul3A_125 = arith.muli %scan3A_113, %mul3A_124 : i32
            %add3A_126 = arith.addi %mul3A_95, %mul3A_125 : i32
            %dma_start3A = arith.constant 0 : i32
            %dma_start3A_127 = tpu.memref_slice %arg10[%add3A_126, %dma_start3A] : memref<1024x64xf32, #tpu.memory_space<vmem>> -> memref<128x64xf32, #tpu.memory_space<vmem>>
            %dma_start3A_128 = arith.constant 0 : i32
            %dma_start3A_129 = tpu.memref_slice %arg8[%add3A_123, %dma_start3A_128] : memref<80x128xi32, #tpu.memory_space<vmem>> -> memref<1x128xi32, #tpu.memory_space<vmem>>
            %dma_start3A_130 = tpu.memref_squeeze %dma_start3A_129 : memref<1x128xi32, #tpu.memory_space<vmem>> -> memref<128xi32, #tpu.memory_space<vmem>>
            %dma_start3A_131 = arith.constant 0 : i32
            %dma_start3A_132 = arith.constant 0 : i32
            %dma_start3A_133 = tpu.memref_slice %arg2[%scan3A_7, %dma_start3A_131, %dma_start3A_132] : memref<3x10000x64xf32, #tpu.memory_space<hbm>> -> memref<1x10000x64xf32, #tpu.memory_space<hbm>>
            %dma_start3A_134 = tpu.memref_squeeze %dma_start3A_133 : memref<1x10000x64xf32, #tpu.memory_space<hbm>> -> memref<10000x64xf32, #tpu.memory_space<hbm>>
            %dma_start3A_135 = arith.constant 0 : i32
            %dma_start3A_136 = arith.constant 0 : i32
            %dma_start3A_137 = tpu.memref_slice %dma_start3A_134[%dma_start3A_135, %dma_start3A_136] : memref<10000x64xf32, #tpu.memory_space<hbm>> -> memref<10000x64xf32, #tpu.memory_space<hbm>>
            tpu.enqueue_indirect_dma source(%dma_start3A_137 : memref<10000x64xf32, #tpu.memory_space<hbm>>) target(%dma_start3A_127 : memref<128x64xf32, #tpu.memory_space<vmem>>) offsets(%dma_start3A_130 : memref<128xi32, #tpu.memory_space<vmem>>) semaphore(%arg11 : memref<!tpu.dma_semaphore, #tpu.memory_space<semaphore_mem>>)
          } else {
          }
        }
        %scan3A_112 = arith.constant 4 : i32
      }
      %scan3A_47 = arith.constant 20 : i32
      %scan3A_48 = arith.constant 0 : i32
      %scan3A_49 = arith.constant 4 : i32
      %scan3A_50 = arith.addi %scan3A_48, %scan3A_49 : i32
      %scan3A_51 = arith.constant 1 : i32
      scf.for %scan3A_55 = %scan3A_48 to %scan3A_50 step %scan3A_51  : i32 {
        %mul3A_56 = arith.constant 128 : i32
        %mul3A_57 = arith.muli %scan3A_55, %mul3A_56 : i32
        %add3A_58 = arith.constant 512 : i32
        %add3A_59 = arith.addi %add3A_58, %mul3A_57 : i32
        %dma_wait3A = arith.constant 0 : i32
        %dma_wait3A_60 = arith.constant 0 : i32
        %dma_wait3A_61 = tpu.memref_slice %arg10[%add3A_59, %dma_wait3A_60] : memref<1024x64xf32, #tpu.memory_space<vmem>> -> memref<128x64xf32, #tpu.memory_space<vmem>>
        %dma_wait3A_62 = arith.constant 0 : i32
        %dma_wait3A_63 = tpu.memref_slice %arg9[%dma_wait3A, %dma_wait3A_62] : memref<80x128xi32, #tpu.memory_space<vmem>> -> memref<1x128xi32, #tpu.memory_space<vmem>>
        %dma_wait3A_64 = tpu.memref_squeeze %dma_wait3A_63 : memref<1x128xi32, #tpu.memory_space<vmem>> -> memref<128xi32, #tpu.memory_space<vmem>>
        %dma_wait3A_65 = arith.constant 0 : i32
        %dma_wait3A_66 = arith.constant 0 : i32
        %dma_wait3A_67 = tpu.memref_slice %arg7[%dma_wait3A_65, %dma_wait3A_66] : memref<10112x64xf32, #tpu.memory_space<vmem_shared>> -> memref<10112x64xf32, #tpu.memory_space<vmem_shared>>
        tpu.wait_indirect_dma semaphore(%arg12 : memref<!tpu.dma_semaphore, #tpu.memory_space<semaphore_mem>>) src(%dma_wait3A_61 : memref<128x64xf32, #tpu.memory_space<vmem>>) dst(%dma_wait3A_67 : memref<10112x64xf32, #tpu.memory_space<vmem_shared>>)
      }
      %scan3A_52 = arith.constant 4 : i32
      %scan3A_53 = arith.constant 1 : i32
      %barrier3A_54 = arith.constant 0 : index
      tpu.barrier barrier_id(%barrier3A_54)
      "tpu.region"() ({
        %run_scoped3A = tpu.sem_alloc : memref<!tpu.dma_semaphore, #tpu.memory_space<semaphore_mem>>
        %dma_start3A = arith.constant 0 : i32
        %dma_start3A_55 = tpu.memref_slice %arg6[%arg0, %scan3A_7, %mul3A_2, %dma_start3A] : memref<2x3x10112x64xf32, #tpu.memory_space<hbm>> -> memref<1x1x632x64xf32, #tpu.memory_space<hbm>>
        %dma_start3A_56 = tpu.memref_squeeze %dma_start3A_55 : memref<1x1x632x64xf32, #tpu.memory_space<hbm>> -> memref<632x64xf32, #tpu.memory_space<hbm>>
        %dma_start3A_57 = arith.constant 0 : i32
        %dma_start3A_58 = tpu.memref_slice %arg7[%mul3A_2, %dma_start3A_57] : memref<10112x64xf32, #tpu.memory_space<vmem_shared>> -> memref<632x64xf32, #tpu.memory_space<vmem_shared>>
        tpu.enqueue_dma source(%dma_start3A_58 : memref<632x64xf32, #tpu.memory_space<vmem_shared>>) target(%dma_start3A_56 : memref<632x64xf32, #tpu.memory_space<hbm>>) target_semaphore(%run_scoped3A : memref<!tpu.dma_semaphore, #tpu.memory_space<semaphore_mem>>)
        %dma_wait3A = arith.constant 0 : i32
        %dma_wait3A_59 = tpu.memref_slice %arg6[%arg0, %scan3A_7, %mul3A_2, %dma_wait3A] : memref<2x3x10112x64xf32, #tpu.memory_space<hbm>> -> memref<1x1x632x64xf32, #tpu.memory_space<hbm>>
        %dma_wait3A_60 = tpu.memref_squeeze %dma_wait3A_59 : memref<1x1x632x64xf32, #tpu.memory_space<hbm>> -> memref<632x64xf32, #tpu.memory_space<hbm>>
        %dma_wait3A_61 = arith.constant 0 : i32
        %dma_wait3A_62 = tpu.memref_slice %arg7[%mul3A_2, %dma_wait3A_61] : memref<10112x64xf32, #tpu.memory_space<vmem_shared>> -> memref<632x64xf32, #tpu.memory_space<vmem_shared>>
        tpu.wait_dma2 semaphore(%run_scoped3A : memref<!tpu.dma_semaphore, #tpu.memory_space<semaphore_mem>>) src(%dma_wait3A_62 : memref<632x64xf32, #tpu.memory_space<vmem_shared>>) dst(%dma_wait3A_60 : memref<632x64xf32, #tpu.memory_space<hbm>>)
        tpu.yield
      }) : () -> ()
    }
    %scan3A_6 = arith.constant 3 : i32
    return
  }
}

module attributes {stable_mosaic.version = 14 : i64} {
  func.func @_tc_stage1(%arg0: i32, %arg1: i32, %arg2: memref<1x400x128xf32, #tpu.memory_space<vmem>>, %arg3: memref<1x128x128xf32, #tpu.memory_space<vmem>>, %arg4: memref<1x128x128xf32, #tpu.memory_space<vmem>>, %arg5: memref<1x400x1xf32, #tpu.memory_space<vmem>>, %arg6: memref<1x400x128xf32, #tpu.memory_space<vmem>>, %arg7: memref<1x400x128xbf16, #tpu.memory_space<vmem>>) attributes {dimension_semantics = [#tpu.dimension_semantics<arbitrary>, #tpu.dimension_semantics<arbitrary>], iteration_bounds = array<i64: 3, 25>, scalar_prefetch = 0 : i64, scratch_operands = 0 : i64, tpu.core_type = #tpu.core_type<tc>, window_params = [{transform_indices = @transform_0, window_bounds = array<i64: 1, 400, 128>}, {transform_indices = @transform_1, window_bounds = array<i64: 1, 128, 128>}, {transform_indices = @transform_2, window_bounds = array<i64: 1, 128, 128>}, {transform_indices = @transform_3, window_bounds = array<i64: 1, 400, 1>}, {transform_indices = @transform_4, window_bounds = array<i64: 1, 400, 128>}, {transform_indices = @transform_5, window_bounds = array<i64: 1, 400, 128>}]} {
    %get3A = arith.constant 0 : index
    %get3A_0 = arith.constant 0 : index
    %get3A_1 = arith.constant 0 : index
    %get3A_2 = vector.load %arg2[%get3A, %get3A_0, %get3A_1] : memref<1x400x128xf32, #tpu.memory_space<vmem>>, vector<1x400x128xf32>
    %get3A_3 = vector.shape_cast %get3A_2 : vector<1x400x128xf32> to vector<400x128xf32>
    %get3A_4 = arith.constant 0 : index
    %get3A_5 = arith.constant 0 : index
    %get3A_6 = arith.constant 0 : index
    %get3A_7 = vector.load %arg5[%get3A_4, %get3A_5, %get3A_6] : memref<1x400x1xf32, #tpu.memory_space<vmem>>, vector<1x400x1xf32>
    %get3A_8 = vector.shape_cast %get3A_7 : vector<1x400x1xf32> to vector<400x1xf32>
    %get3A_9 = arith.constant 0 : index
    %get3A_10 = arith.constant 0 : index
    %get3A_11 = arith.constant 0 : index
    %get3A_12 = vector.load %arg4[%get3A_9, %get3A_10, %get3A_11] : memref<1x128x128xf32, #tpu.memory_space<vmem>>, vector<1x128x128xf32>
    %get3A_13 = vector.shape_cast %get3A_12 : vector<1x128x128xf32> to vector<128x128xf32>
    %dot_general3A = arith.constant dense<0.000000e+00> : vector<400x128xf32>
    %dot_general3A_14 = tpu.matmul %get3A_3, %get3A_13, %dot_general3A {dimension_numbers = #tpu.dot_dimension_numbers<[1], [0], [0], [1], [0, 0, 1, 1], [], []>, transpose_lhs_hint = false} : vector<400x128xf32>, vector<128x128xf32>, vector<400x128xf32> -> vector<400x128xf32>
    %mul3A = vector.broadcast %get3A_8 : vector<400x1xf32> to vector<400x128xf32>
    %mul3A_15 = arith.mulf %dot_general3A_14, %mul3A : vector<400x128xf32>
    %swap3A = arith.constant 0 : index
    %swap3A_16 = arith.constant 0 : index
    %swap3A_17 = arith.constant 0 : index
    %swap3A_18 = vector.load %arg6[%swap3A, %swap3A_16, %swap3A_17] : memref<1x400x128xf32, #tpu.memory_space<vmem>>, vector<1x400x128xf32>
    %swap3A_19 = vector.shape_cast %swap3A_18 : vector<1x400x128xf32> to vector<400x128xf32>
    %swap3A_20 = vector.shape_cast %mul3A_15 : vector<400x128xf32> to vector<1x400x128xf32>
    tpu.vector_store %arg6[%swap3A, %swap3A_16, %swap3A_17], %swap3A_20 {strides = array<i32>} : memref<1x400x128xf32, #tpu.memory_space<vmem>>, vector<1x400x128xf32>,
    %get3A_21 = arith.constant 0 : index
    %get3A_22 = arith.constant 0 : index
    %get3A_23 = arith.constant 0 : index
    %get3A_24 = vector.load %arg3[%get3A_21, %get3A_22, %get3A_23] : memref<1x128x128xf32, #tpu.memory_space<vmem>>, vector<1x128x128xf32>
    %get3A_25 = vector.shape_cast %get3A_24 : vector<1x128x128xf32> to vector<128x128xf32>
    %dot_general3A_26 = arith.constant dense<0.000000e+00> : vector<400x128xf32>
    %dot_general3A_27 = tpu.matmul %get3A_3, %get3A_25, %dot_general3A_26 {dimension_numbers = #tpu.dot_dimension_numbers<[1], [0], [0], [1], [0, 0, 1, 1], [], []>, transpose_lhs_hint = false} : vector<400x128xf32>, vector<128x128xf32>, vector<400x128xf32> -> vector<400x128xf32>
    %mul3A_28 = vector.broadcast %get3A_8 : vector<400x1xf32> to vector<400x128xf32>
    %mul3A_29 = arith.mulf %dot_general3A_27, %mul3A_28 : vector<400x128xf32>
    %convert_element_type3A = arith.truncf %mul3A_29 : vector<400x128xf32> to vector<400x128xbf16>
    %swap3A_30 = arith.constant 0 : index
    %swap3A_31 = arith.constant 0 : index
    %swap3A_32 = arith.constant 0 : index
    %swap3A_33 = vector.load %arg7[%swap3A_30, %swap3A_31, %swap3A_32] : memref<1x400x128xbf16, #tpu.memory_space<vmem>>, vector<1x400x128xbf16>
    %swap3A_34 = vector.shape_cast %swap3A_33 : vector<1x400x128xbf16> to vector<400x128xbf16>
    %swap3A_35 = vector.shape_cast %convert_element_type3A : vector<400x128xbf16> to vector<1x400x128xbf16>
    tpu.vector_store %arg7[%swap3A_30, %swap3A_31, %swap3A_32], %swap3A_35 {strides = array<i32>} : memref<1x400x128xbf16, #tpu.memory_space<vmem>>, vector<1x400x128xbf16>,
    return
  }
  func.func @transform_0(%arg0: i32, %arg1: i32) -> (i32, i32, i32) {
    %c0_i32 = arith.constant 0 : i32
    %c0_i32_0 = arith.constant 0 : i32
    return %arg0, %arg1, %c0_i32 : i32, i32, i32
  }
  func.func @transform_1(%arg0: i32, %arg1: i32) -> (i32, i32, i32) {
    %c0_i32 = arith.constant 0 : i32
    %c0_i32_0 = arith.constant 0 : i32
    %c0_i32_1 = arith.constant 0 : i32
    return %arg0, %c0_i32, %c0_i32_0 : i32, i32, i32
  }
  func.func @transform_2(%arg0: i32, %arg1: i32) -> (i32, i32, i32) {
    %c0_i32 = arith.constant 0 : i32
    %c0_i32_0 = arith.constant 0 : i32
    %c0_i32_1 = arith.constant 0 : i32
    return %arg0, %c0_i32, %c0_i32_0 : i32, i32, i32
  }
  func.func @transform_3(%arg0: i32, %arg1: i32) -> (i32, i32, i32) {
    %c0_i32 = arith.constant 0 : i32
    %c0_i32_0 = arith.constant 0 : i32
    return %arg0, %arg1, %c0_i32 : i32, i32, i32
  }
  func.func @transform_4(%arg0: i32, %arg1: i32) -> (i32, i32, i32) {
    %c0_i32 = arith.constant 0 : i32
    %c0_i32_0 = arith.constant 0 : i32
    return %arg0, %arg1, %c0_i32 : i32, i32, i32
  }
  func.func @transform_5(%arg0: i32, %arg1: i32) -> (i32, i32, i32) {
    %c0_i32 = arith.constant 0 : i32
    %c0_i32_0 = arith.constant 0 : i32
    return %arg0, %arg1, %c0_i32 : i32, i32, i32
  }
}

module attributes {stable_mosaic.version = 14 : i64} {
  func.func @_tc_stage2(%arg0: i32, %arg1: i32, %arg2: memref<1x1x400x128xf32, #tpu.memory_space<vmem>>, %arg3: memref<1x1x400x128xf32, #tpu.memory_space<vmem>>, %arg4: memref<1x400x128xf32, #tpu.memory_space<vmem>>, %arg5: memref<1x400x1xf32, #tpu.memory_space<vmem>>, %arg6: memref<1x1x128xf32, #tpu.memory_space<vmem>>, %arg7: memref<1x128x64xf32, #tpu.memory_space<vmem>>, %arg8: memref<1x400x64xf32, #tpu.memory_space<vmem>>) attributes {dimension_semantics = [#tpu.dimension_semantics<arbitrary>, #tpu.dimension_semantics<arbitrary>], iteration_bounds = array<i64: 3, 25>, scalar_prefetch = 0 : i64, scratch_operands = 0 : i64, tpu.core_type = #tpu.core_type<tc>, window_params = [{transform_indices = @transform_0, window_bounds = array<i64: 1, 1, 400, 128>}, {transform_indices = @transform_1, window_bounds = array<i64: 1, 1, 400, 128>}, {transform_indices = @transform_2, window_bounds = array<i64: 1, 400, 128>}, {transform_indices = @transform_3, window_bounds = array<i64: 1, 400, 1>}, {transform_indices = @transform_4, window_bounds = array<i64: 1, 1, 128>}, {transform_indices = @transform_5, window_bounds = array<i64: 1, 128, 64>}, {transform_indices = @transform_6, window_bounds = array<i64: 1, 400, 64>}]} {
    %get3A = arith.constant 0 : index
    %get3A_0 = arith.constant 0 : index
    %get3A_1 = arith.constant 0 : index
    %get3A_2 = vector.load %arg5[%get3A, %get3A_0, %get3A_1] : memref<1x400x1xf32, #tpu.memory_space<vmem>>, vector<1x400x1xf32>
    %get3A_3 = vector.shape_cast %get3A_2 : vector<1x400x1xf32> to vector<400x1xf32>
    %get3A_4 = arith.constant 0 : index
    %get3A_5 = arith.constant 0 : index
    %get3A_6 = arith.constant 0 : index
    %get3A_7 = arith.constant 0 : index
    %get3A_8 = vector.load %arg2[%get3A_4, %get3A_5, %get3A_6, %get3A_7] : memref<1x1x400x128xf32, #tpu.memory_space<vmem>>, vector<1x1x400x128xf32>
    %get3A_9 = vector.shape_cast %get3A_8 : vector<1x1x400x128xf32> to vector<400x128xf32>
    %get3A_10 = arith.constant 0 : index
    %get3A_11 = arith.constant 0 : index
    %get3A_12 = arith.constant 0 : index
    %get3A_13 = arith.constant 0 : index
    %get3A_14 = vector.load %arg3[%get3A_10, %get3A_11, %get3A_12, %get3A_13] : memref<1x1x400x128xf32, #tpu.memory_space<vmem>>, vector<1x1x400x128xf32>
    %get3A_15 = vector.shape_cast %get3A_14 : vector<1x1x400x128xf32> to vector<400x128xf32>
    %add3A = arith.addf %get3A_9, %get3A_15 : vector<400x128xf32>
    %get3A_16 = arith.constant 0 : index
    %get3A_17 = arith.constant 0 : index
    %get3A_18 = arith.constant 0 : index
    %get3A_19 = vector.load %arg4[%get3A_16, %get3A_17, %get3A_18] : memref<1x400x128xf32, #tpu.memory_space<vmem>>, vector<1x400x128xf32>
    %get3A_20 = vector.shape_cast %get3A_19 : vector<1x400x128xf32> to vector<400x128xf32>
    %add3A_21 = arith.addf %add3A, %get3A_20 : vector<400x128xf32>
    %mul3A = vector.broadcast %get3A_3 : vector<400x1xf32> to vector<400x128xf32>
    %mul3A_22 = arith.mulf %mul3A, %add3A_21 : vector<400x128xf32>
    %get3A_23 = arith.constant 0 : index
    %get3A_24 = arith.constant 0 : index
    %get3A_25 = arith.constant 0 : index
    %get3A_26 = vector.load %arg6[%get3A_23, %get3A_24, %get3A_25] : memref<1x1x128xf32, #tpu.memory_space<vmem>>, vector<1x1x128xf32>
    %get3A_27 = vector.shape_cast %get3A_26 : vector<1x1x128xf32> to vector<1x128xf32>
    %add3A_28 = vector.broadcast %get3A_27 : vector<1x128xf32> to vector<400x128xf32>
    %add3A_29 = arith.addf %mul3A_22, %add3A_28 : vector<400x128xf32>
    %max3A = arith.constant 0.000000e+00 : f32
    %max3A_30 = vector.broadcast %max3A : f32 to vector<400x128xf32>
    %max3A_31 = arith.maximumf %add3A_29, %max3A_30 : vector<400x128xf32>
    %get3A_32 = arith.constant 0 : index
    %get3A_33 = arith.constant 0 : index
    %get3A_34 = arith.constant 0 : index
    %get3A_35 = vector.load %arg7[%get3A_32, %get3A_33, %get3A_34] : memref<1x128x64xf32, #tpu.memory_space<vmem>>, vector<1x128x64xf32>
    %get3A_36 = vector.shape_cast %get3A_35 : vector<1x128x64xf32> to vector<128x64xf32>
    %dot_general3A = arith.constant dense<0.000000e+00> : vector<400x64xf32>
    %dot_general3A_37 = tpu.matmul %max3A_31, %get3A_36, %dot_general3A {dimension_numbers = #tpu.dot_dimension_numbers<[1], [0], [0], [1], [0, 0, 1, 1], [], []>, transpose_lhs_hint = false} : vector<400x128xf32>, vector<128x64xf32>, vector<400x64xf32> -> vector<400x64xf32>
    %mul3A_38 = vector.broadcast %get3A_3 : vector<400x1xf32> to vector<400x64xf32>
    %mul3A_39 = arith.mulf %dot_general3A_37, %mul3A_38 : vector<400x64xf32>
    %swap3A = arith.constant 0 : index
    %swap3A_40 = arith.constant 0 : index
    %swap3A_41 = arith.constant 0 : index
    %swap3A_42 = vector.load %arg8[%swap3A, %swap3A_40, %swap3A_41] : memref<1x400x64xf32, #tpu.memory_space<vmem>>, vector<1x400x64xf32>
    %swap3A_43 = vector.shape_cast %swap3A_42 : vector<1x400x64xf32> to vector<400x64xf32>
    %swap3A_44 = vector.shape_cast %mul3A_39 : vector<400x64xf32> to vector<1x400x64xf32>
    tpu.vector_store %arg8[%swap3A, %swap3A_40, %swap3A_41], %swap3A_44 {strides = array<i32>} : memref<1x400x64xf32, #tpu.memory_space<vmem>>, vector<1x400x64xf32>,
    return
  }
  func.func @transform_0(%arg0: i32, %arg1: i32) -> (i32, i32, i32, i32) {
    %c0_i32 = arith.constant 0 : i32
    %c0_i32_0 = arith.constant 0 : i32
    %c0_i32_1 = arith.constant 0 : i32
    return %c0_i32, %arg0, %arg1, %c0_i32_0 : i32, i32, i32, i32
  }
  func.func @transform_1(%arg0: i32, %arg1: i32) -> (i32, i32, i32, i32) {
    %c1_i32 = arith.constant 1 : i32
    %c0_i32 = arith.constant 0 : i32
    %c0_i32_0 = arith.constant 0 : i32
    return %c1_i32, %arg0, %arg1, %c0_i32 : i32, i32, i32, i32
  }
  func.func @transform_2(%arg0: i32, %arg1: i32) -> (i32, i32, i32) {
    %c0_i32 = arith.constant 0 : i32
    %c0_i32_0 = arith.constant 0 : i32
    return %arg0, %arg1, %c0_i32 : i32, i32, i32
  }
  func.func @transform_3(%arg0: i32, %arg1: i32) -> (i32, i32, i32) {
    %c0_i32 = arith.constant 0 : i32
    %c0_i32_0 = arith.constant 0 : i32
    return %arg0, %arg1, %c0_i32 : i32, i32, i32
  }
  func.func @transform_4(%arg0: i32, %arg1: i32) -> (i32, i32, i32) {
    %c0_i32 = arith.constant 0 : i32
    %c0_i32_0 = arith.constant 0 : i32
    %c0_i32_1 = arith.constant 0 : i32
    return %arg0, %c0_i32, %c0_i32_0 : i32, i32, i32
  }
  func.func @transform_5(%arg0: i32, %arg1: i32) -> (i32, i32, i32) {
    %c0_i32 = arith.constant 0 : i32
    %c0_i32_0 = arith.constant 0 : i32
    %c0_i32_1 = arith.constant 0 : i32
    return %arg0, %c0_i32, %c0_i32_0 : i32, i32, i32
  }
  func.func @transform_6(%arg0: i32, %arg1: i32) -> (i32, i32, i32) {
    %c0_i32 = arith.constant 0 : i32
    %c0_i32_0 = arith.constant 0 : i32
    return %arg0, %arg1, %c0_i32 : i32, i32, i32
  }
}

module attributes {stable_mosaic.version = 14 : i64} {
  func.func @_tc_final(%arg0: i32, %arg1: memref<1x1x400x64xf32, #tpu.memory_space<vmem>>, %arg2: memref<1x1x400x64xf32, #tpu.memory_space<vmem>>, %arg3: memref<1x400x64xf32, #tpu.memory_space<vmem>>, %arg4: memref<1x400x1xf32, #tpu.memory_space<vmem>>, %arg5: memref<1x1x64xf32, #tpu.memory_space<vmem>>, %arg6: memref<1x1x400x64xf32, #tpu.memory_space<vmem>>, %arg7: memref<1x1x400x64xf32, #tpu.memory_space<vmem>>, %arg8: memref<1x400x64xf32, #tpu.memory_space<vmem>>, %arg9: memref<1x400x1xf32, #tpu.memory_space<vmem>>, %arg10: memref<1x1x64xf32, #tpu.memory_space<vmem>>, %arg11: memref<1x1x400x64xf32, #tpu.memory_space<vmem>>, %arg12: memref<1x1x400x64xf32, #tpu.memory_space<vmem>>, %arg13: memref<1x400x64xf32, #tpu.memory_space<vmem>>, %arg14: memref<1x400x1xf32, #tpu.memory_space<vmem>>, %arg15: memref<1x1x64xf32, #tpu.memory_space<vmem>>, %arg16: memref<192x128xf32, #tpu.memory_space<vmem>>, %arg17: memref<1x128xf32, #tpu.memory_space<vmem>>, %arg18: memref<128x5xf32, #tpu.memory_space<vmem>>, %arg19: memref<1x5xf32, #tpu.memory_space<vmem>>, %arg20: memref<400x5xf32, #tpu.memory_space<vmem>>) attributes {dimension_semantics = [#tpu.dimension_semantics<arbitrary>], iteration_bounds = array<i64: 25>, scalar_prefetch = 0 : i64, scratch_operands = 0 : i64, tpu.core_type = #tpu.core_type<tc>, window_params = [{transform_indices = @transform_0, window_bounds = array<i64: 1, 1, 400, 64>}, {transform_indices = @transform_1, window_bounds = array<i64: 1, 1, 400, 64>}, {transform_indices = @transform_2, window_bounds = array<i64: 1, 400, 64>}, {transform_indices = @transform_3, window_bounds = array<i64: 1, 400, 1>}, {transform_indices = @transform_4, window_bounds = array<i64: 1, 1, 64>}, {transform_indices = @transform_5, window_bounds = array<i64: 1, 1, 400, 64>}, {transform_indices = @transform_6, window_bounds = array<i64: 1, 1, 400, 64>}, {transform_indices = @transform_7, window_bounds = array<i64: 1, 400, 64>}, {transform_indices = @transform_8, window_bounds = array<i64: 1, 400, 1>}, {transform_indices = @transform_9, window_bounds = array<i64: 1, 1, 64>}, {transform_indices = @transform_10, window_bounds = array<i64: 1, 1, 400, 64>}, {transform_indices = @transform_11, window_bounds = array<i64: 1, 1, 400, 64>}, {transform_indices = @transform_12, window_bounds = array<i64: 1, 400, 64>}, {transform_indices = @transform_13, window_bounds = array<i64: 1, 400, 1>}, {transform_indices = @transform_14, window_bounds = array<i64: 1, 1, 64>}, {pipeline_mode = #tpu.pipeline_mode<synchronous>, transform_indices = @transform_15, window_bounds = array<i64: 192, 128>}, {pipeline_mode = #tpu.pipeline_mode<synchronous>, transform_indices = @transform_16, window_bounds = array<i64: 1, 128>}, {pipeline_mode = #tpu.pipeline_mode<synchronous>, transform_indices = @transform_17, window_bounds = array<i64: 128, 5>}, {pipeline_mode = #tpu.pipeline_mode<synchronous>, transform_indices = @transform_18, window_bounds = array<i64: 1, 5>}, {transform_indices = @transform_19, window_bounds = array<i64: 400, 5>}]} {
    %get3A = arith.constant 0 : index
    %get3A_0 = arith.constant 0 : index
    %get3A_1 = arith.constant 0 : index
    %get3A_2 = vector.load %arg4[%get3A, %get3A_0, %get3A_1] : memref<1x400x1xf32, #tpu.memory_space<vmem>>, vector<1x400x1xf32>
    %get3A_3 = vector.shape_cast %get3A_2 : vector<1x400x1xf32> to vector<400x1xf32>
    %get3A_4 = arith.constant 0 : index
    %get3A_5 = arith.constant 0 : index
    %get3A_6 = arith.constant 0 : index
    %get3A_7 = arith.constant 0 : index
    %get3A_8 = vector.load %arg1[%get3A_4, %get3A_5, %get3A_6, %get3A_7] : memref<1x1x400x64xf32, #tpu.memory_space<vmem>>, vector<1x1x400x64xf32>
    %get3A_9 = vector.shape_cast %get3A_8 : vector<1x1x400x64xf32> to vector<400x64xf32>
    %get3A_10 = arith.constant 0 : index
    %get3A_11 = arith.constant 0 : index
    %get3A_12 = arith.constant 0 : index
    %get3A_13 = arith.constant 0 : index
    %get3A_14 = vector.load %arg2[%get3A_10, %get3A_11, %get3A_12, %get3A_13] : memref<1x1x400x64xf32, #tpu.memory_space<vmem>>, vector<1x1x400x64xf32>
    %get3A_15 = vector.shape_cast %get3A_14 : vector<1x1x400x64xf32> to vector<400x64xf32>
    %add3A = arith.addf %get3A_9, %get3A_15 : vector<400x64xf32>
    %get3A_16 = arith.constant 0 : index
    %get3A_17 = arith.constant 0 : index
    %get3A_18 = arith.constant 0 : index
    %get3A_19 = vector.load %arg3[%get3A_16, %get3A_17, %get3A_18] : memref<1x400x64xf32, #tpu.memory_space<vmem>>, vector<1x400x64xf32>
    %get3A_20 = vector.shape_cast %get3A_19 : vector<1x400x64xf32> to vector<400x64xf32>
    %add3A_21 = arith.addf %add3A, %get3A_20 : vector<400x64xf32>
    %mul3A = vector.broadcast %get3A_3 : vector<400x1xf32> to vector<400x64xf32>
    %mul3A_22 = arith.mulf %mul3A, %add3A_21 : vector<400x64xf32>
    %get3A_23 = arith.constant 0 : index
    %get3A_24 = arith.constant 0 : index
    %get3A_25 = arith.constant 0 : index
    %get3A_26 = vector.load %arg5[%get3A_23, %get3A_24, %get3A_25] : memref<1x1x64xf32, #tpu.memory_space<vmem>>, vector<1x1x64xf32>
    %get3A_27 = vector.shape_cast %get3A_26 : vector<1x1x64xf32> to vector<1x64xf32>
    %add3A_28 = vector.broadcast %get3A_27 : vector<1x64xf32> to vector<400x64xf32>
    %add3A_29 = arith.addf %mul3A_22, %add3A_28 : vector<400x64xf32>
    %get3A_30 = arith.constant 0 : index
    %get3A_31 = arith.constant 0 : index
    %get3A_32 = arith.constant 0 : index
    %get3A_33 = vector.load %arg9[%get3A_30, %get3A_31, %get3A_32] : memref<1x400x1xf32, #tpu.memory_space<vmem>>, vector<1x400x1xf32>
    %get3A_34 = vector.shape_cast %get3A_33 : vector<1x400x1xf32> to vector<400x1xf32>
    %get3A_35 = arith.constant 0 : index
    %get3A_36 = arith.constant 0 : index
    %get3A_37 = arith.constant 0 : index
    %get3A_38 = arith.constant 0 : index
    %get3A_39 = vector.load %arg6[%get3A_35, %get3A_36, %get3A_37, %get3A_38] : memref<1x1x400x64xf32, #tpu.memory_space<vmem>>, vector<1x1x400x64xf32>
    %get3A_40 = vector.shape_cast %get3A_39 : vector<1x1x400x64xf32> to vector<400x64xf32>
    %get3A_41 = arith.constant 0 : index
    %get3A_42 = arith.constant 0 : index
    %get3A_43 = arith.constant 0 : index
    %get3A_44 = arith.constant 0 : index
    %get3A_45 = vector.load %arg7[%get3A_41, %get3A_42, %get3A_43, %get3A_44] : memref<1x1x400x64xf32, #tpu.memory_space<vmem>>, vector<1x1x400x64xf32>
    %get3A_46 = vector.shape_cast %get3A_45 : vector<1x1x400x64xf32> to vector<400x64xf32>
    %add3A_47 = arith.addf %get3A_40, %get3A_46 : vector<400x64xf32>
    %get3A_48 = arith.constant 0 : index
    %get3A_49 = arith.constant 0 : index
    %get3A_50 = arith.constant 0 : index
    %get3A_51 = vector.load %arg8[%get3A_48, %get3A_49, %get3A_50] : memref<1x400x64xf32, #tpu.memory_space<vmem>>, vector<1x400x64xf32>
    %get3A_52 = vector.shape_cast %get3A_51 : vector<1x400x64xf32> to vector<400x64xf32>
    %add3A_53 = arith.addf %add3A_47, %get3A_52 : vector<400x64xf32>
    %mul3A_54 = vector.broadcast %get3A_34 : vector<400x1xf32> to vector<400x64xf32>
    %mul3A_55 = arith.mulf %mul3A_54, %add3A_53 : vector<400x64xf32>
    %get3A_56 = arith.constant 0 : index
    %get3A_57 = arith.constant 0 : index
    %get3A_58 = arith.constant 0 : index
    %get3A_59 = vector.load %arg10[%get3A_56, %get3A_57, %get3A_58] : memref<1x1x64xf32, #tpu.memory_space<vmem>>, vector<1x1x64xf32>
    %get3A_60 = vector.shape_cast %get3A_59 : vector<1x1x64xf32> to vector<1x64xf32>
    %add3A_61 = vector.broadcast %get3A_60 : vector<1x64xf32> to vector<400x64xf32>
    %add3A_62 = arith.addf %mul3A_55, %add3A_61 : vector<400x64xf32>
    %get3A_63 = arith.constant 0 : index
    %get3A_64 = arith.constant 0 : index
    %get3A_65 = arith.constant 0 : index
    %get3A_66 = vector.load %arg14[%get3A_63, %get3A_64, %get3A_65] : memref<1x400x1xf32, #tpu.memory_space<vmem>>, vector<1x400x1xf32>
    %get3A_67 = vector.shape_cast %get3A_66 : vector<1x400x1xf32> to vector<400x1xf32>
    %get3A_68 = arith.constant 0 : index
    %get3A_69 = arith.constant 0 : index
    %get3A_70 = arith.constant 0 : index
    %get3A_71 = arith.constant 0 : index
    %get3A_72 = vector.load %arg11[%get3A_68, %get3A_69, %get3A_70, %get3A_71] : memref<1x1x400x64xf32, #tpu.memory_space<vmem>>, vector<1x1x400x64xf32>
    %get3A_73 = vector.shape_cast %get3A_72 : vector<1x1x400x64xf32> to vector<400x64xf32>
    %get3A_74 = arith.constant 0 : index
    %get3A_75 = arith.constant 0 : index
    %get3A_76 = arith.constant 0 : index
    %get3A_77 = arith.constant 0 : index
    %get3A_78 = vector.load %arg12[%get3A_74, %get3A_75, %get3A_76, %get3A_77] : memref<1x1x400x64xf32, #tpu.memory_space<vmem>>, vector<1x1x400x64xf32>
    %get3A_79 = vector.shape_cast %get3A_78 : vector<1x1x400x64xf32> to vector<400x64xf32>
    %add3A_80 = arith.addf %get3A_73, %get3A_79 : vector<400x64xf32>
    %get3A_81 = arith.constant 0 : index
    %get3A_82 = arith.constant 0 : index
    %get3A_83 = arith.constant 0 : index
    %get3A_84 = vector.load %arg13[%get3A_81, %get3A_82, %get3A_83] : memref<1x400x64xf32, #tpu.memory_space<vmem>>, vector<1x400x64xf32>
    %get3A_85 = vector.shape_cast %get3A_84 : vector<1x400x64xf32> to vector<400x64xf32>
    %add3A_86 = arith.addf %add3A_80, %get3A_85 : vector<400x64xf32>
    %mul3A_87 = vector.broadcast %get3A_67 : vector<400x1xf32> to vector<400x64xf32>
    %mul3A_88 = arith.mulf %mul3A_87, %add3A_86 : vector<400x64xf32>
    %get3A_89 = arith.constant 0 : index
    %get3A_90 = arith.constant 0 : index
    %get3A_91 = arith.constant 0 : index
    %get3A_92 = vector.load %arg15[%get3A_89, %get3A_90, %get3A_91] : memref<1x1x64xf32, #tpu.memory_space<vmem>>, vector<1x1x64xf32>
    %get3A_93 = vector.shape_cast %get3A_92 : vector<1x1x64xf32> to vector<1x64xf32>
    %add3A_94 = vector.broadcast %get3A_93 : vector<1x64xf32> to vector<400x64xf32>
    %add3A_95 = arith.addf %mul3A_88, %add3A_94 : vector<400x64xf32>
    %concatenate3A = tpu.concatenate %add3A_29, %add3A_62, %add3A_95 in 1 : vector<400x64xf32>, vector<400x64xf32>, vector<400x64xf32> -> vector<400x192xf32>
    %get3A_96 = arith.constant 0 : index
    %get3A_97 = arith.constant 0 : index
    %get3A_98 = vector.load %arg16[%get3A_96, %get3A_97] : memref<192x128xf32, #tpu.memory_space<vmem>>, vector<192x128xf32>
    %dot_general3A = arith.constant dense<0.000000e+00> : vector<400x128xf32>
    %dot_general3A_99 = tpu.matmul %concatenate3A, %get3A_98, %dot_general3A {dimension_numbers = #tpu.dot_dimension_numbers<[1], [0], [0], [1], [0, 0, 1, 1], [], []>, transpose_lhs_hint = false} : vector<400x192xf32>, vector<192x128xf32>, vector<400x128xf32> -> vector<400x128xf32>
    %get3A_100 = arith.constant 0 : index
    %get3A_101 = arith.constant 0 : index
    %get3A_102 = vector.load %arg17[%get3A_100, %get3A_101] : memref<1x128xf32, #tpu.memory_space<vmem>>, vector<1x128xf32>
    %add3A_103 = vector.broadcast %get3A_102 : vector<1x128xf32> to vector<400x128xf32>
    %add3A_104 = arith.addf %dot_general3A_99, %add3A_103 : vector<400x128xf32>
    %max3A = arith.constant 0.000000e+00 : f32
    %max3A_105 = vector.broadcast %max3A : f32 to vector<400x128xf32>
    %max3A_106 = arith.maximumf %add3A_104, %max3A_105 : vector<400x128xf32>
    %get3A_107 = arith.constant 0 : index
    %get3A_108 = arith.constant 0 : index
    %get3A_109 = vector.load %arg18[%get3A_107, %get3A_108] : memref<128x5xf32, #tpu.memory_space<vmem>>, vector<128x5xf32>
    %dot_general3A_110 = arith.constant dense<0.000000e+00> : vector<400x5xf32>
    %dot_general3A_111 = tpu.matmul %max3A_106, %get3A_109, %dot_general3A_110 {dimension_numbers = #tpu.dot_dimension_numbers<[1], [0], [0], [1], [0, 0, 1, 1], [], []>, transpose_lhs_hint = false} : vector<400x128xf32>, vector<128x5xf32>, vector<400x5xf32> -> vector<400x5xf32>
    %get3A_112 = arith.constant 0 : index
    %get3A_113 = arith.constant 0 : index
    %get3A_114 = vector.load %arg19[%get3A_112, %get3A_113] : memref<1x5xf32, #tpu.memory_space<vmem>>, vector<1x5xf32>
    %add3A_115 = vector.broadcast %get3A_114 : vector<1x5xf32> to vector<400x5xf32>
    %add3A_116 = arith.addf %dot_general3A_111, %add3A_115 : vector<400x5xf32>
    %swap3A = arith.constant 0 : index
    %swap3A_117 = arith.constant 0 : index
    %swap3A_118 = vector.load %arg20[%swap3A, %swap3A_117] : memref<400x5xf32, #tpu.memory_space<vmem>>, vector<400x5xf32>
    tpu.vector_store %arg20[%swap3A, %swap3A_117], %add3A_116 {strides = array<i32>} : memref<400x5xf32, #tpu.memory_space<vmem>>, vector<400x5xf32>,
    return
  }
  func.func @transform_0(%arg0: i32) -> (i32, i32, i32, i32) {
    %c0_i32 = arith.constant 0 : i32
    %c0_i32_0 = arith.constant 0 : i32
    %c0_i32_1 = arith.constant 0 : i32
    %c0_i32_2 = arith.constant 0 : i32
    return %c0_i32, %c0_i32_0, %arg0, %c0_i32_1 : i32, i32, i32, i32
  }
  func.func @transform_1(%arg0: i32) -> (i32, i32, i32, i32) {
    %c1_i32 = arith.constant 1 : i32
    %c0_i32 = arith.constant 0 : i32
    %c0_i32_0 = arith.constant 0 : i32
    %c0_i32_1 = arith.constant 0 : i32
    return %c1_i32, %c0_i32, %arg0, %c0_i32_0 : i32, i32, i32, i32
  }
  func.func @transform_2(%arg0: i32) -> (i32, i32, i32) {
    %c0_i32 = arith.constant 0 : i32
    %c0_i32_0 = arith.constant 0 : i32
    %c0_i32_1 = arith.constant 0 : i32
    return %c0_i32, %arg0, %c0_i32_0 : i32, i32, i32
  }
  func.func @transform_3(%arg0: i32) -> (i32, i32, i32) {
    %c0_i32 = arith.constant 0 : i32
    %c0_i32_0 = arith.constant 0 : i32
    %c0_i32_1 = arith.constant 0 : i32
    return %c0_i32, %arg0, %c0_i32_0 : i32, i32, i32
  }
  func.func @transform_4(%arg0: i32) -> (i32, i32, i32) {
    %c0_i32 = arith.constant 0 : i32
    %c0_i32_0 = arith.constant 0 : i32
    %c0_i32_1 = arith.constant 0 : i32
    %c0_i32_2 = arith.constant 0 : i32
    return %c0_i32, %c0_i32_0, %c0_i32_1 : i32, i32, i32
  }
  func.func @transform_5(%arg0: i32) -> (i32, i32, i32, i32) {
    %c0_i32 = arith.constant 0 : i32
    %c1_i32 = arith.constant 1 : i32
    %c0_i32_0 = arith.constant 0 : i32
    %c0_i32_1 = arith.constant 0 : i32
    return %c0_i32, %c1_i32, %arg0, %c0_i32_0 : i32, i32, i32, i32
  }
  func.func @transform_6(%arg0: i32) -> (i32, i32, i32, i32) {
    %c1_i32 = arith.constant 1 : i32
    %c1_i32_0 = arith.constant 1 : i32
    %c0_i32 = arith.constant 0 : i32
    %c0_i32_1 = arith.constant 0 : i32
    return %c1_i32, %c1_i32_0, %arg0, %c0_i32 : i32, i32, i32, i32
  }
  func.func @transform_7(%arg0: i32) -> (i32, i32, i32) {
    %c1_i32 = arith.constant 1 : i32
    %c0_i32 = arith.constant 0 : i32
    %c0_i32_0 = arith.constant 0 : i32
    return %c1_i32, %arg0, %c0_i32 : i32, i32, i32
  }
  func.func @transform_8(%arg0: i32) -> (i32, i32, i32) {
    %c1_i32 = arith.constant 1 : i32
    %c0_i32 = arith.constant 0 : i32
    %c0_i32_0 = arith.constant 0 : i32
    return %c1_i32, %arg0, %c0_i32 : i32, i32, i32
  }
  func.func @transform_9(%arg0: i32) -> (i32, i32, i32) {
    %c1_i32 = arith.constant 1 : i32
    %c0_i32 = arith.constant 0 : i32
    %c0_i32_0 = arith.constant 0 : i32
    %c0_i32_1 = arith.constant 0 : i32
    return %c1_i32, %c0_i32, %c0_i32_0 : i32, i32, i32
  }
  func.func @transform_10(%arg0: i32) -> (i32, i32, i32, i32) {
    %c0_i32 = arith.constant 0 : i32
    %c2_i32 = arith.constant 2 : i32
    %c0_i32_0 = arith.constant 0 : i32
    %c0_i32_1 = arith.constant 0 : i32
    return %c0_i32, %c2_i32, %arg0, %c0_i32_0 : i32, i32, i32, i32
  }
  func.func @transform_11(%arg0: i32) -> (i32, i32, i32, i32) {
    %c1_i32 = arith.constant 1 : i32
    %c2_i32 = arith.constant 2 : i32
    %c0_i32 = arith.constant 0 : i32
    %c0_i32_0 = arith.constant 0 : i32
    return %c1_i32, %c2_i32, %arg0, %c0_i32 : i32, i32, i32, i32
  }
  func.func @transform_12(%arg0: i32) -> (i32, i32, i32) {
    %c2_i32 = arith.constant 2 : i32
    %c0_i32 = arith.constant 0 : i32
    %c0_i32_0 = arith.constant 0 : i32
    return %c2_i32, %arg0, %c0_i32 : i32, i32, i32
  }
  func.func @transform_13(%arg0: i32) -> (i32, i32, i32) {
    %c2_i32 = arith.constant 2 : i32
    %c0_i32 = arith.constant 0 : i32
    %c0_i32_0 = arith.constant 0 : i32
    return %c2_i32, %arg0, %c0_i32 : i32, i32, i32
  }
  func.func @transform_14(%arg0: i32) -> (i32, i32, i32) {
    %c2_i32 = arith.constant 2 : i32
    %c0_i32 = arith.constant 0 : i32
    %c0_i32_0 = arith.constant 0 : i32
    %c0_i32_1 = arith.constant 0 : i32
    return %c2_i32, %c0_i32, %c0_i32_0 : i32, i32, i32
  }
  func.func @transform_15(%arg0: i32) -> (i32, i32) {
    %c0_i32 = arith.constant 0 : i32
    %c0_i32_0 = arith.constant 0 : i32
    %c0_i32_1 = arith.constant 0 : i32
    return %c0_i32, %c0_i32_0 : i32, i32
  }
  func.func @transform_16(%arg0: i32) -> (i32, i32) {
    %c0_i32 = arith.constant 0 : i32
    %c0_i32_0 = arith.constant 0 : i32
    %c0_i32_1 = arith.constant 0 : i32
    return %c0_i32, %c0_i32_0 : i32, i32
  }
  func.func @transform_17(%arg0: i32) -> (i32, i32) {
    %c0_i32 = arith.constant 0 : i32
    %c0_i32_0 = arith.constant 0 : i32
    %c0_i32_1 = arith.constant 0 : i32
    return %c0_i32, %c0_i32_0 : i32, i32
  }
  func.func @transform_18(%arg0: i32) -> (i32, i32) {
    %c0_i32 = arith.constant 0 : i32
    %c0_i32_0 = arith.constant 0 : i32
    %c0_i32_1 = arith.constant 0 : i32
    return %c0_i32, %c0_i32_0 : i32, i32
  }
  func.func @transform_19(%arg0: i32) -> (i32, i32) {
    %c0_i32 = arith.constant 0 : i32
    %c0_i32_0 = arith.constant 0 : i32
    return %arg0, %c0_i32 : i32, i32
  }
}

</mosaic_0001>

<sc_bundles>
// kernel: kernel.11.cloned.1.call-start
scs
__scs_entry_jumppad:
0x0: {  	(pc) =	sbr.rel $0x88, $3  }
0x1: {  	(tag) =	ssettag $0x0;
	lr =	simm.s32 $0x1  }
0x2: {  	[smem:$0x3F8B] =	sst lr;
	_ =	strace $0xD0000000  }
0x3: {  	_ = 	snop  }
0x4: {  	_ = 	snop  }
0x5: {  	_ = 	snop  }
0x6: {  	_ = 	snop  }
0x7: {  	_ = 	snop  }
__scs_overlays_trampoline_lowered:
0x8: {  	[smem:$0x3F9A] =	sst s0  }
0x9: {  	[smem:$0x3F9B] =	sst s1  }
0xa: {  	[smem:$0x3F9C] =	sst s2  }
0xb: {  	[smem:$0x3F9D] =	sst s3  }
0xc: {  	[smem:$0x3F9E] =	sst s4  }
0xd: {  	[smem:$0x3F9F] =	sst s5  }
0xe: {  	[smem:$0x3FA0] =	sst s6  }
0xf: {  	[smem:$0x3FA1] =	sst s7  }
0x10: {  	[smem:$0x3FA2] =	sst s8  }
0x11: {  	[smem:$0x3FA3] =	sst s9;
	s0 =	simm.s32 @!p0 $0x0  }
0x12: {  	s1 =	sld [smem:$0x3F89];
	s0 =	simm.s32 @p0 $0x1  }
0x13: {  	[smem:$0x3FA4] =	sst s0;
	s0 =	simm.s32 @!p1 $0x0  }
0x14: {  	s2 =	sld [smem:$0x3F88];
	s0 =	simm.s32 @p1 $0x1  }
0x15: {  	[smem:$0x3FA5] =	sst s0;
	s0 =	simm.s32 @!p2 $0x0  }
0x16: {  	s3 =	sld [smem:$0x3FDB];
	s0 =	simm.s32 @p2 $0x1  }
0x17: {  	s4 =	simm.s32 $0x1BF5;
	[smem:$0x3FA7] =	sst s0  }
0x18: {  	s0 =	sld [smem:$0x3F8A];
	_ =	swait.ge [sflag:s4], $0x0  }
0x19: {  	s7 =	sld [smem:$0x3F8B]  }
0x1a: {  	s8 =	sadd.s32 $0xFFFFE003, lr  }
0x1b: {  	s9 =	sadd.s32 $0xFFFFFEF7, lr;
	s5 =	simm.s32 $0xFFFFFFFF;
	p2 =	slt.u32 s8, $0xFFFFF086  }
0x1c: {  	p1 =	slt.u32 s9, $0xF7A;
	s5 =	simm.s32 @!p2 $0x0  }
0x1d: {  	s5 =	simm.s32 @p1 $0x1;
	p0 =	seq.s32 s7, s2  }
0x1e: {  	s7 =	smul.u32 @!p0 $0xF7A, s2;
	p2 =	seq.s32 @!p0 s5, $0x0  }
0x1f: {  	s9 =	smul.u32 $0xF7A, s1;
	s8 =	simm.s32 @!p0 $0x1BF5;
	p2 =	por !p2, p0  }
0x20: {  	[sflag:s8] =	ssyncset.s32 @!p0 $0xFFFFF086;
	s6 =	sadd.s32 @!p0 s3, s7;
	s7 =	simm.s32 @!p0 $0x108  }
0x21: {  	s3 =	sadd.s32 s3, s9;
	s6 =	sadd.s32 @!p0 $0x88, s6;
	s7 =	simm.s32 @p2 $0x1082  }
0x22: {  	[simem:s7], [sflag:s8] =	dma.local @!p0 [hbm:s6], $0xF7A  }
0x23: {  	s9 =	sor.u32 $0xD0000000, s2;
	s6 =	simm.s32 $0x108;
	_ =	swait.ge @!p0 [sflag:s8], $0x0  }
0x24: {  	s3 =	sadd.s32 $0x88, s3;
	s6 =	simm.s32 @!p1 $0x1082;
	[sflag:s4] =	ssyncset.s32 $0xFFFFF086  }
0x25: {  	[simem:s6], [sflag:s4] =	dma.local [hbm:s3], $0xF7A  }
0x26: {  	[smem:$0x3F8B] =	sst s1;
	(tag) =	ssettag s2;
	_ =	strace s9  }
0x27: {  	s1 =	sld [smem:$0x3F9B]  }
0x28: {  	s2 =	sld [smem:$0x3F9C]  }
0x29: {  	s4 =	sld [smem:$0x3F9E]  }
0x2a: {  	p0 =	seq.s32 s5, $0x0;
	s5 =	sld [smem:$0x3F9F]  }
0x2b: {  	s6 =	sld [smem:$0x3FA0]  }
0x2c: {  	s7 =	sld [smem:$0x3FA1]  }
0x2d: {  	s3 =	simm.s32 $0x108;
	s8 =	sld [smem:$0x3FA2]  }
0x2e: {  	s3 =	simm.s32 @!p0 $0x1082;
	s9 =	sld [smem:$0x3FA3]  }
0x2f: {  	lr =	sadd.s32 s0, s3;
	s0 =	sld [smem:$0x3F9A]  }
0x30: {  	s3 =	sld [smem:$0x3F9D]  }
0x31: {  	[smem:$0x3FA6] =	sst s10  }
0x32: {  	s10 =	sld [smem:$0x3FA4];
	_ =	sdelay $0x3  }
0x33: {  	p0 =	seq.s32 s10, $0x1;
	s10 =	sld [smem:$0x3FA6];
	_ =	sdelay $0x3  }
0x34: {  	[smem:$0x3FA6] =	sst s10  }
0x35: {  	s10 =	sld [smem:$0x3FA5];
	_ =	sdelay $0x3  }
0x36: {  	p1 =	seq.s32 s10, $0x1;
	s10 =	sld [smem:$0x3FA6];
	_ =	sdelay $0x3  }
0x37: {  	[smem:$0x3FA6] =	sst s10  }
0x38: {  	s10 =	sld [smem:$0x3FA7]  }
0x39: {  	_ = 	snop;
	(pc) =	sbr.ind lr, $3  }
0x3a: {  	_ = 	snop  }
0x3b: {  	_ = 	snop  }
0x3c: {  	p2 =	seq.s32 s10, $0x1;
	s10 =	sld [smem:$0x3FA6]  }
0x3d: {  	_ =	shalt  }
0x3e: {  	_ =	shalt  }
0x3f: {  	_ =	shalt  }
0x40: {  	_ =	shalt  }
0x41: {  	_ =	shalt  }
0x42: {  	_ =	shalt  }
0x43: {  	_ =	shalt  }
0x44: {  	_ =	shalt  }
0x45: {  	_ =	shalt  }
0x46: {  	_ =	shalt  }
0x47: {  	_ =	shalt  }
0x48: {  	_ =	shalt  }
0x49: {  	_ =	shalt  }
0x4a: {  	_ =	shalt  }
0x4b: {  	_ =	shalt  }
0x4c: {  	_ =	shalt  }
0x4d: {  	_ =	shalt  }
0x4e: {  	_ =	shalt  }
0x4f: {  	_ =	shalt  }
0x50: {  	_ =	shalt  }
0x51: {  	_ =	shalt  }
0x52: {  	_ =	shalt  }
0x53: {  	_ =	shalt  }
0x54: {  	_ =	shalt  }
0x55: {  	_ =	shalt  }
0x56: {  	_ =	shalt  }
0x57: {  	_ =	shalt  }
0x58: {  	_ =	shalt  }
0x59: {  	_ =	shalt  }
0x5a: {  	_ =	shalt  }
0x5b: {  	_ =	shalt  }
0x5c: {  	_ =	shalt  }
0x5d: {  	_ =	shalt  }
0x5e: {  	_ =	shalt  }
0x5f: {  	_ =	shalt  }
0x60: {  	_ =	shalt  }
0x61: {  	_ =	shalt  }
0x62: {  	_ =	shalt  }
0x63: {  	_ =	shalt  }
0x64: {  	_ =	shalt  }
0x65: {  	_ =	shalt  }
0x66: {  	_ =	shalt  }
0x67: {  	_ =	shalt  }
0x68: {  	_ =	shalt  }
0x69: {  	_ =	shalt  }
0x6a: {  	_ =	shalt  }
0x6b: {  	_ =	shalt  }
0x6c: {  	_ =	shalt  }
0x6d: {  	_ =	shalt  }
0x6e: {  	_ =	shalt  }
0x6f: {  	_ =	shalt  }
0x70: {  	_ =	shalt  }
0x71: {  	_ =	shalt  }
0x72: {  	_ =	shalt  }
0x73: {  	_ =	shalt  }
0x74: {  	_ =	shalt  }
0x75: {  	_ =	shalt  }
0x76: {  	_ =	shalt  }
0x77: {  	_ =	shalt  }
0x78: {  	_ =	shalt  }
0x79: {  	_ =	shalt  }
0x7a: {  	_ =	shalt  }
0x7b: {  	_ =	shalt  }
0x7c: {  	_ =	shalt  }
0x7d: {  	_ =	shalt  }
0x7e: {  	_ =	shalt  }
0x7f: {  	_ =	shalt  }
0x80: {  	_ =	shalt  }
0x81: {  	_ =	shalt  }
0x82: {  	_ =	shalt  }
0x83: {  	_ =	shalt  }
0x84: {  	_ =	shalt  }
0x85: {  	_ =	shalt  }
0x86: {  	_ =	shalt  }
0x87: {  	_ =	shalt  }
.Lfunc_end0:
.L_simem_size_0:
called_computation.1_lowered:
.L_overlay_start_0:
0x88: {  	s2 =	sld [smem:$0x3FD9]  }
0x89: {  	s3 =	sld [smem:$0x3FFE];
	_ =	sdelay $0x1  }
0x8a: {  	s1 =	srdreg.scid  }
0x8b: {  	s0 =	sand.u32 $0x1, s1  }
0x8c: {  	s16 =	sshll.u32 s0, $0xA;
	s2 =	sadd.s32 s3, s2  }
0x8d: {  	s2 =	sadd.s32 s2, s16  }
0x8e: {  	[smem:$0x3FB2] =	sst s2  }
0x8f: {  	_ = 	snop  }
0x90: {  	(tm) =	ssettm $0x1  }
0x91: {  	s17 =	sld [smem:$0x3FFB];
	_ =	sdelay $0x3  }
0x92: {  	_ =	strace s17  }
0x93: {  	s2 =	sld [smem:$0x3FFC];
	_ =	sdelay $0x3  }
0x94: {  	_ =	strace s2  }
0x95: {  	s2 =	sld [smem:$0x3FFD];
	_ =	sdelay $0x3  }
0x96: {  	_ =	strace s2  }
0x97: {  	_ =	strace $0x8FFFFFFF  }
0x98: {  	s18 =	sld [smem:$0x3FDB];
	_ =	sdelay $0x1  }
0x99: {  	s19 =	simm.s32 $_scs_section_size  }
0x9a: {  	s4 =	simm.s32 $_size__tile_overlayer_lowered;
	s5 =	simm.s32 $_tile_overlayer_lowered  }
0x9b: {  	s22 =	simm.s32 $0x1BFF;
	s21 =	sshll.u32 s5, $0x1;
	s2 =	sadd.s32 s19, s18  }
0x9c: {  	s6 =	simm.s32 $0x0;
	s20 =	sshll.u32 s4, $0x1;
	s4 =	sadd.s32 s21, s2  }
0x9d: {  	[timem:s6], [sflag:s22] =	dma.local [hbm:s4], s20  }
0x9e: {  	_ =	swait.ge [sflag:s22], s20  }
0x9f: {  	s3 =	ssub.s32 $0x0, s20;
	[sflag:s22] =	ssyncset.done $0x0  }
0xa0: {  	[sflag:s22] =	ssyncadd.s32 s3;
	_ =	sdelay $0x1  }
0xa1: {  	s23 =	simm.s32 $0x1B8B  }
0xa2: {  	_ =	swait.ge [sflag:s23], $0x1  }
0xa3: {  	[sflag:s23] =	ssyncset.done $0x0  }
0xa4: {  	s25 =	simm.s32 $0x1B8E;
	s24 =	sld [smem:$0x3FFE];
	[sflag:s23] =	ssyncadd.s32 $0xFFFFFFFF  }
0xa5: {  	s26 =	simm.s32 $execute0_lowered;
	[smem:$0x3FD2] =	sst s25  }
0xa6: {  	s4 =	sshll.u32 s26, $0x1;
	_ =	strace $0x80000049;
	[dreg:$0x1] =	wrdreg $0xFFFFFFFF  }
0xa7: {  	s28 =	simm.s32 $_size_execute0_lowered;
	s2 =	sadd.s32 s2, s4;
	[dreg:$0x0] =	wrdreg $0x0  }
0xa8: {  	s4 =	sshll.u32 s28, $0x1;
	[dreg:$0x2] =	wrdreg s2  }
0xa9: {  	[dreg:$0x3] =	wrdreg s4  }
0xaa: {  	[dreg:$0x4] =	wrdreg $0xC0  }
0xab: {  	_ =	task [dreg:s6], $0x5FFFF  }
0xac: {  	[dreg:$0x1] =	wrdreg $0xFFFFFFFF  }
0xad: {  	[dreg:$0x0] =	wrdreg $0x60  }
0xae: {  	[dreg:$0x2] =	wrdreg s24  }
0xaf: {  	[dreg:$0x3] =	wrdreg $0x0  }
0xb0: {  	[dreg:$0x4] =	wrdreg $0x9  }
0xb1: {  	_ =	task.clear_ibuf [dreg:s6], $0x5FFFF;
	_ =	strace $0x90000049  }
0xb2: {  	s29 =	simm.s32 $0x9;
	_ =	strace $0x8000004B  }
0xb3: {  	_ =	swait.ge [sflag:s29], $0x1  }
0xb4: {  	[sflag:s29] =	ssyncadd.s32 $0xFFFFFFFF  }
0xb5: {  	_ =	strace $0x9000004B  }
0xb6: {  	_ =	sfence  }
0xb7: {  	s30 =	sld [smem:$0x0];
	_ =	sdelay $0x2  }
0xb8: {  	s31 =	sshll.u32 s1, $0xD;
	s1 =	sshrl.u32 s1, $0x2  }
0xb9: {  	s3 =	sand.u32 $0x4000, s31;
	s1 =	sadd.s32 s1, s30  }
0xba: {  	s0 =	sor.u32 s3, s0;
	s1 =	sshll.u32 s1, $0x11  }
0xbb: {  	s0 =	sor.u32 s1, s0  }
0xbc: {  	s0 =	sadd.s32 $0x8F2B, s0  }
0xbd: {  	[sflag:s0] =	ssyncadd.remote.s32 $0x1  }
0xbe: {  	_ =	sfence.sel $0xFFFF  }
0xbf: {  	[dreg:$0x0] =	wrdreg $0xFFFFFFFF;
	(pc) =	sbr.abs _section_cstart, $3  }
0xc0: {  	[dreg:$0x1] =	wrdreg $0xFFFFFFFF  }
0xc1: {  	_ =	task.clear_ibuf [dreg:s6], $0x2FFFF;
	_ =	strace $0x9FFFFFFF  }
0xc2: {  	(tm) =	ssettm $0x7FFFFFFF  }
0xc3: {  	_ =	shalt  }
tec
execute0_lowered:
.L_overlay_start_1:
0x0: {  	(tag) =	ssettag $0x1  }
0x1: {  	s7 =	rddreg [dreg:$0x0]  }
0x2: {  	s2 =	rddreg [dreg:$0x1]  }
0x3: {  	s0 =	rddreg [dreg:$0x2];
	s3 =	simm.s32 $0x0  }
0x4: {  	s1 =	stileid.u32;
	s6 =	srdreg.scid;
	s14 =	simm.s32 $0x16400  }
0x5: {  	s17 =	simm.s32 $0x40;
	s18 =	simm.s32 $0x18C00;
	s19 =	simm.s32 $0x1  }
0x6: {  	s20 =	simm.s32 $0x2;
	[smem:$0x7FF] =	sst s3;
	s10 =	smul.u32 $0x13C00, s1  }
0x7: {  	s4 =	sadd.s32 $0x94C00, s7;
	s5 =	sadd.s32 $0x76C00, s7;
	s9 =	sand.u32 $0x1, s6  }
0x8: {  	s6 =	sadd.s32 $0x44C00, s7;
	s13 =	sshll.u32 s1, $0x1;
	s15 =	sshll.u32 s1, $0x6  }
0x9: {  	_ =	strace $0x8000004A;
	s29 =	ssub.s32 $0x2, s9;
	s30 =	sor.u32 s9, s13  }
0xa: {  	s31 =	smul.u32 $0x3B4000, s9;
	s13 =	simm.s32 $0x3;
	s15 =	sor.u32 $0x1C03, s15  }
0xb: {  	s8 =	sshrl.u32 s10, $0x3;
	s12 =	sshrl.u32 s29, $0x1;
	s16 =	sadd.s32 s10, s2  }
0xc: {  	s11 =	sadd.s32 s8, s7;
	s7 =	sadd.s32 $0x1F4800, s7;
	s12 =	ssub.s32 s29, s12  }
0xd: {  	s8 =	smul.u32 $0x2800, s30;
	s10 =	sadd.s32 s31, s10;
	s16 =	sshrl.u32 s16, $0x3  }
0xe: {  	s9 =	sadd.s32 $0xCF600, s11;
	s11 =	smax.u32 s12, $0x1;
	s12 =	simm.s32 $0x13C00  }
.LBB2_1:
0xf: {  	s21 =	simm.s32 $0x0  }
.LBB2_2:
0x10: {  	s22 =	smul.u32 $0x50000, s21;
	_ =	sdelay $0x1  }
0x11: {  	s22 =	sadd.s32 s8, s22  }
0x12: {  	s22 =	sshrl.u32 s22, $0x3  }
0x13: {  	s24 =	simm.s32 $0x0;
	s23 =	sadd.s32 s5, s22  }
0x14: {  	[tilespmem:s12], [sflag:$0x3] =	stream.linear.gather [hbm4b:s23+s24], $0x2800, $0x38;
	[tilespmem:$0x1EC00] =	vst v63  }
0x15: {  	_ =	swait.ge [sflag:s13], $0x2800  }
0x16: {  	[sflag:s13] =	ssyncset.done $0x0  }
0x17: {  	s22 =	sadd.s32 s6, s22;
	[sflag:s13] =	ssyncadd.s32 $0xFFFFD800  }
0x18: {  	[tilespmem:s14], [sflag:$0x3] =	stream.linear.gather [hbm4b:s22+s24], $0x2800, $0x38;
	[tilespmem:$0x1EC00] =	vst v63  }
0x19: {  	_ =	swait.ge [sflag:s13], $0x2800  }
0x1a: {  	[sflag:s13] =	ssyncset.done $0x0  }
0x1b: {  	[sflag:s13] =	ssyncadd.s32 $0xFFFFD800  }
0x1c: {  	[spmem:s16], [sflag:s15] =	dma.local [hbm:s9], $0x2780  }
0x1d: {  	_ =	swait.ge [sflag:s13], $0x2780  }
0x1e: {  	s31 =	smul.u32 $0x13880, s21;
	[sflag:s13] =	ssyncset.done $0x0  }
0x1f: {  	[sflag:s13] =	ssyncadd.s32 $0xFFFFD880  }
0x20: {  	p0 =	por $0x0, $0x0;
	s22 =	sadd.s32 s4, s31;
	[bflag:$0x0] =	sbarrier.arrive $0xFFFF  }
0x21: {  	[tilespmem:s18], [sflag:$0x1] =	stream.indirect.gather [hbm4b:s22+s17], $0x40, s12, s17, $0xb8;
	[tilespmem:$0x1EC00] =	vst v63  }
.LBB2_3:
0x22: {  	s23 =	sadd.s32 $0x1, s24;
	_ =	swait.ge [sflag:s19], $0x1000;
	p1 =	seq.s32 s24, $0x9F  }
0x23: {  	[sflag:s19] =	ssyncset.done $0x0;
	s25 =	sshll.u32 @!p1 s23, $0xC;
	s26 =	sshll.u32 @!p1 s23, $0x6  }
0x24: {  	s28 =	simm.s32 @!p1 $0x40;
	s25 =	sand.u32 @!p1 $0x1000, s25;
	s26 =	sand.u32 @!p1 $0x3FFFFFC0, s26  }
0x25: {  	[sflag:s19] =	ssyncadd.s32 $0xFFFFF000;
	s25 =	sor.u32 @!p1 $0x18C00, s25;
	s26 =	sadd.s32 @!p1 $0x13C00, s26  }
0x26: {  	[tilespmem:s25], [sflag:$0x1] =	stream.indirect.gather @!p1 [hbm4b:s22+s28], $0x40, s26, s28, $0xb8;
	[tilespmem:$0x1EC00] =	vst v63  }
0x27: {  	s25 =	simm.s32 $0x1  }
0x28: {  	s25 =	simm.s32 @!p0 $0x0  }
0x29: {  	s30 =	sshll.u32 s25, $0xC  }
0x2a: {  	s26 =	sor.u32 $0x18C20, s30  }
0x2b: {  	p2 =	slt.u32 @!p1 s24, $0x2;
	v0 =	vmov s26  }
0x2c: {  	p1 =	por p1, !p2  }
0x2d: {  	_ =	swait.ge @p1 [sflag:s20], $0x2000  }
0x2e: {  	[sflag:s20] =	ssyncset.done @p1 $0x0  }
0x2f: {  	s31 =	simm.s32 $0x0;
	[sflag:s20] =	ssyncadd.s32 @p1 $0xFFFFE000  }
0x30: {  	v1 =	vld.idx.msk [tilespmem:v0+s31+$0xFFFFFFE0 ss:$0x1], $0xffff;
	_ =	sdelay $0x3  }
0x31: {  	s25 =	sshll.u32 s25, $0xD  }
0x32: {  	s25 =	sadd.s32 $0x1AC40, s25;
	v2 =	vshll.u32 v1, $0x10  }
0x33: {  	v1 =	vand.u32 $0xFFFF0000, v1;
	[tilespmem:s25+$0xFFFFFFC0] =	vst v2  }
0x34: {  	[tilespmem:s25+$0xFFFFFFD0] =	vst v1  }
0x35: {  	v1 =	vld.idx.msk [tilespmem:v0+s31+$0xFFFFFFF0 ss:$0x1], $0xffff;
	_ =	sdelay $0x4  }
0x36: {  	v2 =	vshll.u32 v1, $0x10  }
0x37: {  	v1 =	vand.u32 $0xFFFF0000, v1;
	[tilespmem:s25+$0xFFFFFFE0] =	vst v2  }
0x38: {  	[tilespmem:s25+$0xFFFFFFF0] =	vst v1  }
0x39: {  	v1 =	vld.idx.msk [tilespmem:v0+s31+$0x0 ss:$0x1], $0xffff;
	_ =	sdelay $0x4  }
0x3a: {  	v2 =	vand.u32 $0xFFFF0000, v1  }
0x3b: {  	v1 =	vshll.u32 v1, $0x10;
	[tilespmem:s25+$0x10] =	vst v2  }
0x3c: {  	[tilespmem:s25+$0x0] =	vst v1  }
0x3d: {  	v1 =	vld.idx.msk [tilespmem:v0+s31+$0x10 ss:$0x1], $0xffff;
	_ =	sdelay $0x4  }
0x3e: {  	v2 =	vshll.u32 v1, $0x10  }
0x3f: {  	v1 =	vand.u32 $0xFFFF0000, v1;
	[tilespmem:s25+$0x20] =	vst v2  }
0x40: {  	s24 =	sshll.u32 s24, $0x6;
	s28 =	simm.s32 $0x40;
	[tilespmem:s25+$0x30] =	vst v1  }
0x41: {  	s29 =	simm.s32 $0x200;
	s26 =	sand.u32 $0x40, s24;
	v1 =	vld.idx.msk [tilespmem:v0+s28+$0xFFFFFFE0 ss:$0x1], $0xffff  }
.LBB2_4:
0x42: {  	p1 =	sne.s32 s29, $0x3F00;
	_ =	sdelay $0x3  }
0x43: {  	s25 =	sadd.s32 $0x80, s25;
	v2 =	vshll.u32 v1, $0x10  }
0x44: {  	v1 =	vand.u32 $0xFFFF0000, v1;
	[tilespmem:s25+$0xFFFFFFC0] =	vst v2  }
0x45: {  	[tilespmem:s25+$0xFFFFFFD0] =	vst v1  }
0x46: {  	v1 =	vld.idx.msk [tilespmem:v0+s28+$0xFFFFFFF0 ss:$0x1], $0xffff;
	_ =	sdelay $0x5  }
0x47: {  	v2 =	vshll.u32 v1, $0x10  }
0x48: {  	v1 =	vand.u32 $0xFFFF0000, v1;
	[tilespmem:s25+$0xFFFFFFE0] =	vst v2  }
0x49: {  	[tilespmem:s25+$0xFFFFFFF0] =	vst v1  }
0x4a: {  	v1 =	vld.idx.msk [tilespmem:v0+s28+$0x0 ss:$0x1], $0xffff;
	_ =	sdelay $0x5  }
0x4b: {  	v2 =	vshll.u32 v1, $0x10;
	v1 =	vand.u32 $0xFFFF0000, v1  }
0x4c: {  	[tilespmem:s25+$0x10] =	vst v1  }
0x4d: {  	[tilespmem:s25+$0x0] =	vst v2  }
0x4e: {  	v1 =	vld.idx.msk [tilespmem:v0+s28+$0x10 ss:$0x1], $0xffff;
	_ =	sdelay $0x5  }
.Ltmp0:
0x4f: {  	v2 =	vshll.u32 v1, $0x10;
	v1 =	vand.u32 $0xFFFF0000, v1;
	(pc) =	sbr.rel @p1 .LBB2_4-.Ltmp0, $4  }
0x50: {  	[tilespmem:s25+$0x20] =	vst v2  }
0x51: {  	s28 =	sshra.s32 s29, $0x2;
	[tilespmem:s25+$0x30] =	vst v1  }
0x52: {  	v1 =	vld.idx.msk [tilespmem:v0+s28+$0xFFFFFFE0 ss:$0x1], $0xffff  }
0x53: {  	s29 =	sadd.s32 $0x100, s29  }
0x54: {  	_ =	sdelay $0x2  }
0x55: {  	s25 =	sadd.s32 $0x80, s25;
	v2 =	vshll.u32 v1, $0x10  }
0x56: {  	v59 =	vand.u32 $0xFFFF0000, v1;
	[tilespmem:s25+$0xFFFFFFC0] =	vst v2  }
0x57: {  	[tilespmem:s25+$0xFFFFFFD0] =	vst v59  }
0x58: {  	v1 =	vld.idx.msk [tilespmem:v0+s28+$0xFFFFFFF0 ss:$0x1], $0xffff;
	_ =	sdelay $0x4  }
0x59: {  	v60 =	vshll.u32 v1, $0x10  }
0x5a: {  	v1 =	vand.u32 $0xFFFF0000, v1;
	[tilespmem:s25+$0xFFFFFFE0] =	vst v60  }
0x5b: {  	[tilespmem:s25+$0xFFFFFFF0] =	vst v1  }
0x5c: {  	v1 =	vld.idx.msk [tilespmem:v0+s28+$0x0 ss:$0x1], $0xffff;
	_ =	sdelay $0x4  }
0x5d: {  	v61 =	vand.u32 $0xFFFF0000, v1  }
0x5e: {  	v1 =	vshll.u32 v1, $0x10;
	[tilespmem:s25+$0x10] =	vst v61  }
0x5f: {  	[tilespmem:s25+$0x0] =	vst v1  }
0x60: {  	v62 =	vld.idx.msk [tilespmem:v0+s28+$0x10 ss:$0x1], $0xffff;
	_ =	sdelay $0x3  }
0x61: {  	p1 =	sne.s32 s23, $0xA0  }
.Ltmp1:
0x62: {  	v63 =	vshll.u32 v62, $0x10;
	(pc) =	sbr.rel @p1 .LBB2_3-.Ltmp1, $4  }
0x63: {  	s26 =	sshll.u32 s26, $0x7;
	s24 =	sand.u32 $0x3FFFFFC0, s24;
	v0 =	vand.u32 $0xFFFF0000, v62;
	[tilespmem:s25+$0x20] =	vst v63  }
0x64: {  	s31 =	sadd.s32 $0x1AC00, s26;
	s24 =	sadd.s32 $0x16400, s24;
	[tilespmem:s25+$0x30] =	vst v0  }
0x65: {  	[spmem:s2] =	stream.indirect.scatter.add.f32 [tilespmem:s31], [sflag:$0x2], $0x80, s24, s17, $0xb8;
	[tilespmem:$0x1EC00] =	vst v63  }
0x66: {  	p0 =	por !p0, !p0;
	s24 =	smov.u32 s23  }
0x67: {  	_ =	swait.ge [sflag:s20], $0x2000  }
0x68: {  	[sflag:s20] =	ssyncset.done $0x0  }
0x69: {  	s22 =	smul.u32 $0x13C000, s21;
	[sflag:s20] =	ssyncadd.s32 $0xFFFFE000  }
0x6a: {  	_ =	swait.ge [sflag:s20], $0x2000  }
0x6b: {  	s21 =	sadd.s32 $0x1, s21;
	s22 =	sadd.s32 s22, s10;
	[sflag:s20] =	ssyncset.done $0x0  }
0x6c: {  	p0 =	sne.s32 s21, $0x3;
	s22 =	sshrl.u32 s22, $0x3;
	[sflag:s20] =	ssyncadd.s32 $0xFFFFE000  }
.Ltmp2:
0x6d: {  	s22 =	sadd.s32 s7, s22;
	[bflag:$0x0] =	sbarrier.arrive $0xFFFF;
	(pc) =	sbr.rel @p0 .LBB2_2-.Ltmp2, $4  }
0x6e: {  	[hbm:s22], [sflag:s15] =	dma.local [spmem:s16], $0x2780  }
0x6f: {  	_ =	swait.ge [sflag:s13], $0x2780  }
0x70: {  	[sflag:s13] =	ssyncset.done $0x0  }
0x71: {  	[sflag:s13] =	ssyncadd.s32 $0xFFFFD880  }
0x72: {  	s3 =	sadd.s32 $0x1, s3  }
0x73: {  	p0 =	sne.s32 s3, s11  }
.Ltmp3:
0x74: {  	_ = 	snop;
	(pc) =	sbr.rel @p0 .LBB2_1-.Ltmp3, $1  }
0x75: {  	_ =	sdelay $0x3  }
0x76: {  	_ =	sfence.sel $0x180000  }
0x77: {  	[bflag:$0x0] =	sbarrier.arrive $0xFFFF  }
0x78: {  	p0 =	sne.s32 s1, $0x0;
	_ =	strace $0x9000004A  }
0x79: {  	s0 =	sadd.s32 @!p0 $0x100000, s0;
	[bflag:$0x2] =	sbarrier.arrive $0xFFFF  }
0x7a: {  	[sflag:s0] =	ssyncadd.tile.s32 @!p0 $0x1;
	_ =	shalt  }
.Lfunc_end2:
_tile_overlayer_lowered:
.L_overlay_start_2:
0x7b: {  	(tag) =	ssettag $0x2  }
0x7c: {  	s0 =	rddreg [dreg:$0x0];
	s2 =	stileid.u32  }
0x7d: {  	s1 =	rddreg [dreg:$0x1];
	p0 =	sne.s32 s2, $0x0  }
0x7e: {  	s3 =	rddreg [dreg:$0x2];
	[bflag:$0x3] =	sbarrier.arrive $0xFFFF;
	s2 =	simm.s32 @!p0 $0x1C03  }
0x7f: {  	[timem:s3], [sflag:s2] =	dma.local @!p0 [hbm:s0], s1  }
0x80: {  	s0 =	simm.s32 @!p0 $0x3  }
0x81: {  	_ =	swait.ge @!p0 [sflag:s0], s1  }
0x82: {  	s1 =	ssub.s32 @!p0 $0x0, s1;
	[sflag:s0] =	ssyncset.done @!p0 $0x0  }
0x83: {  	[sflag:s0] =	ssyncadd.s32 @!p0 s1  }
0x84: {  	[bflag:$0x3] =	sbarrier.arrive $0xFFFF  }
0x85: {  	_ =	shalt  }

// kernel: kernel.14.cloned.1.call-start
scs
__scs_entry_jumppad:
0x0: {  	(pc) =	sbr.rel $0x88, $3  }
0x1: {  	(tag) =	ssettag $0x0;
	lr =	simm.s32 $0x1  }
0x2: {  	[smem:$0x3F8B] =	sst lr;
	_ =	strace $0xD0000000  }
0x3: {  	_ = 	snop  }
0x4: {  	_ = 	snop  }
0x5: {  	_ = 	snop  }
0x6: {  	_ = 	snop  }
0x7: {  	_ = 	snop  }
__scs_overlays_trampoline_lowered:
0x8: {  	[smem:$0x3F9A] =	sst s0  }
0x9: {  	[smem:$0x3F9B] =	sst s1  }
0xa: {  	[smem:$0x3F9C] =	sst s2  }
0xb: {  	[smem:$0x3F9D] =	sst s3  }
0xc: {  	[smem:$0x3F9E] =	sst s4  }
0xd: {  	[smem:$0x3F9F] =	sst s5  }
0xe: {  	[smem:$0x3FA0] =	sst s6  }
0xf: {  	[smem:$0x3FA1] =	sst s7  }
0x10: {  	[smem:$0x3FA2] =	sst s8  }
0x11: {  	[smem:$0x3FA3] =	sst s9;
	s0 =	simm.s32 @!p0 $0x0  }
0x12: {  	s1 =	sld [smem:$0x3F89];
	s0 =	simm.s32 @p0 $0x1  }
0x13: {  	[smem:$0x3FA4] =	sst s0;
	s0 =	simm.s32 @!p1 $0x0  }
0x14: {  	s2 =	sld [smem:$0x3F88];
	s0 =	simm.s32 @p1 $0x1  }
0x15: {  	[smem:$0x3FA5] =	sst s0;
	s0 =	simm.s32 @!p2 $0x0  }
0x16: {  	s3 =	sld [smem:$0x3FDB];
	s0 =	simm.s32 @p2 $0x1  }
0x17: {  	s4 =	simm.s32 $0x1BF5;
	[smem:$0x3FA7] =	sst s0  }
0x18: {  	s0 =	sld [smem:$0x3F8A];
	_ =	swait.ge [sflag:s4], $0x0  }
0x19: {  	s7 =	sld [smem:$0x3F8B]  }
0x1a: {  	s8 =	sadd.s32 $0xFFFFE003, lr  }
0x1b: {  	s9 =	sadd.s32 $0xFFFFFEF7, lr;
	s5 =	simm.s32 $0xFFFFFFFF;
	p2 =	slt.u32 s8, $0xFFFFF086  }
0x1c: {  	p1 =	slt.u32 s9, $0xF7A;
	s5 =	simm.s32 @!p2 $0x0  }
0x1d: {  	s5 =	simm.s32 @p1 $0x1;
	p0 =	seq.s32 s7, s2  }
0x1e: {  	s7 =	smul.u32 @!p0 $0xF7A, s2;
	p2 =	seq.s32 @!p0 s5, $0x0  }
0x1f: {  	s9 =	smul.u32 $0xF7A, s1;
	s8 =	simm.s32 @!p0 $0x1BF5;
	p2 =	por !p2, p0  }
0x20: {  	[sflag:s8] =	ssyncset.s32 @!p0 $0xFFFFF086;
	s6 =	sadd.s32 @!p0 s3, s7;
	s7 =	simm.s32 @!p0 $0x108  }
0x21: {  	s3 =	sadd.s32 s3, s9;
	s6 =	sadd.s32 @!p0 $0x88, s6;
	s7 =	simm.s32 @p2 $0x1082  }
0x22: {  	[simem:s7], [sflag:s8] =	dma.local @!p0 [hbm:s6], $0xF7A  }
0x23: {  	s9 =	sor.u32 $0xD0000000, s2;
	s6 =	simm.s32 $0x108;
	_ =	swait.ge @!p0 [sflag:s8], $0x0  }
0x24: {  	s3 =	sadd.s32 $0x88, s3;
	s6 =	simm.s32 @!p1 $0x1082;
	[sflag:s4] =	ssyncset.s32 $0xFFFFF086  }
0x25: {  	[simem:s6], [sflag:s4] =	dma.local [hbm:s3], $0xF7A  }
0x26: {  	[smem:$0x3F8B] =	sst s1;
	(tag) =	ssettag s2;
	_ =	strace s9  }
0x27: {  	s1 =	sld [smem:$0x3F9B]  }
0x28: {  	s2 =	sld [smem:$0x3F9C]  }
0x29: {  	s4 =	sld [smem:$0x3F9E]  }
0x2a: {  	p0 =	seq.s32 s5, $0x0;
	s5 =	sld [smem:$0x3F9F]  }
0x2b: {  	s6 =	sld [smem:$0x3FA0]  }
0x2c: {  	s7 =	sld [smem:$0x3FA1]  }
0x2d: {  	s3 =	simm.s32 $0x108;
	s8 =	sld [smem:$0x3FA2]  }
0x2e: {  	s3 =	simm.s32 @!p0 $0x1082;
	s9 =	sld [smem:$0x3FA3]  }
0x2f: {  	lr =	sadd.s32 s0, s3;
	s0 =	sld [smem:$0x3F9A]  }
0x30: {  	s3 =	sld [smem:$0x3F9D]  }
0x31: {  	[smem:$0x3FA6] =	sst s10  }
0x32: {  	s10 =	sld [smem:$0x3FA4];
	_ =	sdelay $0x3  }
0x33: {  	p0 =	seq.s32 s10, $0x1;
	s10 =	sld [smem:$0x3FA6];
	_ =	sdelay $0x3  }
0x34: {  	[smem:$0x3FA6] =	sst s10  }
0x35: {  	s10 =	sld [smem:$0x3FA5];
	_ =	sdelay $0x3  }
0x36: {  	p1 =	seq.s32 s10, $0x1;
	s10 =	sld [smem:$0x3FA6];
	_ =	sdelay $0x3  }
0x37: {  	[smem:$0x3FA6] =	sst s10  }
0x38: {  	s10 =	sld [smem:$0x3FA7]  }
0x39: {  	_ = 	snop;
	(pc) =	sbr.ind lr, $3  }
0x3a: {  	_ = 	snop  }
0x3b: {  	_ = 	snop  }
0x3c: {  	p2 =	seq.s32 s10, $0x1;
	s10 =	sld [smem:$0x3FA6]  }
0x3d: {  	_ =	shalt  }
0x3e: {  	_ =	shalt  }
0x3f: {  	_ =	shalt  }
0x40: {  	_ =	shalt  }
0x41: {  	_ =	shalt  }
0x42: {  	_ =	shalt  }
0x43: {  	_ =	shalt  }
0x44: {  	_ =	shalt  }
0x45: {  	_ =	shalt  }
0x46: {  	_ =	shalt  }
0x47: {  	_ =	shalt  }
0x48: {  	_ =	shalt  }
0x49: {  	_ =	shalt  }
0x4a: {  	_ =	shalt  }
0x4b: {  	_ =	shalt  }
0x4c: {  	_ =	shalt  }
0x4d: {  	_ =	shalt  }
0x4e: {  	_ =	shalt  }
0x4f: {  	_ =	shalt  }
0x50: {  	_ =	shalt  }
0x51: {  	_ =	shalt  }
0x52: {  	_ =	shalt  }
0x53: {  	_ =	shalt  }
0x54: {  	_ =	shalt  }
0x55: {  	_ =	shalt  }
0x56: {  	_ =	shalt  }
0x57: {  	_ =	shalt  }
0x58: {  	_ =	shalt  }
0x59: {  	_ =	shalt  }
0x5a: {  	_ =	shalt  }
0x5b: {  	_ =	shalt  }
0x5c: {  	_ =	shalt  }
0x5d: {  	_ =	shalt  }
0x5e: {  	_ =	shalt  }
0x5f: {  	_ =	shalt  }
0x60: {  	_ =	shalt  }
0x61: {  	_ =	shalt  }
0x62: {  	_ =	shalt  }
0x63: {  	_ =	shalt  }
0x64: {  	_ =	shalt  }
0x65: {  	_ =	shalt  }
0x66: {  	_ =	shalt  }
0x67: {  	_ =	shalt  }
0x68: {  	_ =	shalt  }
0x69: {  	_ =	shalt  }
0x6a: {  	_ =	shalt  }
0x6b: {  	_ =	shalt  }
0x6c: {  	_ =	shalt  }
0x6d: {  	_ =	shalt  }
0x6e: {  	_ =	shalt  }
0x6f: {  	_ =	shalt  }
0x70: {  	_ =	shalt  }
0x71: {  	_ =	shalt  }
0x72: {  	_ =	shalt  }
0x73: {  	_ =	shalt  }
0x74: {  	_ =	shalt  }
0x75: {  	_ =	shalt  }
0x76: {  	_ =	shalt  }
0x77: {  	_ =	shalt  }
0x78: {  	_ =	shalt  }
0x79: {  	_ =	shalt  }
0x7a: {  	_ =	shalt  }
0x7b: {  	_ =	shalt  }
0x7c: {  	_ =	shalt  }
0x7d: {  	_ =	shalt  }
0x7e: {  	_ =	shalt  }
0x7f: {  	_ =	shalt  }
0x80: {  	_ =	shalt  }
0x81: {  	_ =	shalt  }
0x82: {  	_ =	shalt  }
0x83: {  	_ =	shalt  }
0x84: {  	_ =	shalt  }
0x85: {  	_ =	shalt  }
0x86: {  	_ =	shalt  }
0x87: {  	_ =	shalt  }
.Lfunc_end0:
.L_simem_size_0:
called_computation.2_lowered:
.L_overlay_start_0:
0x88: {  	s2 =	sld [smem:$0x3FD9]  }
0x89: {  	s3 =	sld [smem:$0x3FFE];
	_ =	sdelay $0x1  }
0x8a: {  	s1 =	srdreg.scid  }
0x8b: {  	s0 =	sand.u32 $0x1, s1  }
0x8c: {  	s16 =	sshll.u32 s0, $0xA;
	s2 =	sadd.s32 s3, s2  }
0x8d: {  	s2 =	sadd.s32 s2, s16  }
0x8e: {  	[smem:$0x3FB2] =	sst s2  }
0x8f: {  	_ = 	snop  }
0x90: {  	(tm) =	ssettm $0x1  }
0x91: {  	s17 =	sld [smem:$0x3FFB];
	_ =	sdelay $0x3  }
0x92: {  	_ =	strace s17  }
0x93: {  	s2 =	sld [smem:$0x3FFC];
	_ =	sdelay $0x3  }
0x94: {  	_ =	strace s2  }
0x95: {  	s2 =	sld [smem:$0x3FFD];
	_ =	sdelay $0x3  }
0x96: {  	_ =	strace s2  }
0x97: {  	_ =	strace $0x8FFFFFFF  }
0x98: {  	s18 =	sld [smem:$0x3FDB];
	_ =	sdelay $0x1  }
0x99: {  	s19 =	simm.s32 $_scs_section_size  }
0x9a: {  	s4 =	simm.s32 $_size__tile_overlayer_lowered;
	s5 =	simm.s32 $_tile_overlayer_lowered  }
0x9b: {  	s22 =	simm.s32 $0x1BFF;
	s21 =	sshll.u32 s5, $0x1;
	s2 =	sadd.s32 s19, s18  }
0x9c: {  	s6 =	simm.s32 $0x0;
	s20 =	sshll.u32 s4, $0x1;
	s4 =	sadd.s32 s21, s2  }
0x9d: {  	[timem:s6], [sflag:s22] =	dma.local [hbm:s4], s20  }
0x9e: {  	_ =	swait.ge [sflag:s22], s20  }
0x9f: {  	s3 =	ssub.s32 $0x0, s20;
	[sflag:s22] =	ssyncset.done $0x0  }
0xa0: {  	[sflag:s22] =	ssyncadd.s32 s3;
	_ =	sdelay $0x1  }
0xa1: {  	s23 =	simm.s32 $0x1B8B  }
0xa2: {  	_ =	swait.ge [sflag:s23], $0x1  }
0xa3: {  	[sflag:s23] =	ssyncset.done $0x0  }
0xa4: {  	s25 =	simm.s32 $0x1B8E;
	s24 =	sld [smem:$0x3FFE];
	[sflag:s23] =	ssyncadd.s32 $0xFFFFFFFF  }
0xa5: {  	s26 =	simm.s32 $execute0_lowered;
	[smem:$0x3FD2] =	sst s25  }
0xa6: {  	s4 =	sshll.u32 s26, $0x1;
	_ =	strace $0x8000004C;
	[dreg:$0x1] =	wrdreg $0xFFFFFFFF  }
0xa7: {  	s28 =	simm.s32 $_size_execute0_lowered;
	s2 =	sadd.s32 s2, s4;
	[dreg:$0x0] =	wrdreg $0x0  }
0xa8: {  	s4 =	sshll.u32 s28, $0x1;
	[dreg:$0x2] =	wrdreg s2  }
0xa9: {  	[dreg:$0x3] =	wrdreg s4  }
0xaa: {  	[dreg:$0x4] =	wrdreg $0xC0  }
0xab: {  	_ =	task [dreg:s6], $0x5FFFF  }
0xac: {  	[dreg:$0x1] =	wrdreg $0xFFFFFFFF  }
0xad: {  	[dreg:$0x0] =	wrdreg $0x60  }
0xae: {  	[dreg:$0x2] =	wrdreg s24  }
0xaf: {  	[dreg:$0x3] =	wrdreg $0x0  }
0xb0: {  	[dreg:$0x4] =	wrdreg $0x9  }
0xb1: {  	_ =	task.clear_ibuf [dreg:s6], $0x5FFFF;
	_ =	strace $0x9000004C  }
0xb2: {  	s29 =	simm.s32 $0x9;
	_ =	strace $0x8000004E  }
0xb3: {  	_ =	swait.ge [sflag:s29], $0x1  }
0xb4: {  	[sflag:s29] =	ssyncadd.s32 $0xFFFFFFFF  }
0xb5: {  	_ =	strace $0x9000004E  }
0xb6: {  	_ =	sfence  }
0xb7: {  	s30 =	sld [smem:$0x0];
	_ =	sdelay $0x2  }
0xb8: {  	s31 =	sshll.u32 s1, $0xD;
	s1 =	sshrl.u32 s1, $0x2  }
0xb9: {  	s3 =	sand.u32 $0x4000, s31;
	s1 =	sadd.s32 s1, s30  }
0xba: {  	s0 =	sor.u32 s3, s0;
	s1 =	sshll.u32 s1, $0x11  }
0xbb: {  	s0 =	sor.u32 s1, s0  }
0xbc: {  	s0 =	sadd.s32 $0x8F2B, s0  }
0xbd: {  	[sflag:s0] =	ssyncadd.remote.s32 $0x1  }
0xbe: {  	_ =	sfence.sel $0xFFFF  }
0xbf: {  	[dreg:$0x0] =	wrdreg $0xFFFFFFFF;
	(pc) =	sbr.abs _section_cstart, $3  }
0xc0: {  	[dreg:$0x1] =	wrdreg $0xFFFFFFFF  }
0xc1: {  	_ =	task.clear_ibuf [dreg:s6], $0x2FFFF;
	_ =	strace $0x9FFFFFFF  }
0xc2: {  	(tm) =	ssettm $0x7FFFFFFF  }
0xc3: {  	_ =	shalt  }
tec
execute0_lowered:
.L_overlay_start_1:
0x0: {  	(tag) =	ssettag $0x1  }
0x1: {  	s0 =	rddreg [dreg:$0x0]  }
0x2: {  	s2 =	rddreg [dreg:$0x1];
	s5 =	simm.s32 $0x0  }
0x3: {  	s4 =	stileid.u32;
	s3 =	srdreg.scid;
	s14 =	simm.s32 $0x3  }
0x4: {  	s15 =	simm.s32 $0x9E00;
	s16 =	simm.s32 $0xC600;
	s17 =	simm.s32 $0x80  }
0x5: {  	s18 =	simm.s32 $0xEE00;
	s20 =	simm.s32 $0x10E00;
	s22 =	simm.s32 $0x12E00  }
0x6: {  	s24 =	simm.s32 $0x14E00;
	s21 =	simm.s32 $0x1;
	s23 =	simm.s32 $0x2  }
0x7: {  	[smem:$0x7FF] =	sst s5;
	s1 =	smul.u32 $0x9E00, s4;
	s6 =	sadd.s32 $0xB5600, s0  }
0x8: {  	s28 =	sadd.s32 $0x22200, s0;
	s3 =	sand.u32 $0x1, s3;
	s11 =	sshll.u32 s4, $0x1  }
0x9: {  	s31 =	sshll.u32 s4, $0x6;
	_ =	strace $0x8000004D;
	[dreg:$0x4] =	wrdreg s6  }
0xa: {  	[dreg:$0x5] =	wrdreg s28;
	s6 =	sadd.s32 $0x4200, s0;
	s8 =	ssub.s32 $0x2, s3  }
0xb: {  	s30 =	sor.u32 s3, s11;
	s3 =	smul.u32 $0x1DA000, s3;
	s7 =	sshrl.u32 s1, $0x3  }
0xc: {  	s10 =	sshrl.u32 s8, $0x1;
	s12 =	sadd.s32 s1, s2;
	s9 =	sadd.s32 s7, s0  }
0xd: {  	s7 =	sadd.s32 $0x17F400, s0;
	s29 =	ssub.s32 s8, s10;
	s10 =	smul.u32 $0x2800, s30  }
0xe: {  	s11 =	sadd.s32 s3, s1;
	s13 =	sshrl.u32 s12, $0x3;
	s0 =	smax.u32 s29, $0x1  }
0xf: {  	s8 =	sadd.s32 $0xF0000, s9;
	s9 =	sor.u32 $0x1C03, s31;
	[dreg:$0x6] =	wrdreg s0  }
.LBB2_1:
0x10: {  	[dreg:$0x3] =	wrdreg s5;
	s25 =	simm.s32 $0x0  }
.LBB2_2:
0x11: {  	[spmem:s13], [sflag:s9] =	dma.local [hbm:s8], $0x13C0  }
0x12: {  	_ =	swait.ge [sflag:s14], $0x13C0  }
0x13: {  	s0 =	smul.u32 $0x50000, s25;
	[sflag:s14] =	ssyncset.done $0x0  }
0x14: {  	[sflag:s14] =	ssyncadd.s32 $0xFFFFEC40  }
0x15: {  	s0 =	sadd.s32 s10, s0;
	[bflag:$0x0] =	sbarrier.arrive $0xFFFF  }
0x16: {  	s0 =	sshrl.u32 s0, $0x3;
	s1 =	rddreg [dreg:$0x5]  }
0x17: {  	s12 =	simm.s32 $0x0;
	s1 =	sadd.s32 s1, s0  }
0x18: {  	[tilespmem:s15], [sflag:$0x3] =	stream.linear.gather [hbm4b:s1+s12], $0x2800, $0x38;
	[tilespmem:$0x1EE00] =	vst v63  }
0x19: {  	_ =	swait.ge [sflag:s14], $0x2800  }
0x1a: {  	[sflag:s14] =	ssyncset.done $0x0  }
0x1b: {  	s0 =	sadd.s32 s6, s0;
	[sflag:s14] =	ssyncadd.s32 $0xFFFFD800  }
0x1c: {  	[tilespmem:s16], [sflag:$0x3] =	stream.linear.gather [hbm4b:s0+s12], $0x2800, $0x38;
	[tilespmem:$0x1EE00] =	vst v63  }
0x1d: {  	s4 =	smul.u32 $0x13880, s25;
	_ =	swait.ge [sflag:s14], $0x2800  }
0x1e: {  	[sflag:s14] =	ssyncset.done $0x0;
	s5 =	rddreg [dreg:$0x4]  }
0x1f: {  	[sflag:s14] =	ssyncadd.s32 $0xFFFFD800;
	s26 =	sadd.s32 s5, s4  }
0x20: {  	[tilespmem:s18], [sflag:$0x1] =	stream.indirect.gather [hbm4b:s26+s17], $0x40, s15, s17, $0xb8;
	[tilespmem:$0x1EE00] =	vst v63  }
0x21: {  	s12 =	simm.s32 $0x9E80  }
0x22: {  	[tilespmem:s20], [sflag:$0x1] =	stream.indirect.gather [hbm4b:s26+s17], $0x40, s12, s17, $0xb8;
	[tilespmem:$0x1EE00] =	vst v63  }
0x23: {  	s19 =	simm.s32 $0x9F00  }
0x24: {  	[tilespmem:s22], [sflag:$0x1] =	stream.indirect.gather [hbm4b:s26+s17], $0x40, s19, s17, $0xb8;
	[tilespmem:$0x1EE00] =	vst v63  }
0x25: {  	s31 =	simm.s32 $0x9F80;
	s28 =	simm.s32 $0x1  }
0x26: {  	[tilespmem:s24], [sflag:$0x1] =	stream.indirect.gather [hbm4b:s26+s17], $0x40, s31, s17, $0xb8;
	[tilespmem:$0x1EE00] =	vst v63  }
0x27: {  	_ =	swait.ge [sflag:s28], $0x2000  }
0x28: {  	[sflag:s28] =	ssyncset.done $0x0  }
0x29: {  	[sflag:s28] =	ssyncadd.s32 $0xFFFFE000  }
0x2a: {  	_ =	swait.ge [sflag:s28], $0x2000  }
0x2b: {  	[sflag:s28] =	ssyncset.done $0x0  }
0x2c: {  	[sflag:s28] =	ssyncadd.s32 $0xFFFFE000  }
0x2d: {  	_ =	swait.ge [sflag:s28], $0x2000  }
0x2e: {  	[sflag:s28] =	ssyncset.done $0x0  }
0x2f: {  	[sflag:s28] =	ssyncadd.s32 $0xFFFFE000  }
0x30: {  	_ =	swait.ge [sflag:s28], $0x2000  }
0x31: {  	[sflag:s28] =	ssyncset.done $0x0  }
0x32: {  	[sflag:s28] =	ssyncadd.s32 $0xFFFFE000  }
0x33: {  	[spmem:s2] =	stream.indirect.scatter.add.f32 [tilespmem:s18], [sflag:$0x2], $0x40, s16, s17, $0xb8;
	[tilespmem:$0x1EE00] =	vst v63  }
0x34: {  	s1 =	simm.s32 $0xC680  }
0x35: {  	[spmem:s2] =	stream.indirect.scatter.add.f32 [tilespmem:s20], [sflag:$0x2], $0x40, s1, s17, $0xb8;
	[tilespmem:$0x1EE00] =	vst v63  }
0x36: {  	s3 =	simm.s32 $0xC700  }
0x37: {  	[spmem:s2] =	stream.indirect.scatter.add.f32 [tilespmem:s22], [sflag:$0x2], $0x40, s3, s17, $0xb8;
	[tilespmem:$0x1EE00] =	vst v63  }
0x38: {  	s4 =	simm.s32 $0xC780  }
0x39: {  	[spmem:s2] =	stream.indirect.scatter.add.f32 [tilespmem:s24], [sflag:$0x2], $0x40, s4, s17, $0xb8;
	[tilespmem:$0x1EE00] =	vst v63  }
0x3a: {  	s5 =	simm.s32 $0xA000;
	s12 =	simm.s32 $0x16E00  }
0x3b: {  	[tilespmem:s12], [sflag:$0x1] =	stream.indirect.gather [hbm4b:s26+s17], $0x40, s5, s17, $0xb8;
	[tilespmem:$0x1EE00] =	vst v63  }
0x3c: {  	s19 =	simm.s32 $0xA080;
	s31 =	simm.s32 $0x18E00  }
0x3d: {  	[tilespmem:s31], [sflag:$0x1] =	stream.indirect.gather [hbm4b:s26+s17], $0x40, s19, s17, $0xb8;
	[tilespmem:$0x1EE00] =	vst v63  }
0x3e: {  	s3 =	simm.s32 $0xA100;
	s4 =	simm.s32 $0x1AE00  }
0x3f: {  	[tilespmem:s4], [sflag:$0x1] =	stream.indirect.gather [hbm4b:s26+s17], $0x40, s3, s17, $0xb8;
	[tilespmem:$0x1EE00] =	vst v63  }
0x40: {  	s5 =	simm.s32 $0xA180;
	s12 =	simm.s32 $0x1CE00  }
0x41: {  	[tilespmem:s12], [sflag:$0x1] =	stream.indirect.gather [hbm4b:s26+s17], $0x40, s5, s17, $0xb8;
	[tilespmem:$0x1EE00] =	vst v63  }
0x42: {  	_ =	swait.ge [sflag:s21], $0x2000  }
0x43: {  	[sflag:s21] =	ssyncset.done $0x0  }
0x44: {  	[sflag:s21] =	ssyncadd.s32 $0xFFFFE000  }
0x45: {  	_ =	swait.ge [sflag:s21], $0x2000  }
0x46: {  	[sflag:s21] =	ssyncset.done $0x0  }
0x47: {  	[sflag:s21] =	ssyncadd.s32 $0xFFFFE000  }
0x48: {  	_ =	swait.ge [sflag:s21], $0x2000  }
0x49: {  	[sflag:s21] =	ssyncset.done $0x0  }
0x4a: {  	[sflag:s21] =	ssyncadd.s32 $0xFFFFE000  }
0x4b: {  	s19 =	simm.s32 $0x8000;
	_ =	swait.ge [sflag:s21], $0x2000  }
0x4c: {  	s0 =	sand.u32 $0x8000, s19;
	[sflag:s21] =	ssyncset.done $0x0  }
0x4d: {  	s31 =	sadd.s32 $0xEE00, s0;
	s3 =	simm.s32 $0xC800;
	[sflag:s21] =	ssyncadd.s32 $0xFFFFE000  }
0x4e: {  	[spmem:s2] =	stream.indirect.scatter.add.f32 [tilespmem:s31], [sflag:$0x2], $0x40, s3, s17, $0xb8;
	[tilespmem:$0x1EE00] =	vst v63  }
0x4f: {  	s4 =	sor.u32 $0x10E00, s0;
	s5 =	simm.s32 $0xC880  }
0x50: {  	[spmem:s2] =	stream.indirect.scatter.add.f32 [tilespmem:s4], [sflag:$0x2], $0x40, s5, s17, $0xb8;
	[tilespmem:$0x1EE00] =	vst v63  }
0x51: {  	s19 =	simm.s32 $0xC900;
	s12 =	sor.u32 $0x12E00, s0  }
0x52: {  	[spmem:s2] =	stream.indirect.scatter.add.f32 [tilespmem:s12], [sflag:$0x2], $0x40, s19, s17, $0xb8;
	[tilespmem:$0x1EE00] =	vst v63  }
0x53: {  	s0 =	sor.u32 $0x14E00, s0;
	s31 =	simm.s32 $0xC980  }
0x54: {  	[spmem:s2] =	stream.indirect.scatter.add.f32 [tilespmem:s0], [sflag:$0x2], $0x40, s31, s17, $0xb8;
	[tilespmem:$0x1EE00] =	vst v63  }
0x55: {  	_ =	swait.ge [sflag:s23], $0x2000  }
0x56: {  	[sflag:s23] =	ssyncset.done $0x0  }
0x57: {  	[sflag:s23] =	ssyncadd.s32 $0xFFFFE000  }
0x58: {  	_ =	swait.ge [sflag:s23], $0x2000  }
0x59: {  	[sflag:s23] =	ssyncset.done $0x0  }
0x5a: {  	[sflag:s23] =	ssyncadd.s32 $0xFFFFE000  }
0x5b: {  	_ =	swait.ge [sflag:s23], $0x2000  }
0x5c: {  	[sflag:s23] =	ssyncset.done $0x0  }
0x5d: {  	[sflag:s23] =	ssyncadd.s32 $0xFFFFE000  }
0x5e: {  	s29 =	simm.s32 $0x10000;
	p1 =	por $0x0, $0x0;
	_ =	swait.ge [sflag:s23], $0x2000  }
0x5f: {  	s30 =	simm.s32 @!p1 $0xA200;
	s12 =	sand.u32 @!p1 $0x8000, s29;
	[sflag:s23] =	ssyncset.done $0x0  }
0x60: {  	s1 =	sadd.s32 @!p1 $0xEE00, s12;
	s0 =	simm.s32 @!p1 $0x80;
	[sflag:s23] =	ssyncadd.s32 $0xFFFFE000  }
0x61: {  	[tilespmem:s1], [sflag:$0x1] =	stream.indirect.gather @!p1 [hbm4b:s26+s0], $0x40, s30, s0, $0xb8;
	[tilespmem:$0x1EE00] =	vst v63  }
0x62: {  	s1 =	simm.s32 @!p1 $0xA280;
	s30 =	sor.u32 @!p1 $0x10E00, s12  }
0x63: {  	[tilespmem:s30], [sflag:$0x1] =	stream.indirect.gather @!p1 [hbm4b:s26+s0], $0x40, s1, s0, $0xb8;
	[tilespmem:$0x1EE00] =	vst v63  }
0x64: {  	s1 =	simm.s32 @!p1 $0xA300;
	s30 =	sor.u32 @!p1 $0x12E00, s12  }
0x65: {  	[tilespmem:s30], [sflag:$0x1] =	stream.indirect.gather @!p1 [hbm4b:s26+s0], $0x40, s1, s0, $0xb8;
	[tilespmem:$0x1EE00] =	vst v63  }
0x66: {  	s12 =	sor.u32 @!p1 $0x14E00, s12;
	s30 =	simm.s32 $0x800;
	s1 =	simm.s32 @!p1 $0xA380  }
.LBB2_3:
0x67: {  	s29 =	sadd.s32 $0x8000, s29  }
0x68: {  	s28 =	sadd.s32 $0x1, s28;
	s31 =	smov.u32 s30;
	s30 =	sadd.s32 $0x800, s30  }
0x69: {  	[tilespmem:s12], [sflag:$0x1] =	stream.indirect.gather @!p1 [hbm4b:s26+s0], $0x40, s1, s0, $0xb8;
	[tilespmem:$0x1EE00] =	vst v63  }
0x6a: {  	p0 =	seq.s32 s30, $0x9800;
	_ =	swait.ge [sflag:s21], $0x2000  }
0x6b: {  	[sflag:s21] =	ssyncset.done $0x0  }
0x6c: {  	[sflag:s21] =	ssyncadd.s32 $0xFFFFE000  }
0x6d: {  	_ =	swait.ge [sflag:s21], $0x2000  }
0x6e: {  	[sflag:s21] =	ssyncset.done $0x0  }
0x6f: {  	[sflag:s21] =	ssyncadd.s32 $0xFFFFE000  }
0x70: {  	_ =	swait.ge [sflag:s21], $0x2000  }
0x71: {  	[sflag:s21] =	ssyncset.done $0x0  }
0x72: {  	[sflag:s21] =	ssyncadd.s32 $0xFFFFE000  }
0x73: {  	s0 =	sadd.s32 $0xFFFF8000, s29;
	_ =	swait.ge [sflag:s21], $0x2000  }
0x74: {  	s1 =	sshra.s32 s31, $0x2;
	s0 =	sand.u32 $0x8000, s0;
	[sflag:s21] =	ssyncset.done $0x0  }
0x75: {  	s3 =	sadd.s32 $0xC800, s1;
	s12 =	sadd.s32 $0xEE00, s0;
	[sflag:s21] =	ssyncadd.s32 $0xFFFFE000  }
0x76: {  	[spmem:s2] =	stream.indirect.scatter.add.f32 [tilespmem:s12], [sflag:$0x2], $0x40, s3, s17, $0xb8;
	[tilespmem:$0x1EE00] =	vst v63  }
0x77: {  	s3 =	sor.u32 $0x10E00, s0;
	s12 =	sadd.s32 $0xC880, s1  }
0x78: {  	[spmem:s2] =	stream.indirect.scatter.add.f32 [tilespmem:s3], [sflag:$0x2], $0x40, s12, s17, $0xb8;
	[tilespmem:$0x1EE00] =	vst v63  }
0x79: {  	s3 =	sor.u32 $0x12E00, s0;
	s12 =	sadd.s32 $0xC900, s1  }
0x7a: {  	[spmem:s2] =	stream.indirect.scatter.add.f32 [tilespmem:s3], [sflag:$0x2], $0x40, s12, s17, $0xb8;
	[tilespmem:$0x1EE00] =	vst v63  }
0x7b: {  	s0 =	sor.u32 $0x14E00, s0;
	s1 =	sadd.s32 $0xC980, s1  }
0x7c: {  	[spmem:s2] =	stream.indirect.scatter.add.f32 [tilespmem:s0], [sflag:$0x2], $0x40, s1, s17, $0xb8;
	[tilespmem:$0x1EE00] =	vst v63  }
0x7d: {  	_ =	swait.ge [sflag:s23], $0x2000  }
0x7e: {  	[sflag:s23] =	ssyncset.done $0x0  }
0x7f: {  	[sflag:s23] =	ssyncadd.s32 $0xFFFFE000  }
0x80: {  	_ =	swait.ge [sflag:s23], $0x2000  }
0x81: {  	[sflag:s23] =	ssyncset.done $0x0  }
0x82: {  	[sflag:s23] =	ssyncadd.s32 $0xFFFFE000  }
0x83: {  	_ =	swait.ge [sflag:s23], $0x2000  }
0x84: {  	[sflag:s23] =	ssyncset.done $0x0  }
0x85: {  	[sflag:s23] =	ssyncadd.s32 $0xFFFFE000  }
0x86: {  	p1 =	sgt.u32 s28, $0x12;
	_ =	swait.ge [sflag:s23], $0x2000  }
0x87: {  	s3 =	sand.u32 @!p1 $0x8000, s29;
	s1 =	sshra.s32 @!p1 s31, $0x2;
	[sflag:s23] =	ssyncset.done $0x0  }
0x88: {  	s12 =	sadd.s32 @!p1 $0xEE00, s3;
	s31 =	sadd.s32 @!p1 $0xA200, s1;
	[sflag:s23] =	ssyncadd.s32 $0xFFFFE000  }
0x89: {  	s4 =	sor.u32 @!p1 $0x10E00, s3;
	s0 =	simm.s32 @!p1 $0x80;
	s19 =	sadd.s32 @!p1 $0xA280, s1  }
0x8a: {  	[tilespmem:s12], [sflag:$0x1] =	stream.indirect.gather @!p1 [hbm4b:s26+s0], $0x40, s31, s0, $0xb8;
	[tilespmem:$0x1EE00] =	vst v63  }
.Ltmp0:
0x8b: {  	_ = 	snop;
	(pc) =	sbr.rel @!p0 .LBB2_3-.Ltmp0, $4  }
0x8c: {  	s5 =	sor.u32 @!p1 $0x12E00, s3;
	s31 =	sadd.s32 @!p1 $0xA300, s1;
	s1 =	sadd.s32 @!p1 $0xA380, s1  }
0x8d: {  	[tilespmem:s4], [sflag:$0x1] =	stream.indirect.gather @!p1 [hbm4b:s26+s0], $0x40, s19, s0, $0xb8;
	[tilespmem:$0x1EE00] =	vst v63  }
0x8e: {  	s12 =	sor.u32 @!p1 $0x14E00, s3  }
0x8f: {  	[tilespmem:s5], [sflag:$0x1] =	stream.indirect.gather @!p1 [hbm4b:s26+s0], $0x40, s31, s0, $0xb8;
	[tilespmem:$0x1EE00] =	vst v63  }
0x90: {  	[tilespmem:s12], [sflag:$0x1] =	stream.indirect.gather @!p1 [hbm4b:s26+s0], $0x40, s1, s0, $0xb8;
	[tilespmem:$0x1EE00] =	vst v63  }
0x91: {  	_ =	swait.ge [sflag:s23], $0x2000  }
0x92: {  	[sflag:s23] =	ssyncset.done $0x0  }
0x93: {  	[sflag:s23] =	ssyncadd.s32 $0xFFFFE000  }
0x94: {  	_ =	swait.ge [sflag:s23], $0x2000  }
0x95: {  	[sflag:s23] =	ssyncset.done $0x0  }
0x96: {  	[sflag:s23] =	ssyncadd.s32 $0xFFFFE000  }
0x97: {  	_ =	swait.ge [sflag:s23], $0x2000  }
0x98: {  	[sflag:s23] =	ssyncset.done $0x0  }
0x99: {  	s31 =	smul.u32 $0x9E000, s25;
	[sflag:s23] =	ssyncadd.s32 $0xFFFFE000  }
0x9a: {  	_ =	swait.ge [sflag:s23], $0x2000  }
0x9b: {  	s25 =	sadd.s32 $0x1, s25;
	s0 =	sadd.s32 s31, s11;
	[sflag:s23] =	ssyncset.done $0x0  }
0x9c: {  	p0 =	seq.s32 s25, $0x3;
	s0 =	sshrl.u32 s0, $0x3;
	[sflag:s23] =	ssyncadd.s32 $0xFFFFE000  }
.Ltmp1:
0x9d: {  	s0 =	sadd.s32 s7, s0;
	[bflag:$0x0] =	sbarrier.arrive $0xFFFF;
	(pc) =	sbr.rel @!p0 .LBB2_2-.Ltmp1, $4  }
0x9e: {  	[hbm:s0], [sflag:s9] =	dma.local [spmem:s13], $0x13C0  }
0x9f: {  	_ =	swait.ge [sflag:s14], $0x13C0  }
0xa0: {  	[sflag:s14] =	ssyncset.done $0x0  }
0xa1: {  	[sflag:s14] =	ssyncadd.s32 $0xFFFFEC40  }
0xa2: {  	s5 =	rddreg [dreg:$0x3]  }
0xa3: {  	s0 =	rddreg [dreg:$0x6];
	s5 =	sadd.s32 $0x1, s5  }
0xa4: {  	p0 =	sne.s32 s5, s0  }
.Ltmp2:
0xa5: {  	_ = 	snop;
	(pc) =	sbr.rel @p0 .LBB2_1-.Ltmp2, $1  }
0xa6: {  	_ =	sdelay $0x3  }
0xa7: {  	_ =	sfence.sel $0x180000  }
0xa8: {  	[bflag:$0x0] =	sbarrier.arrive $0xFFFF  }
0xa9: {  	_ =	strace $0x9000004D  }
0xaa: {  	s0 =	stileid.u32;
	[bflag:$0x2] =	sbarrier.arrive $0xFFFF  }
0xab: {  	p0 =	sne.s32 s0, $0x0;
	s0 =	rddreg [dreg:$0x2]  }
0xac: {  	s0 =	sadd.s32 @!p0 $0x100000, s0  }
0xad: {  	[sflag:s0] =	ssyncadd.tile.s32 @!p0 $0x1;
	_ =	shalt  }
.Lfunc_end2:
_tile_overlayer_lowered:
.L_overlay_start_2:
0xae: {  	(tag) =	ssettag $0x2  }
0xaf: {  	s0 =	rddreg [dreg:$0x0];
	s2 =	stileid.u32  }
0xb0: {  	s1 =	rddreg [dreg:$0x1];
	p0 =	sne.s32 s2, $0x0  }
0xb1: {  	s3 =	rddreg [dreg:$0x2];
	[bflag:$0x3] =	sbarrier.arrive $0xFFFF;
	s2 =	simm.s32 @!p0 $0x1C03  }
0xb2: {  	[timem:s3], [sflag:s2] =	dma.local @!p0 [hbm:s0], s1  }
0xb3: {  	s0 =	simm.s32 @!p0 $0x3  }
0xb4: {  	_ =	swait.ge @!p0 [sflag:s0], s1  }
0xb5: {  	s1 =	ssub.s32 @!p0 $0x0, s1;
	[sflag:s0] =	ssyncset.done @!p0 $0x0  }
0xb6: {  	[sflag:s0] =	ssyncadd.s32 @!p0 s1  }
0xb7: {  	[bflag:$0x3] =	sbarrier.arrive $0xFFFF  }
0xb8: {  	_ =	shalt  }

// kernel: kernel.8.cloned.1.call-start
scs
__scs_entry_jumppad:
0x0: {  	(pc) =	sbr.rel $0x88, $3  }
0x1: {  	(tag) =	ssettag $0x0;
	lr =	simm.s32 $0x1  }
0x2: {  	[smem:$0x3F8B] =	sst lr;
	_ =	strace $0xD0000000  }
0x3: {  	_ = 	snop  }
0x4: {  	_ = 	snop  }
0x5: {  	_ = 	snop  }
0x6: {  	_ = 	snop  }
0x7: {  	_ = 	snop  }
__scs_overlays_trampoline_lowered:
0x8: {  	[smem:$0x3F9A] =	sst s0  }
0x9: {  	[smem:$0x3F9B] =	sst s1  }
0xa: {  	[smem:$0x3F9C] =	sst s2  }
0xb: {  	[smem:$0x3F9D] =	sst s3  }
0xc: {  	[smem:$0x3F9E] =	sst s4  }
0xd: {  	[smem:$0x3F9F] =	sst s5  }
0xe: {  	[smem:$0x3FA0] =	sst s6  }
0xf: {  	[smem:$0x3FA1] =	sst s7  }
0x10: {  	[smem:$0x3FA2] =	sst s8  }
0x11: {  	[smem:$0x3FA3] =	sst s9;
	s0 =	simm.s32 @!p0 $0x0  }
0x12: {  	s1 =	sld [smem:$0x3F89];
	s0 =	simm.s32 @p0 $0x1  }
0x13: {  	[smem:$0x3FA4] =	sst s0;
	s0 =	simm.s32 @!p1 $0x0  }
0x14: {  	s2 =	sld [smem:$0x3F88];
	s0 =	simm.s32 @p1 $0x1  }
0x15: {  	[smem:$0x3FA5] =	sst s0;
	s0 =	simm.s32 @!p2 $0x0  }
0x16: {  	s3 =	sld [smem:$0x3FDB];
	s0 =	simm.s32 @p2 $0x1  }
0x17: {  	s4 =	simm.s32 $0x1BF5;
	[smem:$0x3FA7] =	sst s0  }
0x18: {  	s0 =	sld [smem:$0x3F8A];
	_ =	swait.ge [sflag:s4], $0x0  }
0x19: {  	s7 =	sld [smem:$0x3F8B]  }
0x1a: {  	s8 =	sadd.s32 $0xFFFFE003, lr  }
0x1b: {  	s9 =	sadd.s32 $0xFFFFFEF7, lr;
	s5 =	simm.s32 $0xFFFFFFFF;
	p2 =	slt.u32 s8, $0xFFFFF086  }
0x1c: {  	p1 =	slt.u32 s9, $0xF7A;
	s5 =	simm.s32 @!p2 $0x0  }
0x1d: {  	s5 =	simm.s32 @p1 $0x1;
	p0 =	seq.s32 s7, s2  }
0x1e: {  	s7 =	smul.u32 @!p0 $0xF7A, s2;
	p2 =	seq.s32 @!p0 s5, $0x0  }
0x1f: {  	s9 =	smul.u32 $0xF7A, s1;
	s8 =	simm.s32 @!p0 $0x1BF5;
	p2 =	por !p2, p0  }
0x20: {  	[sflag:s8] =	ssyncset.s32 @!p0 $0xFFFFF086;
	s6 =	sadd.s32 @!p0 s3, s7;
	s7 =	simm.s32 @!p0 $0x108  }
0x21: {  	s3 =	sadd.s32 s3, s9;
	s6 =	sadd.s32 @!p0 $0x88, s6;
	s7 =	simm.s32 @p2 $0x1082  }
0x22: {  	[simem:s7], [sflag:s8] =	dma.local @!p0 [hbm:s6], $0xF7A  }
0x23: {  	s9 =	sor.u32 $0xD0000000, s2;
	s6 =	simm.s32 $0x108;
	_ =	swait.ge @!p0 [sflag:s8], $0x0  }
0x24: {  	s3 =	sadd.s32 $0x88, s3;
	s6 =	simm.s32 @!p1 $0x1082;
	[sflag:s4] =	ssyncset.s32 $0xFFFFF086  }
0x25: {  	[simem:s6], [sflag:s4] =	dma.local [hbm:s3], $0xF7A  }
0x26: {  	[smem:$0x3F8B] =	sst s1;
	(tag) =	ssettag s2;
	_ =	strace s9  }
0x27: {  	s1 =	sld [smem:$0x3F9B]  }
0x28: {  	s2 =	sld [smem:$0x3F9C]  }
0x29: {  	s4 =	sld [smem:$0x3F9E]  }
0x2a: {  	p0 =	seq.s32 s5, $0x0;
	s5 =	sld [smem:$0x3F9F]  }
0x2b: {  	s6 =	sld [smem:$0x3FA0]  }
0x2c: {  	s7 =	sld [smem:$0x3FA1]  }
0x2d: {  	s3 =	simm.s32 $0x108;
	s8 =	sld [smem:$0x3FA2]  }
0x2e: {  	s3 =	simm.s32 @!p0 $0x1082;
	s9 =	sld [smem:$0x3FA3]  }
0x2f: {  	lr =	sadd.s32 s0, s3;
	s0 =	sld [smem:$0x3F9A]  }
0x30: {  	s3 =	sld [smem:$0x3F9D]  }
0x31: {  	[smem:$0x3FA6] =	sst s10  }
0x32: {  	s10 =	sld [smem:$0x3FA4];
	_ =	sdelay $0x3  }
0x33: {  	p0 =	seq.s32 s10, $0x1;
	s10 =	sld [smem:$0x3FA6];
	_ =	sdelay $0x3  }
0x34: {  	[smem:$0x3FA6] =	sst s10  }
0x35: {  	s10 =	sld [smem:$0x3FA5];
	_ =	sdelay $0x3  }
0x36: {  	p1 =	seq.s32 s10, $0x1;
	s10 =	sld [smem:$0x3FA6];
	_ =	sdelay $0x3  }
0x37: {  	[smem:$0x3FA6] =	sst s10  }
0x38: {  	s10 =	sld [smem:$0x3FA7]  }
0x39: {  	_ = 	snop;
	(pc) =	sbr.ind lr, $3  }
0x3a: {  	_ = 	snop  }
0x3b: {  	_ = 	snop  }
0x3c: {  	p2 =	seq.s32 s10, $0x1;
	s10 =	sld [smem:$0x3FA6]  }
0x3d: {  	_ =	shalt  }
0x3e: {  	_ =	shalt  }
0x3f: {  	_ =	shalt  }
0x40: {  	_ =	shalt  }
0x41: {  	_ =	shalt  }
0x42: {  	_ =	shalt  }
0x43: {  	_ =	shalt  }
0x44: {  	_ =	shalt  }
0x45: {  	_ =	shalt  }
0x46: {  	_ =	shalt  }
0x47: {  	_ =	shalt  }
0x48: {  	_ =	shalt  }
0x49: {  	_ =	shalt  }
0x4a: {  	_ =	shalt  }
0x4b: {  	_ =	shalt  }
0x4c: {  	_ =	shalt  }
0x4d: {  	_ =	shalt  }
0x4e: {  	_ =	shalt  }
0x4f: {  	_ =	shalt  }
0x50: {  	_ =	shalt  }
0x51: {  	_ =	shalt  }
0x52: {  	_ =	shalt  }
0x53: {  	_ =	shalt  }
0x54: {  	_ =	shalt  }
0x55: {  	_ =	shalt  }
0x56: {  	_ =	shalt  }
0x57: {  	_ =	shalt  }
0x58: {  	_ =	shalt  }
0x59: {  	_ =	shalt  }
0x5a: {  	_ =	shalt  }
0x5b: {  	_ =	shalt  }
0x5c: {  	_ =	shalt  }
0x5d: {  	_ =	shalt  }
0x5e: {  	_ =	shalt  }
0x5f: {  	_ =	shalt  }
0x60: {  	_ =	shalt  }
0x61: {  	_ =	shalt  }
0x62: {  	_ =	shalt  }
0x63: {  	_ =	shalt  }
0x64: {  	_ =	shalt  }
0x65: {  	_ =	shalt  }
0x66: {  	_ =	shalt  }
0x67: {  	_ =	shalt  }
0x68: {  	_ =	shalt  }
0x69: {  	_ =	shalt  }
0x6a: {  	_ =	shalt  }
0x6b: {  	_ =	shalt  }
0x6c: {  	_ =	shalt  }
0x6d: {  	_ =	shalt  }
0x6e: {  	_ =	shalt  }
0x6f: {  	_ =	shalt  }
0x70: {  	_ =	shalt  }
0x71: {  	_ =	shalt  }
0x72: {  	_ =	shalt  }
0x73: {  	_ =	shalt  }
0x74: {  	_ =	shalt  }
0x75: {  	_ =	shalt  }
0x76: {  	_ =	shalt  }
0x77: {  	_ =	shalt  }
0x78: {  	_ =	shalt  }
0x79: {  	_ =	shalt  }
0x7a: {  	_ =	shalt  }
0x7b: {  	_ =	shalt  }
0x7c: {  	_ =	shalt  }
0x7d: {  	_ =	shalt  }
0x7e: {  	_ =	shalt  }
0x7f: {  	_ =	shalt  }
0x80: {  	_ =	shalt  }
0x81: {  	_ =	shalt  }
0x82: {  	_ =	shalt  }
0x83: {  	_ =	shalt  }
0x84: {  	_ =	shalt  }
0x85: {  	_ =	shalt  }
0x86: {  	_ =	shalt  }
0x87: {  	_ =	shalt  }
.Lfunc_end0:
.L_simem_size_0:
called_computation_lowered:
.L_overlay_start_0:
0x88: {  	s2 =	sld [smem:$0x3FD9]  }
0x89: {  	s3 =	sld [smem:$0x3FFE];
	_ =	sdelay $0x1  }
0x8a: {  	s1 =	srdreg.scid  }
0x8b: {  	s0 =	sand.u32 $0x1, s1  }
0x8c: {  	s17 =	sshll.u32 s0, $0xA;
	s2 =	sadd.s32 s3, s2  }
0x8d: {  	s2 =	sadd.s32 s2, s17  }
0x8e: {  	[smem:$0x3FB2] =	sst s2  }
0x8f: {  	_ = 	snop  }
0x90: {  	s2 =	sld [smem:$0x3FD0];
	(tm) =	ssettm $0x1  }
0x91: {  	s18 =	sld [smem:$0x3FFB];
	_ =	sdelay $0x3  }
0x92: {  	_ =	strace s18  }
0x93: {  	s3 =	sld [smem:$0x3FFC];
	_ =	sdelay $0x3  }
0x94: {  	_ =	strace s3  }
0x95: {  	s3 =	sld [smem:$0x3FFD];
	_ =	sdelay $0x3  }
0x96: {  	_ =	strace s3  }
0x97: {  	_ =	strace $0x8FFFFFFF  }
0x98: {  	s19 =	sld [smem:$0x3FDB];
	_ =	sdelay $0x1  }
0x99: {  	s4 =	simm.s32 $_scs_section_size  }
0x9a: {  	s5 =	simm.s32 $_size__tile_overlayer_lowered;
	s6 =	simm.s32 $_tile_overlayer_lowered  }
0x9b: {  	s22 =	simm.s32 $0x1BFF;
	s21 =	sshll.u32 s6, $0x1;
	s3 =	sadd.s32 s4, s19  }
0x9c: {  	s7 =	simm.s32 $0x0;
	s20 =	sshll.u32 s5, $0x1;
	s5 =	sadd.s32 s21, s3  }
0x9d: {  	[timem:s7], [sflag:s22] =	dma.local [hbm:s5], s20  }
0x9e: {  	_ =	swait.ge [sflag:s22], s20  }
0x9f: {  	s4 =	ssub.s32 $0x0, s20;
	[sflag:s22] =	ssyncset.done $0x0  }
0xa0: {  	[sflag:s22] =	ssyncadd.s32 s4;
	_ =	sdelay $0x1  }
0xa1: {  	s23 =	simm.s32 $0x1B8B  }
0xa2: {  	_ =	swait.ge [sflag:s23], $0x1  }
0xa3: {  	[sflag:s23] =	ssyncset.done $0x0  }
0xa4: {  	s25 =	simm.s32 $0x1B8E;
	s24 =	sld [smem:$0x3FFE];
	[sflag:s23] =	ssyncadd.s32 $0xFFFFFFFF  }
0xa5: {  	s26 =	simm.s32 $execute0_lowered;
	[smem:$0x3FD2] =	sst s25  }
0xa6: {  	s5 =	sshll.u32 s26, $0x1;
	_ =	strace $0x80000046;
	[dreg:$0x1] =	wrdreg $0xFFFFFFFF  }
0xa7: {  	s28 =	simm.s32 $_size_execute0_lowered;
	s3 =	sadd.s32 s3, s5;
	[dreg:$0x0] =	wrdreg $0x0  }
0xa8: {  	s5 =	sshll.u32 s28, $0x1;
	[dreg:$0x2] =	wrdreg s3  }
0xa9: {  	[dreg:$0x3] =	wrdreg s5  }
0xaa: {  	[dreg:$0x4] =	wrdreg $0xC0  }
0xab: {  	_ =	task [dreg:s7], $0x5FFFF  }
0xac: {  	[dreg:$0x1] =	wrdreg $0xFFFFFFFF  }
0xad: {  	[dreg:$0x0] =	wrdreg $0x60  }
0xae: {  	[dreg:$0x2] =	wrdreg s24  }
0xaf: {  	[dreg:$0x3] =	wrdreg s2  }
0xb0: {  	[dreg:$0x4] =	wrdreg $0x0  }
0xb1: {  	[dreg:$0x5] =	wrdreg $0x9  }
0xb2: {  	_ =	task.clear_ibuf [dreg:s7], $0x6FFFF;
	_ =	strace $0x90000046  }
0xb3: {  	s29 =	simm.s32 $0x9;
	_ =	strace $0x80000048  }
0xb4: {  	_ =	swait.ge [sflag:s29], $0x1  }
0xb5: {  	[sflag:s29] =	ssyncadd.s32 $0xFFFFFFFF  }
0xb6: {  	_ =	strace $0x90000048  }
0xb7: {  	_ =	sfence  }
0xb8: {  	s30 =	sld [smem:$0x0];
	_ =	sdelay $0x2  }
0xb9: {  	s31 =	sshll.u32 s1, $0xD;
	s1 =	sshrl.u32 s1, $0x2  }
0xba: {  	s3 =	sand.u32 $0x4000, s31;
	s1 =	sadd.s32 s1, s30  }
0xbb: {  	s0 =	sor.u32 s3, s0;
	s1 =	sshll.u32 s1, $0x11  }
0xbc: {  	s0 =	sor.u32 s1, s0  }
0xbd: {  	s0 =	sadd.s32 $0x8F2B, s0  }
0xbe: {  	[sflag:s0] =	ssyncadd.remote.s32 $0x1  }
0xbf: {  	_ =	sfence.sel $0xFFFF  }
0xc0: {  	[dreg:$0x0] =	wrdreg $0xFFFFFFFF;
	(pc) =	sbr.abs _section_cstart, $3  }
0xc1: {  	[dreg:$0x1] =	wrdreg $0xFFFFFFFF  }
0xc2: {  	_ =	task.clear_ibuf [dreg:s7], $0x2FFFF;
	_ =	strace $0x9FFFFFFF  }
0xc3: {  	(tm) =	ssettm $0x7FFFFFFF  }
tec
execute0_lowered:
.L_overlay_start_1:
0x0: {  	(tag) =	ssettag $0x1  }
0x1: {  	s0 =	srdreg.scid;
	s2 =	rddreg [dreg:$0x0]  }
0x2: {  	s20 =	stileid.u32;
	s3 =	rddreg [dreg:$0x2];
	s4 =	simm.s32 $0x0  }
0x3: {  	s18 =	simm.s32 $0xEE80;
	s19 =	simm.s32 $0x2;
	s25 =	simm.s32 $0xC680  }
0x4: {  	s28 =	simm.s32 $0x1;
	s29 =	simm.s32 $0xF680;
	s30 =	simm.s32 $0x0  }
0x5: {  	s0 =	sand.u32 $0x1, s0;
	s1 =	sshll.u32 s20, $0x1;
	s5 =	smul.u32 $0x2780, s20  }
0x6: {  	[smem:$0x7FF] =	sst s4;
	s13 =	sadd.s32 $0x27800, s3;
	s14 =	sadd.s32 $0x4F000, s3  }
0x7: {  	s31 =	sshll.u32 s20, $0x6;
	s1 =	sor.u32 s0, s1;
	s6 =	smul.u32 $0x76800, s0  }
0x8: {  	_ =	strace $0x80000047;
	s0 =	ssub.s32 $0x2, s0;
	s21 =	sor.u32 $0x1C02, s31  }
0x9: {  	s1 =	smul.u32 $0x2800, s1;
	s7 =	sshrl.u32 s5, $0x3;
	s26 =	sshrl.u32 s0, $0x1  }
0xa: {  	s6 =	sadd.s32 s6, s5;
	s7 =	sadd.s32 s7, s2;
	s0 =	ssub.s32 s0, s26  }
0xb: {  	s5 =	sadd.s32 s5, s3;
	s26 =	simm.s32 $0x80;
	s1 =	sshrl.u32 s1, $0x3  }
0xc: {  	s6 =	sshrl.u32 s6, $0x3;
	s10 =	sadd.s32 $0x27800, s5;
	s12 =	sadd.s32 $0x4F000, s5  }
0xd: {  	s22 =	sshrl.u32 s5, $0x3;
	s1 =	sadd.s32 s1, s2;
	s2 =	sadd.s32 s6, s2  }
0xe: {  	s6 =	sadd.s32 $0x22200, s7;
	s7 =	smax.u32 s0, $0x1;
	s24 =	sshrl.u32 s10, $0x3  }
0xf: {  	s8 =	sadd.s32 $0x4200, s1;
	s9 =	sadd.s32 $0xE200, s1;
	s11 =	sadd.s32 $0x18200, s1  }
0x10: {  	s15 =	sadd.s32 $0x27200, s2;
	s16 =	sadd.s32 $0x2C100, s2;
	s17 =	sadd.s32 $0x31000, s2  }
.LBB2_1:
0x11: {  	s0 =	rddreg [dreg:$0x1]  }
0x12: {  	[tilespmem:s18], [sflag:$0x2] =	stream.linear.gather [hbm4b:s0+s4], $0x800, $0x38;
	[tilespmem:$0x11E00] =	vst v63  }
0x13: {  	_ =	swait.ge [sflag:s19], $0x800  }
0x14: {  	[sflag:s19] =	ssyncset.done $0x0  }
0x15: {  	s31 =	simm.s32 $0x7680;
	[sflag:s19] =	ssyncadd.s32 $0xFFFFF800  }
0x16: {  	[tilespmem:s31], [sflag:$0x2] =	stream.linear.gather [hbm4b:s8+s4], $0x2800, $0x38;
	[tilespmem:$0x11E00] =	vst v63  }
0x17: {  	_ =	swait.ge [sflag:s19], $0x2800  }
0x18: {  	[sflag:s19] =	ssyncset.done $0x0  }
0x19: {  	[sflag:s19] =	ssyncadd.s32 $0xFFFFD800  }
0x1a: {  	[spmem:s22], [sflag:s21] =	dma.local [hbm:s6], $0x4F0  }
0x1b: {  	_ =	swait.ge [sflag:s19], $0x4F0  }
0x1c: {  	[sflag:s19] =	ssyncset.done $0x0  }
0x1d: {  	s1 =	simm.s32 $0x9E80;
	[sflag:s19] =	ssyncadd.s32 $0xFFFFFB10  }
0x1e: {  	[tilespmem:s1], [sflag:$0x2] =	stream.linear.gather [hbm4b:s9+s4], $0x2800, $0x38;
	[tilespmem:$0x11E00] =	vst v63  }
0x1f: {  	_ =	swait.ge [sflag:s19], $0x2800  }
0x20: {  	[sflag:s19] =	ssyncset.done $0x0  }
0x21: {  	[sflag:s19] =	ssyncadd.s32 $0xFFFFD800  }
0x22: {  	[spmem:s24], [sflag:s21] =	dma.local [hbm:s6], $0x4F0  }
0x23: {  	_ =	swait.ge [sflag:s19], $0x4F0  }
0x24: {  	[sflag:s19] =	ssyncset.done $0x0  }
0x25: {  	[sflag:s19] =	ssyncadd.s32 $0xFFFFFB10  }
0x26: {  	[tilespmem:s25], [sflag:$0x2] =	stream.linear.gather [hbm4b:s11+s4], $0x2800, $0x38;
	[tilespmem:$0x11E00] =	vst v63  }
0x27: {  	_ =	swait.ge [sflag:s19], $0x2800  }
0x28: {  	[sflag:s19] =	ssyncset.done $0x0  }
0x29: {  	s2 =	sshrl.u32 s12, $0x3;
	[sflag:s19] =	ssyncadd.s32 $0xFFFFD800  }
0x2a: {  	[spmem:s2], [sflag:s21] =	dma.local [hbm:s6], $0x4F0  }
0x2b: {  	_ =	swait.ge [sflag:s19], $0x4F0  }
0x2c: {  	[sflag:s19] =	ssyncset.done $0x0  }
0x2d: {  	[sflag:s19] =	ssyncadd.s32 $0xFFFFFB10  }
0x2e: {  	s20 =	simm.s32 $0x7680;
	[bflag:$0x0] =	sbarrier.arrive $0xFFFF  }
0x2f: {  	[spmem:s3] =	stream.indirect.scatter.add.f32 [tilespmem:s18], [sflag:$0x1], $0x10, s20, s26, $0xb8;
	[tilespmem:$0x11E00] =	vst v63  }
0x30: {  	s23 =	simm.s32 $0x7700  }
0x31: {  	[spmem:s3] =	stream.indirect.scatter.add.f32 [tilespmem:s18], [sflag:$0x1], $0x10, s23, s26, $0xb8;
	[tilespmem:$0x11E00] =	vst v63  }
0x32: {  	s31 =	simm.s32 $0x7780  }
0x33: {  	[spmem:s3] =	stream.indirect.scatter.add.f32 [tilespmem:s18], [sflag:$0x1], $0x10, s31, s26, $0xb8;
	[tilespmem:$0x11E00] =	vst v63  }
0x34: {  	s1 =	simm.s32 $0x7800  }
0x35: {  	[spmem:s3] =	stream.indirect.scatter.add.f32 [tilespmem:s18], [sflag:$0x1], $0x10, s1, s26, $0xb8;
	[tilespmem:$0x11E00] =	vst v63  }
0x36: {  	s2 =	simm.s32 $0x7880  }
0x37: {  	[spmem:s3] =	stream.indirect.scatter.add.f32 [tilespmem:s18], [sflag:$0x1], $0x10, s2, s26, $0xb8;
	[tilespmem:$0x11E00] =	vst v63  }
0x38: {  	s20 =	simm.s32 $0x7900  }
0x39: {  	[spmem:s3] =	stream.indirect.scatter.add.f32 [tilespmem:s18], [sflag:$0x1], $0x10, s20, s26, $0xb8;
	[tilespmem:$0x11E00] =	vst v63  }
0x3a: {  	s23 =	simm.s32 $0x7980  }
0x3b: {  	[spmem:s3] =	stream.indirect.scatter.add.f32 [tilespmem:s18], [sflag:$0x1], $0x10, s23, s26, $0xb8;
	[tilespmem:$0x11E00] =	vst v63  }
0x3c: {  	s31 =	simm.s32 $0x7A00  }
0x3d: {  	[spmem:s3] =	stream.indirect.scatter.add.f32 [tilespmem:s18], [sflag:$0x1], $0x10, s31, s26, $0xb8;
	[tilespmem:$0x11E00] =	vst v63  }
0x3e: {  	_ =	swait.ge [sflag:s28], $0x800  }
0x3f: {  	[sflag:s28] =	ssyncset.done $0x0  }
0x40: {  	[sflag:s28] =	ssyncadd.s32 $0xFFFFF800  }
0x41: {  	_ =	swait.ge [sflag:s28], $0x800  }
0x42: {  	[sflag:s28] =	ssyncset.done $0x0  }
0x43: {  	[sflag:s28] =	ssyncadd.s32 $0xFFFFF800  }
0x44: {  	_ =	swait.ge [sflag:s28], $0x800  }
0x45: {  	[sflag:s28] =	ssyncset.done $0x0  }
0x46: {  	[sflag:s28] =	ssyncadd.s32 $0xFFFFF800  }
0x47: {  	_ =	swait.ge [sflag:s28], $0x800  }
0x48: {  	[sflag:s28] =	ssyncset.done $0x0  }
0x49: {  	[sflag:s28] =	ssyncadd.s32 $0xFFFFF800  }
0x4a: {  	_ =	swait.ge [sflag:s28], $0x800  }
0x4b: {  	[sflag:s28] =	ssyncset.done $0x0  }
0x4c: {  	[sflag:s28] =	ssyncadd.s32 $0xFFFFF800  }
0x4d: {  	_ =	swait.ge [sflag:s28], $0x800  }
0x4e: {  	[sflag:s28] =	ssyncset.done $0x0  }
0x4f: {  	[sflag:s28] =	ssyncadd.s32 $0xFFFFF800  }
0x50: {  	_ =	swait.ge [sflag:s28], $0x800  }
0x51: {  	[sflag:s28] =	ssyncset.done $0x0  }
0x52: {  	[sflag:s28] =	ssyncadd.s32 $0xFFFFF800  }
0x53: {  	_ =	swait.ge [sflag:s28], $0x800  }
0x54: {  	s0 =	simm.s32 $0x400;
	s2 =	simm.s32 $0x2000;
	[sflag:s28] =	ssyncset.done $0x0  }
.LBB2_2:
0x55: {  	s20 =	sadd.s32 $0x7680, s0  }
0x56: {  	[sflag:s28] =	ssyncadd.s32 $0xFFFFF800;
	s1 =	smov.u32 s2;
	s31 =	sadd.s32 $0x1000, s2  }
0x57: {  	[spmem:s3] =	stream.indirect.scatter.add.f32 [tilespmem:s18], [sflag:$0x1], $0x10, s20, s26, $0xb8;
	[tilespmem:$0x11E00] =	vst v63  }
0x58: {  	p0 =	sne.s32 s2, $0x9000;
	s2 =	sadd.s32 $0x7700, s0  }
0x59: {  	[spmem:s3] =	stream.indirect.scatter.add.f32 [tilespmem:s18], [sflag:$0x1], $0x10, s2, s26, $0xb8;
	[tilespmem:$0x11E00] =	vst v63  }
0x5a: {  	s2 =	sadd.s32 $0x7780, s0  }
0x5b: {  	[spmem:s3] =	stream.indirect.scatter.add.f32 [tilespmem:s18], [sflag:$0x1], $0x10, s2, s26, $0xb8;
	[tilespmem:$0x11E00] =	vst v63  }
0x5c: {  	s2 =	sadd.s32 $0x7800, s0  }
0x5d: {  	[spmem:s3] =	stream.indirect.scatter.add.f32 [tilespmem:s18], [sflag:$0x1], $0x10, s2, s26, $0xb8;
	[tilespmem:$0x11E00] =	vst v63  }
0x5e: {  	s2 =	sadd.s32 $0x7880, s0  }
0x5f: {  	[spmem:s3] =	stream.indirect.scatter.add.f32 [tilespmem:s18], [sflag:$0x1], $0x10, s2, s26, $0xb8;
	[tilespmem:$0x11E00] =	vst v63  }
0x60: {  	s2 =	sadd.s32 $0x7900, s0  }
0x61: {  	[spmem:s3] =	stream.indirect.scatter.add.f32 [tilespmem:s18], [sflag:$0x1], $0x10, s2, s26, $0xb8;
	[tilespmem:$0x11E00] =	vst v63  }
0x62: {  	s2 =	sadd.s32 $0x7980, s0  }
0x63: {  	[spmem:s3] =	stream.indirect.scatter.add.f32 [tilespmem:s18], [sflag:$0x1], $0x10, s2, s26, $0xb8;
	[tilespmem:$0x11E00] =	vst v63  }
0x64: {  	s0 =	sadd.s32 $0x7A00, s0  }
0x65: {  	[spmem:s3] =	stream.indirect.scatter.add.f32 [tilespmem:s18], [sflag:$0x1], $0x10, s0, s26, $0xb8;
	[tilespmem:$0x11E00] =	vst v63  }
0x66: {  	_ =	swait.ge [sflag:s28], $0x800  }
0x67: {  	[sflag:s28] =	ssyncset.done $0x0  }
0x68: {  	[sflag:s28] =	ssyncadd.s32 $0xFFFFF800  }
0x69: {  	_ =	swait.ge [sflag:s28], $0x800  }
0x6a: {  	[sflag:s28] =	ssyncset.done $0x0  }
0x6b: {  	[sflag:s28] =	ssyncadd.s32 $0xFFFFF800  }
0x6c: {  	_ =	swait.ge [sflag:s28], $0x800  }
0x6d: {  	[sflag:s28] =	ssyncset.done $0x0  }
0x6e: {  	[sflag:s28] =	ssyncadd.s32 $0xFFFFF800  }
0x6f: {  	_ =	swait.ge [sflag:s28], $0x800  }
0x70: {  	[sflag:s28] =	ssyncset.done $0x0  }
0x71: {  	[sflag:s28] =	ssyncadd.s32 $0xFFFFF800  }
0x72: {  	_ =	swait.ge [sflag:s28], $0x800  }
0x73: {  	[sflag:s28] =	ssyncset.done $0x0  }
0x74: {  	[sflag:s28] =	ssyncadd.s32 $0xFFFFF800  }
0x75: {  	_ =	swait.ge [sflag:s28], $0x800  }
0x76: {  	[sflag:s28] =	ssyncset.done $0x0  }
0x77: {  	[sflag:s28] =	ssyncadd.s32 $0xFFFFF800  }
.Ltmp0:
0x78: {  	_ =	swait.ge [sflag:s28], $0x800;
	(pc) =	sbr.rel @p0 .LBB2_2-.Ltmp0, $4  }
0x79: {  	[sflag:s28] =	ssyncset.done $0x0  }
0x7a: {  	[sflag:s28] =	ssyncadd.s32 $0xFFFFF800  }
0x7b: {  	_ =	swait.ge [sflag:s28], $0x800  }
0x7c: {  	s2 =	smov.u32 s31;
	s0 =	sshra.s32 s1, $0x2;
	[sflag:s28] =	ssyncset.done $0x0  }
0x7d: {  	s1 =	sadd.s32 $0x7680, s0;
	[sflag:s28] =	ssyncadd.s32 $0xFFFFF800  }
0x7e: {  	[spmem:s3] =	stream.indirect.scatter.add.f32 [tilespmem:s18], [sflag:$0x1], $0x10, s1, s26, $0xb8;
	[tilespmem:$0x11E00] =	vst v63  }
0x7f: {  	s23 =	sadd.s32 $0x7700, s0  }
0x80: {  	[spmem:s3] =	stream.indirect.scatter.add.f32 [tilespmem:s18], [sflag:$0x1], $0x10, s23, s26, $0xb8;
	[tilespmem:$0x11E00] =	vst v63  }
0x81: {  	s2 =	sadd.s32 $0x7780, s0  }
0x82: {  	[spmem:s3] =	stream.indirect.scatter.add.f32 [tilespmem:s18], [sflag:$0x1], $0x10, s2, s26, $0xb8;
	[tilespmem:$0x11E00] =	vst v63  }
0x83: {  	s20 =	sadd.s32 $0x7800, s0  }
0x84: {  	[spmem:s3] =	stream.indirect.scatter.add.f32 [tilespmem:s18], [sflag:$0x1], $0x10, s20, s26, $0xb8;
	[tilespmem:$0x11E00] =	vst v63  }
0x85: {  	s23 =	sadd.s32 $0x7880, s0  }
0x86: {  	[spmem:s3] =	stream.indirect.scatter.add.f32 [tilespmem:s18], [sflag:$0x1], $0x10, s23, s26, $0xb8;
	[tilespmem:$0x11E00] =	vst v63  }
0x87: {  	s2 =	sadd.s32 $0x7900, s0  }
0x88: {  	[spmem:s3] =	stream.indirect.scatter.add.f32 [tilespmem:s18], [sflag:$0x1], $0x10, s2, s26, $0xb8;
	[tilespmem:$0x11E00] =	vst v63  }
0x89: {  	s20 =	sadd.s32 $0x7980, s0  }
0x8a: {  	[spmem:s3] =	stream.indirect.scatter.add.f32 [tilespmem:s18], [sflag:$0x1], $0x10, s20, s26, $0xb8;
	[tilespmem:$0x11E00] =	vst v63  }
0x8b: {  	s23 =	sadd.s32 $0x7A00, s0  }
0x8c: {  	[spmem:s3] =	stream.indirect.scatter.add.f32 [tilespmem:s18], [sflag:$0x1], $0x10, s23, s26, $0xb8;
	[tilespmem:$0x11E00] =	vst v63  }
0x8d: {  	_ =	swait.ge [sflag:s28], $0x800  }
0x8e: {  	[sflag:s28] =	ssyncset.done $0x0  }
0x8f: {  	[sflag:s28] =	ssyncadd.s32 $0xFFFFF800  }
0x90: {  	_ =	swait.ge [sflag:s28], $0x800  }
0x91: {  	[sflag:s28] =	ssyncset.done $0x0  }
0x92: {  	[sflag:s28] =	ssyncadd.s32 $0xFFFFF800  }
0x93: {  	_ =	swait.ge [sflag:s28], $0x800  }
0x94: {  	[sflag:s28] =	ssyncset.done $0x0  }
0x95: {  	[sflag:s28] =	ssyncadd.s32 $0xFFFFF800  }
0x96: {  	_ =	swait.ge [sflag:s28], $0x800  }
0x97: {  	[sflag:s28] =	ssyncset.done $0x0  }
0x98: {  	[sflag:s28] =	ssyncadd.s32 $0xFFFFF800  }
0x99: {  	_ =	swait.ge [sflag:s28], $0x800  }
0x9a: {  	[sflag:s28] =	ssyncset.done $0x0  }
0x9b: {  	[sflag:s28] =	ssyncadd.s32 $0xFFFFF800  }
0x9c: {  	_ =	swait.ge [sflag:s28], $0x800  }
0x9d: {  	[sflag:s28] =	ssyncset.done $0x0  }
0x9e: {  	[sflag:s28] =	ssyncadd.s32 $0xFFFFF800  }
0x9f: {  	p1 =	por $0x1, $0x1;
	_ =	swait.ge [sflag:s28], $0x800  }
.Ltmp1:
0xa0: {  	[sflag:s28] =	ssyncset.done $0x0;
	(pc) =	sbr.rel @!p1 .LBB2_6-.Ltmp1, $4  }
0xa1: {  	[sflag:s28] =	ssyncadd.s32 $0xFFFFF800  }
0xa2: {  	_ =	swait.ge [sflag:s28], $0x800  }
0xa3: {  	s31 =	simm.s32 $0x0;
	p0 =	por $0x0, $0x0;
	[sflag:s28] =	ssyncset.done $0x0  }
0xa4: {  	p2 =	por $0x0, $0x0;
	s2 =	simm.s32 $0x0;
	[sflag:s28] =	ssyncadd.s32 $0xFFFFF800  }
0xa5: {  	s0 =	simm.s32 $0x9E80  }
0xa6: {  	[spmem:s13] =	stream.indirect.scatter.add.f32 [tilespmem:s18], [sflag:$0x1], $0x10, s0, s26, $0xb8;
	[tilespmem:$0x11E00] =	vst v63  }
0xa7: {  	s2 =	simm.s32 $0x9F00  }
0xa8: {  	[spmem:s13] =	stream.indirect.scatter.add.f32 [tilespmem:s18], [sflag:$0x1], $0x10, s2, s26, $0xb8;
	[tilespmem:$0x11E00] =	vst v63  }
0xa9: {  	s20 =	simm.s32 $0x9F80  }
0xaa: {  	[spmem:s13] =	stream.indirect.scatter.add.f32 [tilespmem:s18], [sflag:$0x1], $0x10, s20, s26, $0xb8;
	[tilespmem:$0x11E00] =	vst v63  }
0xab: {  	s23 =	simm.s32 $0xA000  }
0xac: {  	[spmem:s13] =	stream.indirect.scatter.add.f32 [tilespmem:s18], [sflag:$0x1], $0x10, s23, s26, $0xb8;
	[tilespmem:$0x11E00] =	vst v63  }
0xad: {  	s1 =	simm.s32 $0xA080  }
0xae: {  	[spmem:s13] =	stream.indirect.scatter.add.f32 [tilespmem:s18], [sflag:$0x1], $0x10, s1, s26, $0xb8;
	[tilespmem:$0x11E00] =	vst v63  }
0xaf: {  	s2 =	simm.s32 $0xA100  }
0xb0: {  	[spmem:s13] =	stream.indirect.scatter.add.f32 [tilespmem:s18], [sflag:$0x1], $0x10, s2, s26, $0xb8;
	[tilespmem:$0x11E00] =	vst v63  }
0xb1: {  	s20 =	simm.s32 $0xA180  }
0xb2: {  	[spmem:s13] =	stream.indirect.scatter.add.f32 [tilespmem:s18], [sflag:$0x1], $0x10, s20, s26, $0xb8;
	[tilespmem:$0x11E00] =	vst v63  }
0xb3: {  	s23 =	simm.s32 $0xA200  }
0xb4: {  	[spmem:s13] =	stream.indirect.scatter.add.f32 [tilespmem:s18], [sflag:$0x1], $0x10, s23, s26, $0xb8;
	[tilespmem:$0x11E00] =	vst v63  }
0xb5: {  	_ =	swait.ge [sflag:s28], $0x800  }
0xb6: {  	[sflag:s28] =	ssyncset.done $0x0  }
0xb7: {  	[sflag:s28] =	ssyncadd.s32 $0xFFFFF800  }
0xb8: {  	_ =	swait.ge [sflag:s28], $0x800  }
0xb9: {  	[sflag:s28] =	ssyncset.done $0x0  }
0xba: {  	[sflag:s28] =	ssyncadd.s32 $0xFFFFF800  }
0xbb: {  	_ =	swait.ge [sflag:s28], $0x800  }
0xbc: {  	[sflag:s28] =	ssyncset.done $0x0  }
0xbd: {  	[sflag:s28] =	ssyncadd.s32 $0xFFFFF800  }
0xbe: {  	_ =	swait.ge [sflag:s28], $0x800  }
0xbf: {  	[sflag:s28] =	ssyncset.done $0x0  }
0xc0: {  	[sflag:s28] =	ssyncadd.s32 $0xFFFFF800  }
0xc1: {  	_ =	swait.ge [sflag:s28], $0x800  }
0xc2: {  	[sflag:s28] =	ssyncset.done $0x0  }
0xc3: {  	[sflag:s28] =	ssyncadd.s32 $0xFFFFF800  }
0xc4: {  	_ =	swait.ge [sflag:s28], $0x800  }
0xc5: {  	[sflag:s28] =	ssyncset.done $0x0  }
0xc6: {  	p3 =	por $0x1, $0x1;
	[sflag:s28] =	ssyncadd.s32 $0xFFFFF800  }
.Ltmp2:
0xc7: {  	_ =	swait.ge [sflag:s28], $0x800;
	(pc) =	sbr.rel @!p3 .LBB2_6-.Ltmp2, $4  }
0xc8: {  	[sflag:s28] =	ssyncset.done $0x0  }
0xc9: {  	[sflag:s28] =	ssyncadd.s32 $0xFFFFF800  }
0xca: {  	p2 =	por $0x1, $0x1;
	_ =	swait.ge [sflag:s28], $0x800  }
0xcb: {  	s1 =	simm.s32 $0x2000;
	s2 =	simm.s32 $0x400;
	[sflag:s28] =	ssyncset.done $0x0  }
.LBB2_5:
0xcc: {  	s23 =	sadd.s32 $0x9E80, s2  }
0xcd: {  	[sflag:s28] =	ssyncadd.s32 $0xFFFFF800;
	s0 =	smov.u32 s1;
	s20 =	sadd.s32 $0x1000, s1  }
0xce: {  	[spmem:s13] =	stream.indirect.scatter.add.f32 [tilespmem:s18], [sflag:$0x1], $0x10, s23, s26, $0xb8;
	[tilespmem:$0x11E00] =	vst v63  }
0xcf: {  	p3 =	sne.s32 s1, $0x9000;
	s1 =	sadd.s32 $0x9F00, s2  }
0xd0: {  	[spmem:s13] =	stream.indirect.scatter.add.f32 [tilespmem:s18], [sflag:$0x1], $0x10, s1, s26, $0xb8;
	[tilespmem:$0x11E00] =	vst v63  }
0xd1: {  	s1 =	sadd.s32 $0x9F80, s2  }
0xd2: {  	[spmem:s13] =	stream.indirect.scatter.add.f32 [tilespmem:s18], [sflag:$0x1], $0x10, s1, s26, $0xb8;
	[tilespmem:$0x11E00] =	vst v63  }
0xd3: {  	s1 =	sadd.s32 $0xA000, s2  }
0xd4: {  	[spmem:s13] =	stream.indirect.scatter.add.f32 [tilespmem:s18], [sflag:$0x1], $0x10, s1, s26, $0xb8;
	[tilespmem:$0x11E00] =	vst v63  }
0xd5: {  	s1 =	sadd.s32 $0xA080, s2  }
0xd6: {  	[spmem:s13] =	stream.indirect.scatter.add.f32 [tilespmem:s18], [sflag:$0x1], $0x10, s1, s26, $0xb8;
	[tilespmem:$0x11E00] =	vst v63  }
0xd7: {  	s1 =	sadd.s32 $0xA100, s2  }
0xd8: {  	[spmem:s13] =	stream.indirect.scatter.add.f32 [tilespmem:s18], [sflag:$0x1], $0x10, s1, s26, $0xb8;
	[tilespmem:$0x11E00] =	vst v63  }
0xd9: {  	s1 =	sadd.s32 $0xA180, s2  }
0xda: {  	[spmem:s13] =	stream.indirect.scatter.add.f32 [tilespmem:s18], [sflag:$0x1], $0x10, s1, s26, $0xb8;
	[tilespmem:$0x11E00] =	vst v63  }
0xdb: {  	s1 =	sadd.s32 $0xA200, s2  }
0xdc: {  	[spmem:s13] =	stream.indirect.scatter.add.f32 [tilespmem:s18], [sflag:$0x1], $0x10, s1, s26, $0xb8;
	[tilespmem:$0x11E00] =	vst v63  }
0xdd: {  	_ =	swait.ge [sflag:s28], $0x800  }
0xde: {  	[sflag:s28] =	ssyncset.done $0x0  }
0xdf: {  	[sflag:s28] =	ssyncadd.s32 $0xFFFFF800  }
0xe0: {  	_ =	swait.ge [sflag:s28], $0x800  }
0xe1: {  	[sflag:s28] =	ssyncset.done $0x0  }
0xe2: {  	[sflag:s28] =	ssyncadd.s32 $0xFFFFF800  }
0xe3: {  	_ =	swait.ge [sflag:s28], $0x800  }
0xe4: {  	[sflag:s28] =	ssyncset.done $0x0  }
0xe5: {  	[sflag:s28] =	ssyncadd.s32 $0xFFFFF800  }
0xe6: {  	_ =	swait.ge [sflag:s28], $0x800  }
0xe7: {  	[sflag:s28] =	ssyncset.done $0x0  }
0xe8: {  	[sflag:s28] =	ssyncadd.s32 $0xFFFFF800  }
0xe9: {  	_ =	swait.ge [sflag:s28], $0x800  }
0xea: {  	[sflag:s28] =	ssyncset.done $0x0  }
0xeb: {  	[sflag:s28] =	ssyncadd.s32 $0xFFFFF800  }
0xec: {  	_ =	swait.ge [sflag:s28], $0x800  }
0xed: {  	[sflag:s28] =	ssyncset.done $0x0  }
0xee: {  	[sflag:s28] =	ssyncadd.s32 $0xFFFFF800  }
.Ltmp3:
0xef: {  	_ =	swait.ge [sflag:s28], $0x800;
	(pc) =	sbr.rel @p3 .LBB2_5-.Ltmp3, $4  }
0xf0: {  	[sflag:s28] =	ssyncset.done $0x0  }
0xf1: {  	[sflag:s28] =	ssyncadd.s32 $0xFFFFF800  }
0xf2: {  	_ =	swait.ge [sflag:s28], $0x800  }
0xf3: {  	s2 =	sshra.s32 s0, $0x2;
	s1 =	smov.u32 s20;
	[sflag:s28] =	ssyncset.done $0x0  }
.LBB2_6:
0xf4: {  	s0 =	sadd.s32 $0x9E80, s2;
	[sflag:s28] =	ssyncadd.s32 @p2 $0xFFFFF800  }
0xf5: {  	[spmem:s13] =	stream.indirect.scatter.add.f32 [tilespmem:s18], [sflag:$0x1], $0x10, s0, s26, $0xb8;
	[tilespmem:$0x11E00] =	vst v63  }
0xf6: {  	s23 =	sadd.s32 $0x9F00, s2  }
0xf7: {  	[spmem:s13] =	stream.indirect.scatter.add.f32 [tilespmem:s18], [sflag:$0x1], $0x10, s23, s26, $0xb8;
	[tilespmem:$0x11E00] =	vst v63  }
0xf8: {  	s1 =	sadd.s32 $0x9F80, s2  }
0xf9: {  	[spmem:s13] =	stream.indirect.scatter.add.f32 [tilespmem:s18], [sflag:$0x1], $0x10, s1, s26, $0xb8;
	[tilespmem:$0x11E00] =	vst v63  }
0xfa: {  	s20 =	sadd.s32 $0xA000, s2  }
0xfb: {  	[spmem:s13] =	stream.indirect.scatter.add.f32 [tilespmem:s18], [sflag:$0x1], $0x10, s20, s26, $0xb8;
	[tilespmem:$0x11E00] =	vst v63  }
0xfc: {  	s23 =	sadd.s32 $0xA080, s2  }
0xfd: {  	[spmem:s13] =	stream.indirect.scatter.add.f32 [tilespmem:s18], [sflag:$0x1], $0x10, s23, s26, $0xb8;
	[tilespmem:$0x11E00] =	vst v63  }
0xfe: {  	s1 =	sadd.s32 $0xA100, s2  }
0xff: {  	[spmem:s13] =	stream.indirect.scatter.add.f32 [tilespmem:s18], [sflag:$0x1], $0x10, s1, s26, $0xb8;
	[tilespmem:$0x11E00] =	vst v63  }
0x100: {  	s20 =	sadd.s32 $0xA180, s2  }
0x101: {  	[spmem:s13] =	stream.indirect.scatter.add.f32 [tilespmem:s18], [sflag:$0x1], $0x10, s20, s26, $0xb8;
	[tilespmem:$0x11E00] =	vst v63  }
0x102: {  	s23 =	sadd.s32 $0xA200, s2  }
0x103: {  	[spmem:s13] =	stream.indirect.scatter.add.f32 [tilespmem:s18], [sflag:$0x1], $0x10, s23, s26, $0xb8;
	[tilespmem:$0x11E00] =	vst v63  }
0x104: {  	_ =	swait.ge [sflag:s28], $0x800  }
0x105: {  	[sflag:s28] =	ssyncset.done $0x0  }
0x106: {  	[sflag:s28] =	ssyncadd.s32 $0xFFFFF800  }
0x107: {  	_ =	swait.ge [sflag:s28], $0x800  }
0x108: {  	[sflag:s28] =	ssyncset.done $0x0  }
0x109: {  	[sflag:s28] =	ssyncadd.s32 $0xFFFFF800  }
0x10a: {  	_ =	swait.ge [sflag:s28], $0x800  }
0x10b: {  	[sflag:s28] =	ssyncset.done $0x0  }
0x10c: {  	[sflag:s28] =	ssyncadd.s32 $0xFFFFF800  }
0x10d: {  	_ =	swait.ge [sflag:s28], $0x800  }
0x10e: {  	[sflag:s28] =	ssyncset.done $0x0  }
0x10f: {  	[sflag:s28] =	ssyncadd.s32 $0xFFFFF800  }
0x110: {  	_ =	swait.ge [sflag:s28], $0x800  }
0x111: {  	[sflag:s28] =	ssyncset.done $0x0  }
0x112: {  	[sflag:s28] =	ssyncadd.s32 $0xFFFFF800  }
0x113: {  	_ =	swait.ge [sflag:s28], $0x800  }
0x114: {  	[sflag:s28] =	ssyncset.done $0x0  }
0x115: {  	[sflag:s28] =	ssyncadd.s32 $0xFFFFF800  }
0x116: {  	_ =	swait.ge [sflag:s28], $0x800  }
.Ltmp4:
0x117: {  	[sflag:s28] =	ssyncset.done $0x0;
	(pc) =	sbr.rel @!p1 .LBB2_9-.Ltmp4, $4  }
0x118: {  	[sflag:s28] =	ssyncadd.s32 $0xFFFFF800  }
0x119: {  	_ =	swait.ge [sflag:s28], $0x800  }
0x11a: {  	[sflag:s28] =	ssyncset.done $0x0  }
0x11b: {  	[sflag:s28] =	ssyncadd.s32 $0xFFFFF800  }
0x11c: {  	s0 =	simm.s32 $0xC680  }
0x11d: {  	[spmem:s14] =	stream.indirect.scatter.add.f32 [tilespmem:s18], [sflag:$0x1], $0x10, s0, s26, $0xb8;
	[tilespmem:$0x11E00] =	vst v63  }
0x11e: {  	s2 =	simm.s32 $0xC700  }
0x11f: {  	[spmem:s14] =	stream.indirect.scatter.add.f32 [tilespmem:s18], [sflag:$0x1], $0x10, s2, s26, $0xb8;
	[tilespmem:$0x11E00] =	vst v63  }
0x120: {  	s20 =	simm.s32 $0xC780  }
0x121: {  	[spmem:s14] =	stream.indirect.scatter.add.f32 [tilespmem:s18], [sflag:$0x1], $0x10, s20, s26, $0xb8;
	[tilespmem:$0x11E00] =	vst v63  }
0x122: {  	s23 =	simm.s32 $0xC800  }
0x123: {  	[spmem:s14] =	stream.indirect.scatter.add.f32 [tilespmem:s18], [sflag:$0x1], $0x10, s23, s26, $0xb8;
	[tilespmem:$0x11E00] =	vst v63  }
0x124: {  	s1 =	simm.s32 $0xC880  }
0x125: {  	[spmem:s14] =	stream.indirect.scatter.add.f32 [tilespmem:s18], [sflag:$0x1], $0x10, s1, s26, $0xb8;
	[tilespmem:$0x11E00] =	vst v63  }
0x126: {  	s2 =	simm.s32 $0xC900  }
0x127: {  	[spmem:s14] =	stream.indirect.scatter.add.f32 [tilespmem:s18], [sflag:$0x1], $0x10, s2, s26, $0xb8;
	[tilespmem:$0x11E00] =	vst v63  }
0x128: {  	s20 =	simm.s32 $0xC980  }
0x129: {  	[spmem:s14] =	stream.indirect.scatter.add.f32 [tilespmem:s18], [sflag:$0x1], $0x10, s20, s26, $0xb8;
	[tilespmem:$0x11E00] =	vst v63  }
0x12a: {  	s23 =	simm.s32 $0xCA00  }
0x12b: {  	[spmem:s14] =	stream.indirect.scatter.add.f32 [tilespmem:s18], [sflag:$0x1], $0x10, s23, s26, $0xb8;
	[tilespmem:$0x11E00] =	vst v63  }
0x12c: {  	_ =	swait.ge [sflag:s28], $0x800  }
0x12d: {  	[sflag:s28] =	ssyncset.done $0x0  }
0x12e: {  	[sflag:s28] =	ssyncadd.s32 $0xFFFFF800  }
0x12f: {  	_ =	swait.ge [sflag:s28], $0x800  }
0x130: {  	[sflag:s28] =	ssyncset.done $0x0  }
0x131: {  	[sflag:s28] =	ssyncadd.s32 $0xFFFFF800  }
0x132: {  	_ =	swait.ge [sflag:s28], $0x800  }
0x133: {  	[sflag:s28] =	ssyncset.done $0x0  }
0x134: {  	[sflag:s28] =	ssyncadd.s32 $0xFFFFF800  }
0x135: {  	_ =	swait.ge [sflag:s28], $0x800  }
0x136: {  	[sflag:s28] =	ssyncset.done $0x0  }
0x137: {  	[sflag:s28] =	ssyncadd.s32 $0xFFFFF800  }
0x138: {  	_ =	swait.ge [sflag:s28], $0x800  }
0x139: {  	[sflag:s28] =	ssyncset.done $0x0  }
0x13a: {  	[sflag:s28] =	ssyncadd.s32 $0xFFFFF800  }
0x13b: {  	_ =	swait.ge [sflag:s28], $0x800  }
0x13c: {  	[sflag:s28] =	ssyncset.done $0x0  }
0x13d: {  	p1 =	por $0x1, $0x1;
	[sflag:s28] =	ssyncadd.s32 $0xFFFFF800  }
.Ltmp5:
0x13e: {  	_ =	swait.ge [sflag:s28], $0x800;
	(pc) =	sbr.rel @!p1 .LBB2_9-.Ltmp5, $4  }
0x13f: {  	[sflag:s28] =	ssyncset.done $0x0  }
0x140: {  	[sflag:s28] =	ssyncadd.s32 $0xFFFFF800  }
0x141: {  	s31 =	simm.s32 $0x400;
	_ =	swait.ge [sflag:s28], $0x800  }
0x142: {  	p0 =	por $0x1, $0x1;
	s2 =	simm.s32 $0x2000;
	[sflag:s28] =	ssyncset.done $0x0  }
.LBB2_8:
0x143: {  	s20 =	sadd.s32 $0xC680, s31  }
0x144: {  	[sflag:s28] =	ssyncadd.s32 $0xFFFFF800;
	s0 =	smov.u32 s2;
	s1 =	sadd.s32 $0x1000, s2  }
0x145: {  	[spmem:s14] =	stream.indirect.scatter.add.f32 [tilespmem:s18], [sflag:$0x1], $0x10, s20, s26, $0xb8;
	[tilespmem:$0x11E00] =	vst v63  }
0x146: {  	p1 =	sne.s32 s2, $0x9000;
	s2 =	sadd.s32 $0xC700, s31  }
0x147: {  	[spmem:s14] =	stream.indirect.scatter.add.f32 [tilespmem:s18], [sflag:$0x1], $0x10, s2, s26, $0xb8;
	[tilespmem:$0x11E00] =	vst v63  }
0x148: {  	s2 =	sadd.s32 $0xC780, s31  }
0x149: {  	[spmem:s14] =	stream.indirect.scatter.add.f32 [tilespmem:s18], [sflag:$0x1], $0x10, s2, s26, $0xb8;
	[tilespmem:$0x11E00] =	vst v63  }
0x14a: {  	s2 =	sadd.s32 $0xC800, s31  }
0x14b: {  	[spmem:s14] =	stream.indirect.scatter.add.f32 [tilespmem:s18], [sflag:$0x1], $0x10, s2, s26, $0xb8;
	[tilespmem:$0x11E00] =	vst v63  }
0x14c: {  	s2 =	sadd.s32 $0xC880, s31  }
0x14d: {  	[spmem:s14] =	stream.indirect.scatter.add.f32 [tilespmem:s18], [sflag:$0x1], $0x10, s2, s26, $0xb8;
	[tilespmem:$0x11E00] =	vst v63  }
0x14e: {  	s2 =	sadd.s32 $0xC900, s31  }
0x14f: {  	[spmem:s14] =	stream.indirect.scatter.add.f32 [tilespmem:s18], [sflag:$0x1], $0x10, s2, s26, $0xb8;
	[tilespmem:$0x11E00] =	vst v63  }
0x150: {  	s2 =	sadd.s32 $0xC980, s31  }
0x151: {  	[spmem:s14] =	stream.indirect.scatter.add.f32 [tilespmem:s18], [sflag:$0x1], $0x10, s2, s26, $0xb8;
	[tilespmem:$0x11E00] =	vst v63  }
0x152: {  	s2 =	sadd.s32 $0xCA00, s31  }
0x153: {  	[spmem:s14] =	stream.indirect.scatter.add.f32 [tilespmem:s18], [sflag:$0x1], $0x10, s2, s26, $0xb8;
	[tilespmem:$0x11E00] =	vst v63  }
0x154: {  	_ =	swait.ge [sflag:s28], $0x800  }
0x155: {  	[sflag:s28] =	ssyncset.done $0x0  }
0x156: {  	[sflag:s28] =	ssyncadd.s32 $0xFFFFF800  }
0x157: {  	_ =	swait.ge [sflag:s28], $0x800  }
0x158: {  	[sflag:s28] =	ssyncset.done $0x0  }
0x159: {  	[sflag:s28] =	ssyncadd.s32 $0xFFFFF800  }
0x15a: {  	_ =	swait.ge [sflag:s28], $0x800  }
0x15b: {  	[sflag:s28] =	ssyncset.done $0x0  }
0x15c: {  	[sflag:s28] =	ssyncadd.s32 $0xFFFFF800  }
0x15d: {  	_ =	swait.ge [sflag:s28], $0x800  }
0x15e: {  	[sflag:s28] =	ssyncset.done $0x0  }
0x15f: {  	[sflag:s28] =	ssyncadd.s32 $0xFFFFF800  }
0x160: {  	_ =	swait.ge [sflag:s28], $0x800  }
0x161: {  	[sflag:s28] =	ssyncset.done $0x0  }
0x162: {  	[sflag:s28] =	ssyncadd.s32 $0xFFFFF800  }
0x163: {  	_ =	swait.ge [sflag:s28], $0x800  }
0x164: {  	[sflag:s28] =	ssyncset.done $0x0  }
0x165: {  	[sflag:s28] =	ssyncadd.s32 $0xFFFFF800  }
.Ltmp6:
0x166: {  	_ =	swait.ge [sflag:s28], $0x800;
	(pc) =	sbr.rel @p1 .LBB2_8-.Ltmp6, $4  }
0x167: {  	[sflag:s28] =	ssyncset.done $0x0  }
0x168: {  	[sflag:s28] =	ssyncadd.s32 $0xFFFFF800  }
0x169: {  	_ =	swait.ge [sflag:s28], $0x800  }
0x16a: {  	s31 =	sshra.s32 s0, $0x2;
	s2 =	smov.u32 s1;
	[sflag:s28] =	ssyncset.done $0x0  }
.LBB2_9:
0x16b: {  	s0 =	sadd.s32 $0xC680, s31;
	[sflag:s28] =	ssyncadd.s32 @p0 $0xFFFFF800  }
0x16c: {  	[spmem:s14] =	stream.indirect.scatter.add.f32 [tilespmem:s18], [sflag:$0x1], $0x10, s0, s26, $0xb8;
	[tilespmem:$0x11E00] =	vst v63  }
0x16d: {  	s20 =	sadd.s32 $0xC700, s31  }
0x16e: {  	[spmem:s14] =	stream.indirect.scatter.add.f32 [tilespmem:s18], [sflag:$0x1], $0x10, s20, s26, $0xb8;
	[tilespmem:$0x11E00] =	vst v63  }
0x16f: {  	s23 =	sadd.s32 $0xC780, s31  }
0x170: {  	[spmem:s14] =	stream.indirect.scatter.add.f32 [tilespmem:s18], [sflag:$0x1], $0x10, s23, s26, $0xb8;
	[tilespmem:$0x11E00] =	vst v63  }
0x171: {  	s1 =	sadd.s32 $0xC800, s31  }
0x172: {  	[spmem:s14] =	stream.indirect.scatter.add.f32 [tilespmem:s18], [sflag:$0x1], $0x10, s1, s26, $0xb8;
	[tilespmem:$0x11E00] =	vst v63  }
0x173: {  	s2 =	sadd.s32 $0xC880, s31  }
0x174: {  	[spmem:s14] =	stream.indirect.scatter.add.f32 [tilespmem:s18], [sflag:$0x1], $0x10, s2, s26, $0xb8;
	[tilespmem:$0x11E00] =	vst v63  }
0x175: {  	s20 =	sadd.s32 $0xC900, s31  }
0x176: {  	[spmem:s14] =	stream.indirect.scatter.add.f32 [tilespmem:s18], [sflag:$0x1], $0x10, s20, s26, $0xb8;
	[tilespmem:$0x11E00] =	vst v63  }
0x177: {  	s23 =	sadd.s32 $0xC980, s31  }
0x178: {  	[spmem:s14] =	stream.indirect.scatter.add.f32 [tilespmem:s18], [sflag:$0x1], $0x10, s23, s26, $0xb8;
	[tilespmem:$0x11E00] =	vst v63  }
0x179: {  	s31 =	sadd.s32 $0xCA00, s31  }
0x17a: {  	[spmem:s14] =	stream.indirect.scatter.add.f32 [tilespmem:s18], [sflag:$0x1], $0x10, s31, s26, $0xb8;
	[tilespmem:$0x11E00] =	vst v63  }
0x17b: {  	_ =	swait.ge [sflag:s28], $0x800  }
0x17c: {  	[sflag:s28] =	ssyncset.done $0x0  }
0x17d: {  	[sflag:s28] =	ssyncadd.s32 $0xFFFFF800  }
0x17e: {  	_ =	swait.ge [sflag:s28], $0x800  }
0x17f: {  	[sflag:s28] =	ssyncset.done $0x0  }
0x180: {  	[sflag:s28] =	ssyncadd.s32 $0xFFFFF800  }
0x181: {  	_ =	swait.ge [sflag:s28], $0x800  }
0x182: {  	[sflag:s28] =	ssyncset.done $0x0  }
0x183: {  	[sflag:s28] =	ssyncadd.s32 $0xFFFFF800  }
0x184: {  	_ =	swait.ge [sflag:s28], $0x800  }
0x185: {  	[sflag:s28] =	ssyncset.done $0x0  }
0x186: {  	[sflag:s28] =	ssyncadd.s32 $0xFFFFF800  }
0x187: {  	_ =	swait.ge [sflag:s28], $0x800  }
0x188: {  	[sflag:s28] =	ssyncset.done $0x0  }
0x189: {  	[sflag:s28] =	ssyncadd.s32 $0xFFFFF800  }
0x18a: {  	_ =	swait.ge [sflag:s28], $0x800  }
0x18b: {  	[sflag:s28] =	ssyncset.done $0x0  }
0x18c: {  	[sflag:s28] =	ssyncadd.s32 $0xFFFFF800  }
0x18d: {  	_ =	swait.ge [sflag:s28], $0x800  }
0x18e: {  	[sflag:s28] =	ssyncset.done $0x0  }
0x18f: {  	[sflag:s28] =	ssyncadd.s32 $0xFFFFF800  }
0x190: {  	_ =	swait.ge [sflag:s28], $0x800  }
0x191: {  	[sflag:s28] =	ssyncset.done $0x0  }
0x192: {  	[sflag:s28] =	ssyncadd.s32 $0xFFFFF800  }
0x193: {  	[bflag:$0x0] =	sbarrier.arrive $0xFFFF  }
0x194: {  	[tilespmem:s29], [sflag:$0x2] =	stream.linear.gather [spmem:s5], $0x2780, $0x38;
	[tilespmem:$0x11E00] =	vst v63  }
0x195: {  	_ =	swait.ge [sflag:s19], $0x2780  }
0x196: {  	[sflag:s19] =	ssyncset.done $0x0  }
0x197: {  	[sflag:s19] =	ssyncadd.s32 $0xFFFFD880  }
0x198: {  	[hbm4b:s15+s4] =	stream.linear.scatter [tilespmem:s29], [sflag:$0x2], $0x2780, $0x38;
	[tilespmem:$0x11E00] =	vst v63  }
0x199: {  	_ =	swait.ge [sflag:s19], $0x2780  }
0x19a: {  	[sflag:s19] =	ssyncset.done $0x0  }
0x19b: {  	[sflag:s19] =	ssyncadd.s32 $0xFFFFD880  }
0x19c: {  	[tilespmem:s29], [sflag:$0x2] =	stream.linear.gather [spmem:s10], $0x2780, $0x38;
	[tilespmem:$0x11E00] =	vst v63  }
0x19d: {  	_ =	swait.ge [sflag:s19], $0x2780  }
0x19e: {  	[sflag:s19] =	ssyncset.done $0x0  }
0x19f: {  	[sflag:s19] =	ssyncadd.s32 $0xFFFFD880  }
0x1a0: {  	[hbm4b:s16+s4] =	stream.linear.scatter [tilespmem:s29], [sflag:$0x2], $0x2780, $0x38;
	[tilespmem:$0x11E00] =	vst v63  }
0x1a1: {  	_ =	swait.ge [sflag:s19], $0x2780  }
0x1a2: {  	[sflag:s19] =	ssyncset.done $0x0  }
0x1a3: {  	[sflag:s19] =	ssyncadd.s32 $0xFFFFD880  }
0x1a4: {  	[tilespmem:s29], [sflag:$0x2] =	stream.linear.gather [spmem:s12], $0x2780, $0x38;
	[tilespmem:$0x11E00] =	vst v63  }
0x1a5: {  	s30 =	sadd.s32 $0x1, s30;
	_ =	swait.ge [sflag:s19], $0x2780  }
0x1a6: {  	p0 =	sne.s32 s30, s7;
	[sflag:s19] =	ssyncset.done $0x0  }
.Ltmp7:
0x1a7: {  	[sflag:s19] =	ssyncadd.s32 $0xFFFFD880;
	(pc) =	sbr.rel @p0 .LBB2_1-.Ltmp7, $4  }
0x1a8: {  	[hbm4b:s17+s4] =	stream.linear.scatter [tilespmem:s29], [sflag:$0x2], $0x2780, $0x38;
	[tilespmem:$0x11E00] =	vst v63  }
0x1a9: {  	_ =	swait.ge [sflag:s19], $0x2780  }
0x1aa: {  	[sflag:s19] =	ssyncset.done $0x0  }
0x1ab: {  	[sflag:s19] =	ssyncadd.s32 $0xFFFFD880  }
0x1ac: {  	_ =	sfence.sel $0x180000  }
0x1ad: {  	[bflag:$0x0] =	sbarrier.arrive $0xFFFF  }
0x1ae: {  	_ =	strace $0x90000047  }
0x1af: {  	s0 =	stileid.u32;
	[bflag:$0x2] =	sbarrier.arrive $0xFFFF  }
0x1b0: {  	p0 =	sne.s32 s0, $0x0;
	s0 =	rddreg [dreg:$0x3]  }
0x1b1: {  	s0 =	sadd.s32 @!p0 $0x100000, s0  }
0x1b2: {  	[sflag:s0] =	ssyncadd.tile.s32 @!p0 $0x1;
	_ =	shalt  }
.Lfunc_end2:
_tile_overlayer_lowered:
.L_overlay_start_2:
0x1b3: {  	(tag) =	ssettag $0x2  }
0x1b4: {  	s0 =	rddreg [dreg:$0x0];
	s2 =	stileid.u32  }
0x1b5: {  	s1 =	rddreg [dreg:$0x1];
	p0 =	sne.s32 s2, $0x0  }
0x1b6: {  	s3 =	rddreg [dreg:$0x2];
	[bflag:$0x3] =	sbarrier.arrive $0xFFFF;
	s2 =	simm.s32 @!p0 $0x1C02  }
0x1b7: {  	[timem:s3], [sflag:s2] =	dma.local @!p0 [hbm:s0], s1  }
0x1b8: {  	s0 =	simm.s32 @!p0 $0x2  }
0x1b9: {  	_ =	swait.ge @!p0 [sflag:s0], s1  }
0x1ba: {  	s1 =	ssub.s32 @!p0 $0x0, s1;
	[sflag:s0] =	ssyncset.done @!p0 $0x0  }
0x1bb: {  	[sflag:s0] =	ssyncadd.s32 @!p0 s1  }
0x1bc: {  	[bflag:$0x3] =	sbarrier.arrive $0xFFFF  }
0x1bd: {  	_ =	shalt  }

</sc_bundles>
